<compile_context>
chip_gen: v7x
topology: tpu7x:2x2x1
jax: 0.10.2.dev20260603
libtpu: 0.0.44.dev20260713+nightly
codegen_flags: <defaults>
</compile_context>

<pallas_src>
import functools

import jax
import jax.numpy as jnp
from jax import lax
from jax.experimental import pallas as pl
from jax.experimental.pallas import tpu as pltpu
from jax.experimental.pallas import tpu_sc as plsc

N = 10000
E = 320000
D = 128
G = 64
EPS = 1e-5

NTEC = 32
CHUNK = 128
CH = 79
E_PAD = NTEC * CH * CHUNK
N_PAD = 10240
ROWS_PER_TILE = N_PAD // 16
RSQ = 1.0 / (1.0 + EPS) ** 0.5


def _fill(ref, val):
    v = jnp.full((16,), val, jnp.float32)

    def fl(r, _):
        for cc in range(D // 16):
            ref[r, pl.ds(cc * 16, 16)] = v
        return 0

    lax.fori_loop(0, CHUNK, fl, 0)


def _make_agg(with_gather: bool):
    mesh = plsc.VectorSubcoreMesh(core_axis_name="c", subcore_axis_name="s")

    scratch = [
        pltpu.VMEM((CH, CHUNK), jnp.int32),
        pltpu.VMEM((CH, CHUNK), jnp.int32),
        pltpu.VMEM((CHUNK, D), jnp.float32),
        pltpu.VMEM_SHARED((N_PAD, D), jnp.float32),
        pltpu.SemaphoreType.DMA,
    ]

    def body(h_hbm, srcs_hbm, dsts_hbm, out_hbm, src_v, dst_v, rows_v,
             acc_sh, sem):
        c = lax.axis_index("c")
        s = lax.axis_index("s")
        w = s * 2 + c

        _fill(rows_v, 0.0)
        base = s * ROWS_PER_TILE
        for k in range(ROWS_PER_TILE // CHUNK):
            pltpu.sync_copy(rows_v, acc_sh.at[pl.ds(base + k * CHUNK, CHUNK)])
        plsc.subcore_barrier()

        if with_gather:
            pltpu.sync_copy(srcs_hbm.at[w], src_v)
        else:
            _fill(rows_v, 1.0)
        pltpu.sync_copy(dsts_hbm.at[w], dst_v)

        def step(j, _):
            if with_gather:
                pltpu.async_copy(h_hbm.at[src_v.at[j]], rows_v, sem).wait()
            pltpu.sync_copy(rows_v, acc_sh.at[dst_v.at[j]], add=True)
            return 0

        lax.fori_loop(0, CH, step, 0)
        plsc.subcore_barrier()

        for k in range(ROWS_PER_TILE // CHUNK):
            pltpu.sync_copy(
                acc_sh.at[pl.ds(base + k * CHUNK, CHUNK)],
                out_hbm.at[c, pl.ds(base + k * CHUNK, CHUNK)],
            )

    return pl.kernel(
        body,
        mesh=mesh,
        out_type=jax.ShapeDtypeStruct((2, N_PAD, D), jnp.float32),
        scratch_types=scratch,
    )


_agg = _make_agg(True)
_deg_call = _make_agg(False)


def _layer_body(p_ref, d_ref, h_ref, wl_ref, wr_ref, bl_ref, g_ref, bt_ref,
                o_ref):
    agg = p_ref[0] + p_ref[1]
    deg = d_ref[0, :, 0:1] + d_ref[1, :, 0:1]
    dinv = 1.0 / jnp.maximum(deg, 1.0)
    mean = agg * dinv
    y = (jnp.dot(mean, wl_ref[...], preferred_element_type=jnp.float32)
         + jnp.dot(h_ref[...], wr_ref[...], preferred_element_type=jnp.float32)
         + bl_ref[...])
    y = y * (g_ref[...] * RSQ) + bt_ref[...]
    o_ref[...] = jnp.maximum(y, 0.0)


BLK = 512

_layer_call = pl.pallas_call(
    _layer_body,
    grid=(N_PAD // BLK,),
    in_specs=[
        pl.BlockSpec((2, BLK, D), lambda i: (0, i, 0)),
        pl.BlockSpec((2, BLK, D), lambda i: (0, i, 0)),
        pl.BlockSpec((BLK, D), lambda i: (i, 0)),
        pl.BlockSpec((D, D), lambda i: (0, 0)),
        pl.BlockSpec((D, D), lambda i: (0, 0)),
        pl.BlockSpec((1, D), lambda i: (0, 0)),
        pl.BlockSpec((1, D), lambda i: (0, 0)),
        pl.BlockSpec((1, D), lambda i: (0, 0)),
    ],
    out_specs=pl.BlockSpec((BLK, D), lambda i: (i, 0)),
    out_shape=jax.ShapeDtypeStruct((N_PAD, D), jnp.float32),
)


def _pool_body(h_ref, b_ref, wp1_ref, bp1_ref, wp2_ref, bp2_ref, o_ref,
               pooled, cnt):
    i = pl.program_id(0)

    @pl.when(i == 0)
    def _():
        pooled[...] = jnp.zeros_like(pooled)
        cnt[...] = jnp.zeros_like(cnt)

    bvals = b_ref[...]
    gids = lax.broadcasted_iota(jnp.int32, (BLK, G), 1)
    oh = (bvals == gids).astype(jnp.float32)
    dn = (((0,), (0,)), ((), ()))
    pooled[...] += lax.dot_general(oh, h_ref[...], dn,
                                   preferred_element_type=jnp.float32)
    cnt[...] += lax.dot_general(oh, jnp.ones((BLK, D), jnp.float32), dn,
                                preferred_element_type=jnp.float32)

    @pl.when(i == pl.num_programs(0) - 1)
    def _():
        pm = pooled[...] / jnp.maximum(cnt[...], 1.0)
        t = jnp.maximum(
            jnp.dot(pm, wp1_ref[...], preferred_element_type=jnp.float32)
            + bp1_ref[...], 0.0)
        z = (jnp.dot(t, wp2_ref[...], preferred_element_type=jnp.float32)
             + bp2_ref[...])
        ss = jnp.sum(z * z, axis=1, keepdims=True)
        nrm = jnp.maximum(jnp.sqrt(ss), 1e-12)
        o_ref[...] = z / nrm


_pool_call = pl.pallas_call(
    _pool_body,
    grid=(N_PAD // BLK,),
    in_specs=[
        pl.BlockSpec((BLK, D), lambda i: (i, 0)),
        pl.BlockSpec((BLK, 1), lambda i: (i, 0)),
        pl.BlockSpec((D, D), lambda i: (0, 0)),
        pl.BlockSpec((1, D), lambda i: (0, 0)),
        pl.BlockSpec((D, D), lambda i: (0, 0)),
        pl.BlockSpec((1, D), lambda i: (0, 0)),
    ],
    out_specs=pl.BlockSpec((G, D), lambda i: (0, 0)),
    out_shape=jax.ShapeDtypeStruct((G, D), jnp.float32),
    scratch_shapes=[
        pltpu.VMEM((G, D), jnp.float32),
        pltpu.VMEM((G, D), jnp.float32),
    ],
)


def kernel(x, edge_index, batch, Wl_0, bl_0, Wr_0, g_0, bt_0, Wl_1, bl_1,
           Wr_1, g_1, bt_1, Wl_2, bl_2, Wr_2, g_2, bt_2, Wl_3, bl_3, Wr_3,
           g_3, bt_3, Wp1, bp1, Wp2, bp2):
    xp = jnp.pad(x, ((0, N_PAD - N), (0, 0)))
    src = jnp.concatenate(
        [edge_index[0], jnp.zeros((E_PAD - E,), jnp.int32)])
    dst = jnp.concatenate(
        [edge_index[1], jnp.full((E_PAD - E,), N, jnp.int32)])
    srcs = src.reshape(NTEC, CH, CHUNK)
    dsts = dst.reshape(NTEC, CH, CHUNK)
    bp = jnp.pad(batch, (0, N_PAD - N), constant_values=G).reshape(N_PAD, 1)

    layers = [
        (Wl_0, bl_0, Wr_0, g_0, bt_0),
        (Wl_1, bl_1, Wr_1, g_1, bt_1),
        (Wl_2, bl_2, Wr_2, g_2, bt_2),
        (Wl_3, bl_3, Wr_3, g_3, bt_3),
    ]

    h = xp
    deg = _deg_call(xp, srcs, dsts)
    for li, (Wl, bl, Wr, g, bt) in enumerate(layers):
        p = _agg(h, srcs, dsts)
        h = _layer_call(p, deg, h, Wl, Wr, bl.reshape(1, D),
                        g.reshape(1, D), bt.reshape(1, D))

    return _pool_call(h, bp, Wp1, bp1.reshape(1, D), Wp2,
                      bp2.reshape(1, 128))

# --- scband reference (transcript-rebuilt; emitter-appended) ---
"""Pipeline reference for scband-graph-contrastive-encoder-38165079392646 (READ-ONLY COPY).

The authoritative reference and input builder live on the scoring server;
editing this copy changes nothing except your own understanding.
"""

import jax, jax.numpy as jnp
import numpy as np

N = 10000
E = 320000
D = 128
H = 128
P = 128
L = 4
G = 64
EPS = 1e-5


def setup_inputs(seed: int = 0) -> dict:
    key = jax.random.key(seed)
    ks = jax.random.split(key, 20)
    inp = {}
    inp["x"] = jax.random.normal(ks[0], (N, D), dtype=jnp.float32)
    inp["edge_index"] = jax.random.randint(ks[1], (2, E), 0, N, dtype=jnp.int32)
    inp["batch"] = jnp.sort(jax.random.randint(ks[2], (N,), 0, G, dtype=jnp.int32))
    in_ch = D
    for i in range(L):
        inp[f"Wl_{i}"] = jax.random.normal(ks[3 + 3 * i], (in_ch, H), dtype=jnp.float32) * 0.05
        inp[f"bl_{i}"] = jnp.zeros((H,), dtype=jnp.float32)
        inp[f"Wr_{i}"] = jax.random.normal(ks[4 + 3 * i], (in_ch, H), dtype=jnp.float32) * 0.05
        inp[f"g_{i}"] = jnp.ones((H,), dtype=jnp.float32)
        inp[f"bt_{i}"] = jnp.zeros((H,), dtype=jnp.float32)
        in_ch = H
    inp["Wp1"] = jax.random.normal(ks[3 + 3 * L], (H, H), dtype=jnp.float32) * 0.05
    inp["bp1"] = jnp.zeros((H,), dtype=jnp.float32)
    inp["Wp2"] = jax.random.normal(ks[4 + 3 * L], (H, P), dtype=jnp.float32) * 0.05
    inp["bp2"] = jnp.zeros((P,), dtype=jnp.float32)
    return inp


def _sage(h, src, dst, Wl, bl, Wr):
    # SAGEConv with mean aggregation: out = lin_l(mean_{j->i} x_j) + lin_r(x_i)
    msgs = jnp.take(h, src, axis=0)
    agg = jax.ops.segment_sum(msgs, dst, num_segments=N)
    deg = jax.ops.segment_sum(jnp.ones((src.shape[0],), dtype=h.dtype), dst, num_segments=N)
    agg = agg / jnp.maximum(deg, 1.0)[:, None]
    return agg @ Wl + bl + h @ Wr


def _bn_eval(h, gamma, beta):
    # BatchNorm1d eval mode with running_mean=0, running_var=1
    return h / jnp.sqrt(1.0 + EPS) * gamma + beta


def reference(x, edge_index, batch, Wl_0, bl_0, Wr_0, g_0, bt_0, Wl_1, bl_1, Wr_1, g_1, bt_1, Wl_2, bl_2, Wr_2, g_2, bt_2, Wl_3, bl_3, Wr_3, g_3, bt_3, Wp1, bp1, Wp2, bp2):
    src = edge_index[0]
    dst = edge_index[1]
    layers = [
        (Wl_0, bl_0, Wr_0, g_0, bt_0),
        (Wl_1, bl_1, Wr_1, g_1, bt_1),
        (Wl_2, bl_2, Wr_2, g_2, bt_2),
        (Wl_3, bl_3, Wr_3, g_3, bt_3),
    ]
    h = x
    for Wl, bl, Wr, g, bt in layers:
        h = _sage(h, src, dst, Wl, bl, Wr)
        h = _bn_eval(h, g, bt)
        h = jax.nn.relu(h)
        # dropout is identity in eval mode
    pooled = jax.ops.segment_sum(h, batch, num_segments=G)
    cnt = jax.ops.segment_sum(jnp.ones((N,), dtype=h.dtype), batch, num_segments=G)
    pooled = pooled / jnp.maximum(cnt, 1.0)[:, None]
    z = jax.nn.relu(pooled @ Wp1 + bp1) @ Wp2 + bp2
    nrm = jnp.maximum(jnp.linalg.norm(z, axis=1, keepdims=True), 1e-12)
    return z / nrm

if __name__ == "__main__":
    import jax
    _d = setup_inputs()
    print(jax.jit(kernel)(*tuple(_d.values())))

</pallas_src>

<mosaic_0001>
#map = affine_map<(d0, d1) -> (0, 0)>
#map1 = affine_map<(d0, d1) -> (0, 0, 0)>
module attributes {stable_mosaic.version = 14 : i64} {
  func.func @body(%arg0: i32, %arg1: i32, %arg2: memref<10240x128xf32, #tpu.memory_space<hbm>>, %arg3: memref<32x79x128xi32, #tpu.memory_space<hbm>>, %arg4: memref<32x79x128xi32, #tpu.memory_space<hbm>>, %arg5: memref<2x10240x128xf32, #tpu.memory_space<hbm>>, %arg6: memref<79x128xi32, #tpu.memory_space<vmem>>, %arg7: memref<79x128xi32, #tpu.memory_space<vmem>>, %arg8: memref<128x128xf32, #tpu.memory_space<vmem>>, %arg9: memref<10240x128xf32, #tpu.memory_space<vmem_shared>>, %arg10: memref<!tpu.dma_semaphore, #tpu.memory_space<semaphore_mem>>) attributes {dimension_semantics = [#tpu.dimension_semantics<core_parallel>, #tpu.dimension_semantics<subcore_parallel>], iteration_bounds = array<i64: 2, 16>, scalar_prefetch = 0 : i64, scratch_operands = 5 : i64, tpu.core_type = #tpu.core_type<sc_vector_subcore>, window_params = [{transform_indices = #map}, {transform_indices = #map1}, {transform_indices = #map1}, {transform_indices = #map1}]} {
    %mul3A = arith.constant 2 : i32
    %mul3A_0 = arith.muli %arg1, %mul3A : i32
    %add3A = arith.addi %mul3A_0, %arg0 : i32
    %broadcast_in_dim3A = arith.constant 0.000000e+00 : f32
    %broadcast_in_dim3A_1 = vector.broadcast %broadcast_in_dim3A : f32 to vector<16xf32>
    %scan3A = arith.constant 0 : i32
    %scan3A_2 = arith.constant 0 : i32
    %scan3A_3 = arith.constant 128 : i32
    %scan3A_4 = arith.addi %scan3A_2, %scan3A_3 : i32
    %scan3A_5 = arith.constant 1 : i32
    %scan3A_6 = scf.for %scan3A_48 = %scan3A_2 to %scan3A_4 step %scan3A_5 iter_args(%scan3A_49 = %scan3A) -> (i32)  : i32 {
      %swap3A = arith.index_cast %scan3A_48 : i32 to index
      %swap3A_50 = arith.constant 0 : index
      %swap3A_51 = tpu.vector_load %arg8[%swap3A, %swap3A_50] {strides = array<i32>} : memref<128x128xf32, #tpu.memory_space<vmem>>, vector<1x16xf32>,
      %swap3A_52 = vector.shape_cast %swap3A_51 : vector<1x16xf32> to vector<16xf32>
      %swap3A_53 = vector.shape_cast %broadcast_in_dim3A_1 : vector<16xf32> to vector<1x16xf32>
      tpu.vector_store %arg8[%swap3A, %swap3A_50], %swap3A_53 {strides = array<i32>} : memref<128x128xf32, #tpu.memory_space<vmem>>, vector<1x16xf32>,
      %swap3A_54 = arith.index_cast %scan3A_48 : i32 to index
      %swap3A_55 = arith.constant 16 : index
      %swap3A_56 = tpu.vector_load %arg8[%swap3A_54, %swap3A_55] {strides = array<i32>} : memref<128x128xf32, #tpu.memory_space<vmem>>, vector<1x16xf32>,
      %swap3A_57 = vector.shape_cast %swap3A_56 : vector<1x16xf32> to vector<16xf32>
      %swap3A_58 = vector.shape_cast %broadcast_in_dim3A_1 : vector<16xf32> to vector<1x16xf32>
      tpu.vector_store %arg8[%swap3A_54, %swap3A_55], %swap3A_58 {strides = array<i32>} : memref<128x128xf32, #tpu.memory_space<vmem>>, vector<1x16xf32>,
      %swap3A_59 = arith.index_cast %scan3A_48 : i32 to index
      %swap3A_60 = arith.constant 32 : index
      %swap3A_61 = tpu.vector_load %arg8[%swap3A_59, %swap3A_60] {strides = array<i32>} : memref<128x128xf32, #tpu.memory_space<vmem>>, vector<1x16xf32>,
      %swap3A_62 = vector.shape_cast %swap3A_61 : vector<1x16xf32> to vector<16xf32>
      %swap3A_63 = vector.shape_cast %broadcast_in_dim3A_1 : vector<16xf32> to vector<1x16xf32>
      tpu.vector_store %arg8[%swap3A_59, %swap3A_60], %swap3A_63 {strides = array<i32>} : memref<128x128xf32, #tpu.memory_space<vmem>>, vector<1x16xf32>,
      %swap3A_64 = arith.index_cast %scan3A_48 : i32 to index
      %swap3A_65 = arith.constant 48 : index
      %swap3A_66 = tpu.vector_load %arg8[%swap3A_64, %swap3A_65] {strides = array<i32>} : memref<128x128xf32, #tpu.memory_space<vmem>>, vector<1x16xf32>,
      %swap3A_67 = vector.shape_cast %swap3A_66 : vector<1x16xf32> to vector<16xf32>
      %swap3A_68 = vector.shape_cast %broadcast_in_dim3A_1 : vector<16xf32> to vector<1x16xf32>
      tpu.vector_store %arg8[%swap3A_64, %swap3A_65], %swap3A_68 {strides = array<i32>} : memref<128x128xf32, #tpu.memory_space<vmem>>, vector<1x16xf32>,
      %swap3A_69 = arith.index_cast %scan3A_48 : i32 to index
      %swap3A_70 = arith.constant 64 : index
      %swap3A_71 = tpu.vector_load %arg8[%swap3A_69, %swap3A_70] {strides = array<i32>} : memref<128x128xf32, #tpu.memory_space<vmem>>, vector<1x16xf32>,
      %swap3A_72 = vector.shape_cast %swap3A_71 : vector<1x16xf32> to vector<16xf32>
      %swap3A_73 = vector.shape_cast %broadcast_in_dim3A_1 : vector<16xf32> to vector<1x16xf32>
      tpu.vector_store %arg8[%swap3A_69, %swap3A_70], %swap3A_73 {strides = array<i32>} : memref<128x128xf32, #tpu.memory_space<vmem>>, vector<1x16xf32>,
      %swap3A_74 = arith.index_cast %scan3A_48 : i32 to index
      %swap3A_75 = arith.constant 80 : index
      %swap3A_76 = tpu.vector_load %arg8[%swap3A_74, %swap3A_75] {strides = array<i32>} : memref<128x128xf32, #tpu.memory_space<vmem>>, vector<1x16xf32>,
      %swap3A_77 = vector.shape_cast %swap3A_76 : vector<1x16xf32> to vector<16xf32>
      %swap3A_78 = vector.shape_cast %broadcast_in_dim3A_1 : vector<16xf32> to vector<1x16xf32>
      tpu.vector_store %arg8[%swap3A_74, %swap3A_75], %swap3A_78 {strides = array<i32>} : memref<128x128xf32, #tpu.memory_space<vmem>>, vector<1x16xf32>,
      %swap3A_79 = arith.index_cast %scan3A_48 : i32 to index
      %swap3A_80 = arith.constant 96 : index
      %swap3A_81 = tpu.vector_load %arg8[%swap3A_79, %swap3A_80] {strides = array<i32>} : memref<128x128xf32, #tpu.memory_space<vmem>>, vector<1x16xf32>,
      %swap3A_82 = vector.shape_cast %swap3A_81 : vector<1x16xf32> to vector<16xf32>
      %swap3A_83 = vector.shape_cast %broadcast_in_dim3A_1 : vector<16xf32> to vector<1x16xf32>
      tpu.vector_store %arg8[%swap3A_79, %swap3A_80], %swap3A_83 {strides = array<i32>} : memref<128x128xf32, #tpu.memory_space<vmem>>, vector<1x16xf32>,
      %swap3A_84 = arith.index_cast %scan3A_48 : i32 to index
      %swap3A_85 = arith.constant 112 : index
      %swap3A_86 = tpu.vector_load %arg8[%swap3A_84, %swap3A_85] {strides = array<i32>} : memref<128x128xf32, #tpu.memory_space<vmem>>, vector<1x16xf32>,
      %swap3A_87 = vector.shape_cast %swap3A_86 : vector<1x16xf32> to vector<16xf32>
      %swap3A_88 = vector.shape_cast %broadcast_in_dim3A_1 : vector<16xf32> to vector<1x16xf32>
      tpu.vector_store %arg8[%swap3A_84, %swap3A_85], %swap3A_88 {strides = array<i32>} : memref<128x128xf32, #tpu.memory_space<vmem>>, vector<1x16xf32>,
      %scan3A_89 = arith.constant 0 : i32
      scf.yield %scan3A_89 : i32
    }
    %scan3A_7 = arith.constant 128 : i32
    %mul3A_8 = arith.constant 640 : i32
    %mul3A_9 = arith.muli %arg1, %mul3A_8 : i32
    %add3A_10 = arith.constant 0 : i32
    %add3A_11 = arith.addi %mul3A_9, %add3A_10 : i32
    "tpu.region"() ({
      %run_scoped3A = tpu.sem_alloc : memref<!tpu.dma_semaphore, #tpu.memory_space<semaphore_mem>>
      %dma_start3A = arith.constant 0 : i32
      %dma_start3A_48 = tpu.memref_slice %arg9[%add3A_11, %dma_start3A] : memref<10240x128xf32, #tpu.memory_space<vmem_shared>> -> memref<128x128xf32, #tpu.memory_space<vmem_shared>>
      %dma_start3A_49 = arith.constant 0 : i32
      %dma_start3A_50 = tpu.memref_slice %arg9[%add3A_11, %dma_start3A_49] : memref<10240x128xf32, #tpu.memory_space<vmem_shared>> -> memref<128x128xf32, #tpu.memory_space<vmem_shared>>
      tpu.enqueue_dma source(%arg8 : memref<128x128xf32, #tpu.memory_space<vmem>>) target(%dma_start3A_50 : memref<128x128xf32, #tpu.memory_space<vmem_shared>>) target_semaphore(%run_scoped3A : memref<!tpu.dma_semaphore, #tpu.memory_space<semaphore_mem>>)
      %dma_wait3A = arith.constant 0 : i32
      %dma_wait3A_51 = tpu.memref_slice %arg9[%add3A_11, %dma_wait3A] : memref<10240x128xf32, #tpu.memory_space<vmem_shared>> -> memref<128x128xf32, #tpu.memory_space<vmem_shared>>
      %dma_wait3A_52 = arith.constant 0 : i32
      %dma_wait3A_53 = tpu.memref_slice %arg9[%add3A_11, %dma_wait3A_52] : memref<10240x128xf32, #tpu.memory_space<vmem_shared>> -> memref<128x128xf32, #tpu.memory_space<vmem_shared>>
      tpu.wait_dma2 semaphore(%run_scoped3A : memref<!tpu.dma_semaphore, #tpu.memory_space<semaphore_mem>>) src(%arg8 : memref<128x128xf32, #tpu.memory_space<vmem>>) dst(%dma_wait3A_53 : memref<128x128xf32, #tpu.memory_space<vmem_shared>>)
      tpu.yield
    }) : () -> ()
    %add3A_12 = arith.constant 128 : i32
    %add3A_13 = arith.addi %mul3A_9, %add3A_12 : i32
    "tpu.region"() ({
      %run_scoped3A = tpu.sem_alloc : memref<!tpu.dma_semaphore, #tpu.memory_space<semaphore_mem>>
      %dma_start3A = arith.constant 0 : i32
      %dma_start3A_48 = tpu.memref_slice %arg9[%add3A_13, %dma_start3A] : memref<10240x128xf32, #tpu.memory_space<vmem_shared>> -> memref<128x128xf32, #tpu.memory_space<vmem_shared>>
      %dma_start3A_49 = arith.constant 0 : i32
      %dma_start3A_50 = tpu.memref_slice %arg9[%add3A_13, %dma_start3A_49] : memref<10240x128xf32, #tpu.memory_space<vmem_shared>> -> memref<128x128xf32, #tpu.memory_space<vmem_shared>>
      tpu.enqueue_dma source(%arg8 : memref<128x128xf32, #tpu.memory_space<vmem>>) target(%dma_start3A_50 : memref<128x128xf32, #tpu.memory_space<vmem_shared>>) target_semaphore(%run_scoped3A : memref<!tpu.dma_semaphore, #tpu.memory_space<semaphore_mem>>)
      %dma_wait3A = arith.constant 0 : i32
      %dma_wait3A_51 = tpu.memref_slice %arg9[%add3A_13, %dma_wait3A] : memref<10240x128xf32, #tpu.memory_space<vmem_shared>> -> memref<128x128xf32, #tpu.memory_space<vmem_shared>>
      %dma_wait3A_52 = arith.constant 0 : i32
      %dma_wait3A_53 = tpu.memref_slice %arg9[%add3A_13, %dma_wait3A_52] : memref<10240x128xf32, #tpu.memory_space<vmem_shared>> -> memref<128x128xf32, #tpu.memory_space<vmem_shared>>
      tpu.wait_dma2 semaphore(%run_scoped3A : memref<!tpu.dma_semaphore, #tpu.memory_space<semaphore_mem>>) src(%arg8 : memref<128x128xf32, #tpu.memory_space<vmem>>) dst(%dma_wait3A_53 : memref<128x128xf32, #tpu.memory_space<vmem_shared>>)
      tpu.yield
    }) : () -> ()
    %add3A_14 = arith.constant 256 : i32
    %add3A_15 = arith.addi %mul3A_9, %add3A_14 : i32
    "tpu.region"() ({
      %run_scoped3A = tpu.sem_alloc : memref<!tpu.dma_semaphore, #tpu.memory_space<semaphore_mem>>
      %dma_start3A = arith.constant 0 : i32
      %dma_start3A_48 = tpu.memref_slice %arg9[%add3A_15, %dma_start3A] : memref<10240x128xf32, #tpu.memory_space<vmem_shared>> -> memref<128x128xf32, #tpu.memory_space<vmem_shared>>
      %dma_start3A_49 = arith.constant 0 : i32
      %dma_start3A_50 = tpu.memref_slice %arg9[%add3A_15, %dma_start3A_49] : memref<10240x128xf32, #tpu.memory_space<vmem_shared>> -> memref<128x128xf32, #tpu.memory_space<vmem_shared>>
      tpu.enqueue_dma source(%arg8 : memref<128x128xf32, #tpu.memory_space<vmem>>) target(%dma_start3A_50 : memref<128x128xf32, #tpu.memory_space<vmem_shared>>) target_semaphore(%run_scoped3A : memref<!tpu.dma_semaphore, #tpu.memory_space<semaphore_mem>>)
      %dma_wait3A = arith.constant 0 : i32
      %dma_wait3A_51 = tpu.memref_slice %arg9[%add3A_15, %dma_wait3A] : memref<10240x128xf32, #tpu.memory_space<vmem_shared>> -> memref<128x128xf32, #tpu.memory_space<vmem_shared>>
      %dma_wait3A_52 = arith.constant 0 : i32
      %dma_wait3A_53 = tpu.memref_slice %arg9[%add3A_15, %dma_wait3A_52] : memref<10240x128xf32, #tpu.memory_space<vmem_shared>> -> memref<128x128xf32, #tpu.memory_space<vmem_shared>>
      tpu.wait_dma2 semaphore(%run_scoped3A : memref<!tpu.dma_semaphore, #tpu.memory_space<semaphore_mem>>) src(%arg8 : memref<128x128xf32, #tpu.memory_space<vmem>>) dst(%dma_wait3A_53 : memref<128x128xf32, #tpu.memory_space<vmem_shared>>)
      tpu.yield
    }) : () -> ()
    %add3A_16 = arith.constant 384 : i32
    %add3A_17 = arith.addi %mul3A_9, %add3A_16 : i32
    "tpu.region"() ({
      %run_scoped3A = tpu.sem_alloc : memref<!tpu.dma_semaphore, #tpu.memory_space<semaphore_mem>>
      %dma_start3A = arith.constant 0 : i32
      %dma_start3A_48 = tpu.memref_slice %arg9[%add3A_17, %dma_start3A] : memref<10240x128xf32, #tpu.memory_space<vmem_shared>> -> memref<128x128xf32, #tpu.memory_space<vmem_shared>>
      %dma_start3A_49 = arith.constant 0 : i32
      %dma_start3A_50 = tpu.memref_slice %arg9[%add3A_17, %dma_start3A_49] : memref<10240x128xf32, #tpu.memory_space<vmem_shared>> -> memref<128x128xf32, #tpu.memory_space<vmem_shared>>
      tpu.enqueue_dma source(%arg8 : memref<128x128xf32, #tpu.memory_space<vmem>>) target(%dma_start3A_50 : memref<128x128xf32, #tpu.memory_space<vmem_shared>>) target_semaphore(%run_scoped3A : memref<!tpu.dma_semaphore, #tpu.memory_space<semaphore_mem>>)
      %dma_wait3A = arith.constant 0 : i32
      %dma_wait3A_51 = tpu.memref_slice %arg9[%add3A_17, %dma_wait3A] : memref<10240x128xf32, #tpu.memory_space<vmem_shared>> -> memref<128x128xf32, #tpu.memory_space<vmem_shared>>
      %dma_wait3A_52 = arith.constant 0 : i32
      %dma_wait3A_53 = tpu.memref_slice %arg9[%add3A_17, %dma_wait3A_52] : memref<10240x128xf32, #tpu.memory_space<vmem_shared>> -> memref<128x128xf32, #tpu.memory_space<vmem_shared>>
      tpu.wait_dma2 semaphore(%run_scoped3A : memref<!tpu.dma_semaphore, #tpu.memory_space<semaphore_mem>>) src(%arg8 : memref<128x128xf32, #tpu.memory_space<vmem>>) dst(%dma_wait3A_53 : memref<128x128xf32, #tpu.memory_space<vmem_shared>>)
      tpu.yield
    }) : () -> ()
    %add3A_18 = arith.constant 512 : i32
    %add3A_19 = arith.addi %mul3A_9, %add3A_18 : i32
    "tpu.region"() ({
      %run_scoped3A = tpu.sem_alloc : memref<!tpu.dma_semaphore, #tpu.memory_space<semaphore_mem>>
      %dma_start3A = arith.constant 0 : i32
      %dma_start3A_48 = tpu.memref_slice %arg9[%add3A_19, %dma_start3A] : memref<10240x128xf32, #tpu.memory_space<vmem_shared>> -> memref<128x128xf32, #tpu.memory_space<vmem_shared>>
      %dma_start3A_49 = arith.constant 0 : i32
      %dma_start3A_50 = tpu.memref_slice %arg9[%add3A_19, %dma_start3A_49] : memref<10240x128xf32, #tpu.memory_space<vmem_shared>> -> memref<128x128xf32, #tpu.memory_space<vmem_shared>>
      tpu.enqueue_dma source(%arg8 : memref<128x128xf32, #tpu.memory_space<vmem>>) target(%dma_start3A_50 : memref<128x128xf32, #tpu.memory_space<vmem_shared>>) target_semaphore(%run_scoped3A : memref<!tpu.dma_semaphore, #tpu.memory_space<semaphore_mem>>)
      %dma_wait3A = arith.constant 0 : i32
      %dma_wait3A_51 = tpu.memref_slice %arg9[%add3A_19, %dma_wait3A] : memref<10240x128xf32, #tpu.memory_space<vmem_shared>> -> memref<128x128xf32, #tpu.memory_space<vmem_shared>>
      %dma_wait3A_52 = arith.constant 0 : i32
      %dma_wait3A_53 = tpu.memref_slice %arg9[%add3A_19, %dma_wait3A_52] : memref<10240x128xf32, #tpu.memory_space<vmem_shared>> -> memref<128x128xf32, #tpu.memory_space<vmem_shared>>
      tpu.wait_dma2 semaphore(%run_scoped3A : memref<!tpu.dma_semaphore, #tpu.memory_space<semaphore_mem>>) src(%arg8 : memref<128x128xf32, #tpu.memory_space<vmem>>) dst(%dma_wait3A_53 : memref<128x128xf32, #tpu.memory_space<vmem_shared>>)
      tpu.yield
    }) : () -> ()
    %barrier3A = arith.constant 0 : index
    tpu.barrier barrier_id(%barrier3A)
    "tpu.region"() ({
      %run_scoped3A = tpu.sem_alloc : memref<!tpu.dma_semaphore, #tpu.memory_space<semaphore_mem>>
      %dma_start3A = arith.constant 0 : i32
      %dma_start3A_48 = arith.constant 0 : i32
      %dma_start3A_49 = tpu.memref_slice %arg3[%add3A, %dma_start3A, %dma_start3A_48] : memref<32x79x128xi32, #tpu.memory_space<hbm>> -> memref<1x79x128xi32, #tpu.memory_space<hbm>>
      %dma_start3A_50 = tpu.memref_squeeze %dma_start3A_49 : memref<1x79x128xi32, #tpu.memory_space<hbm>> -> memref<79x128xi32, #tpu.memory_space<hbm>>
      %dma_start3A_51 = arith.constant 0 : i32
      %dma_start3A_52 = arith.constant 0 : i32
      %dma_start3A_53 = tpu.memref_slice %arg3[%add3A, %dma_start3A_51, %dma_start3A_52] : memref<32x79x128xi32, #tpu.memory_space<hbm>> -> memref<1x79x128xi32, #tpu.memory_space<hbm>>
      %dma_start3A_54 = tpu.memref_squeeze %dma_start3A_53 : memref<1x79x128xi32, #tpu.memory_space<hbm>> -> memref<79x128xi32, #tpu.memory_space<hbm>>
      tpu.enqueue_dma source(%dma_start3A_54 : memref<79x128xi32, #tpu.memory_space<hbm>>) target(%arg6 : memref<79x128xi32, #tpu.memory_space<vmem>>) target_semaphore(%run_scoped3A : memref<!tpu.dma_semaphore, #tpu.memory_space<semaphore_mem>>)
      %dma_wait3A = arith.constant 0 : i32
      %dma_wait3A_55 = arith.constant 0 : i32
      %dma_wait3A_56 = tpu.memref_slice %arg3[%add3A, %dma_wait3A, %dma_wait3A_55] : memref<32x79x128xi32, #tpu.memory_space<hbm>> -> memref<1x79x128xi32, #tpu.memory_space<hbm>>
      %dma_wait3A_57 = tpu.memref_squeeze %dma_wait3A_56 : memref<1x79x128xi32, #tpu.memory_space<hbm>> -> memref<79x128xi32, #tpu.memory_space<hbm>>
      %dma_wait3A_58 = arith.constant 0 : i32
      %dma_wait3A_59 = arith.constant 0 : i32
      %dma_wait3A_60 = tpu.memref_slice %arg3[%add3A, %dma_wait3A_58, %dma_wait3A_59] : memref<32x79x128xi32, #tpu.memory_space<hbm>> -> memref<1x79x128xi32, #tpu.memory_space<hbm>>
      %dma_wait3A_61 = tpu.memref_squeeze %dma_wait3A_60 : memref<1x79x128xi32, #tpu.memory_space<hbm>> -> memref<79x128xi32, #tpu.memory_space<hbm>>
      tpu.wait_dma2 semaphore(%run_scoped3A : memref<!tpu.dma_semaphore, #tpu.memory_space<semaphore_mem>>) src(%dma_wait3A_61 : memref<79x128xi32, #tpu.memory_space<hbm>>) dst(%arg6 : memref<79x128xi32, #tpu.memory_space<vmem>>)
      tpu.yield
    }) : () -> ()
    "tpu.region"() ({
      %run_scoped3A = tpu.sem_alloc : memref<!tpu.dma_semaphore, #tpu.memory_space<semaphore_mem>>
      %dma_start3A = arith.constant 0 : i32
      %dma_start3A_48 = arith.constant 0 : i32
      %dma_start3A_49 = tpu.memref_slice %arg4[%add3A, %dma_start3A, %dma_start3A_48] : memref<32x79x128xi32, #tpu.memory_space<hbm>> -> memref<1x79x128xi32, #tpu.memory_space<hbm>>
      %dma_start3A_50 = tpu.memref_squeeze %dma_start3A_49 : memref<1x79x128xi32, #tpu.memory_space<hbm>> -> memref<79x128xi32, #tpu.memory_space<hbm>>
      %dma_start3A_51 = arith.constant 0 : i32
      %dma_start3A_52 = arith.constant 0 : i32
      %dma_start3A_53 = tpu.memref_slice %arg4[%add3A, %dma_start3A_51, %dma_start3A_52] : memref<32x79x128xi32, #tpu.memory_space<hbm>> -> memref<1x79x128xi32, #tpu.memory_space<hbm>>
      %dma_start3A_54 = tpu.memref_squeeze %dma_start3A_53 : memref<1x79x128xi32, #tpu.memory_space<hbm>> -> memref<79x128xi32, #tpu.memory_space<hbm>>
      tpu.enqueue_dma source(%dma_start3A_54 : memref<79x128xi32, #tpu.memory_space<hbm>>) target(%arg7 : memref<79x128xi32, #tpu.memory_space<vmem>>) target_semaphore(%run_scoped3A : memref<!tpu.dma_semaphore, #tpu.memory_space<semaphore_mem>>)
      %dma_wait3A = arith.constant 0 : i32
      %dma_wait3A_55 = arith.constant 0 : i32
      %dma_wait3A_56 = tpu.memref_slice %arg4[%add3A, %dma_wait3A, %dma_wait3A_55] : memref<32x79x128xi32, #tpu.memory_space<hbm>> -> memref<1x79x128xi32, #tpu.memory_space<hbm>>
      %dma_wait3A_57 = tpu.memref_squeeze %dma_wait3A_56 : memref<1x79x128xi32, #tpu.memory_space<hbm>> -> memref<79x128xi32, #tpu.memory_space<hbm>>
      %dma_wait3A_58 = arith.constant 0 : i32
      %dma_wait3A_59 = arith.constant 0 : i32
      %dma_wait3A_60 = tpu.memref_slice %arg4[%add3A, %dma_wait3A_58, %dma_wait3A_59] : memref<32x79x128xi32, #tpu.memory_space<hbm>> -> memref<1x79x128xi32, #tpu.memory_space<hbm>>
      %dma_wait3A_61 = tpu.memref_squeeze %dma_wait3A_60 : memref<1x79x128xi32, #tpu.memory_space<hbm>> -> memref<79x128xi32, #tpu.memory_space<hbm>>
      tpu.wait_dma2 semaphore(%run_scoped3A : memref<!tpu.dma_semaphore, #tpu.memory_space<semaphore_mem>>) src(%dma_wait3A_61 : memref<79x128xi32, #tpu.memory_space<hbm>>) dst(%arg7 : memref<79x128xi32, #tpu.memory_space<vmem>>)
      tpu.yield
    }) : () -> ()
    %scan3A_20 = arith.constant 0 : i32
    %scan3A_21 = arith.constant 0 : i32
    %scan3A_22 = arith.constant 79 : i32
    %scan3A_23 = arith.addi %scan3A_21, %scan3A_22 : i32
    %scan3A_24 = arith.constant 1 : i32
    %scan3A_25 = scf.for %scan3A_48 = %scan3A_21 to %scan3A_23 step %scan3A_24 iter_args(%scan3A_49 = %scan3A_20) -> (i32)  : i32 {
      %dma_start3A = arith.constant 0 : i32
      %dma_start3A_50 = tpu.memref_slice %arg6[%scan3A_48, %dma_start3A] : memref<79x128xi32, #tpu.memory_space<vmem>> -> memref<1x128xi32, #tpu.memory_space<vmem>>
      %dma_start3A_51 = tpu.memref_squeeze %dma_start3A_50 : memref<1x128xi32, #tpu.memory_space<vmem>> -> memref<128xi32, #tpu.memory_space<vmem>>
      %dma_start3A_52 = arith.constant 0 : i32
      %dma_start3A_53 = arith.constant 0 : i32
      %dma_start3A_54 = tpu.memref_slice %arg2[%dma_start3A_52, %dma_start3A_53] : memref<10240x128xf32, #tpu.memory_space<hbm>> -> memref<10240x128xf32, #tpu.memory_space<hbm>>
      tpu.enqueue_indirect_dma source(%dma_start3A_54 : memref<10240x128xf32, #tpu.memory_space<hbm>>) target(%arg8 : memref<128x128xf32, #tpu.memory_space<vmem>>) offsets(%dma_start3A_51 : memref<128xi32, #tpu.memory_space<vmem>>) semaphore(%arg10 : memref<!tpu.dma_semaphore, #tpu.memory_space<semaphore_mem>>)
      %dma_wait3A = arith.constant 0 : i32
      %dma_wait3A_55 = tpu.memref_slice %arg6[%scan3A_48, %dma_wait3A] : memref<79x128xi32, #tpu.memory_space<vmem>> -> memref<1x128xi32, #tpu.memory_space<vmem>>
      %dma_wait3A_56 = tpu.memref_squeeze %dma_wait3A_55 : memref<1x128xi32, #tpu.memory_space<vmem>> -> memref<128xi32, #tpu.memory_space<vmem>>
      %dma_wait3A_57 = arith.constant 0 : i32
      %dma_wait3A_58 = arith.constant 0 : i32
      %dma_wait3A_59 = tpu.memref_slice %arg2[%dma_wait3A_57, %dma_wait3A_58] : memref<10240x128xf32, #tpu.memory_space<hbm>> -> memref<10240x128xf32, #tpu.memory_space<hbm>>
      tpu.wait_indirect_dma semaphore(%arg10 : memref<!tpu.dma_semaphore, #tpu.memory_space<semaphore_mem>>) src(%dma_wait3A_59 : memref<10240x128xf32, #tpu.memory_space<hbm>>) dst(%arg8 : memref<128x128xf32, #tpu.memory_space<vmem>>)
      "tpu.region"() ({
        %run_scoped3A = tpu.sem_alloc : memref<!tpu.dma_semaphore, #tpu.memory_space<semaphore_mem>>
        %dma_start3A_61 = arith.constant 0 : i32
        %dma_start3A_62 = tpu.memref_slice %arg7[%scan3A_48, %dma_start3A_61] : memref<79x128xi32, #tpu.memory_space<vmem>> -> memref<1x128xi32, #tpu.memory_space<vmem>>
        %dma_start3A_63 = tpu.memref_squeeze %dma_start3A_62 : memref<1x128xi32, #tpu.memory_space<vmem>> -> memref<128xi32, #tpu.memory_space<vmem>>
        %dma_start3A_64 = arith.constant 0 : i32
        %dma_start3A_65 = arith.constant 0 : i32
        %dma_start3A_66 = tpu.memref_slice %arg9[%dma_start3A_64, %dma_start3A_65] : memref<10240x128xf32, #tpu.memory_space<vmem_shared>> -> memref<10240x128xf32, #tpu.memory_space<vmem_shared>>
        tpu.enqueue_indirect_dma source(%arg8 : memref<128x128xf32, #tpu.memory_space<vmem>>) target(%dma_start3A_66 : memref<10240x128xf32, #tpu.memory_space<vmem_shared>>) offsets(%dma_start3A_63 : memref<128xi32, #tpu.memory_space<vmem>>) semaphore(%run_scoped3A : memref<!tpu.dma_semaphore, #tpu.memory_space<semaphore_mem>>) {add = true}
        %dma_wait3A_67 = arith.constant 0 : i32
        %dma_wait3A_68 = tpu.memref_slice %arg7[%scan3A_48, %dma_wait3A_67] : memref<79x128xi32, #tpu.memory_space<vmem>> -> memref<1x128xi32, #tpu.memory_space<vmem>>
        %dma_wait3A_69 = tpu.memref_squeeze %dma_wait3A_68 : memref<1x128xi32, #tpu.memory_space<vmem>> -> memref<128xi32, #tpu.memory_space<vmem>>
        %dma_wait3A_70 = arith.constant 0 : i32
        %dma_wait3A_71 = arith.constant 0 : i32
        %dma_wait3A_72 = tpu.memref_slice %arg9[%dma_wait3A_70, %dma_wait3A_71] : memref<10240x128xf32, #tpu.memory_space<vmem_shared>> -> memref<10240x128xf32, #tpu.memory_space<vmem_shared>>
        tpu.wait_indirect_dma semaphore(%run_scoped3A : memref<!tpu.dma_semaphore, #tpu.memory_space<semaphore_mem>>) src(%arg8 : memref<128x128xf32, #tpu.memory_space<vmem>>) dst(%dma_wait3A_72 : memref<10240x128xf32, #tpu.memory_space<vmem_shared>>)
        tpu.yield
      }) : () -> ()
      %scan3A_60 = arith.constant 0 : i32
      scf.yield %scan3A_60 : i32
    }
    %scan3A_26 = arith.constant 79 : i32
    %barrier3A_27 = arith.constant 0 : index
    tpu.barrier barrier_id(%barrier3A_27)
    %add3A_28 = arith.constant 0 : i32
    %add3A_29 = arith.addi %mul3A_9, %add3A_28 : i32
    %add3A_30 = arith.constant 0 : i32
    %add3A_31 = arith.addi %mul3A_9, %add3A_30 : i32
    "tpu.region"() ({
      %run_scoped3A = tpu.sem_alloc : memref<!tpu.dma_semaphore, #tpu.memory_space<semaphore_mem>>
      %dma_start3A = arith.constant 0 : i32
      %dma_start3A_48 = tpu.memref_slice %arg5[%arg0, %add3A_31, %dma_start3A] : memref<2x10240x128xf32, #tpu.memory_space<hbm>> -> memref<1x128x128xf32, #tpu.memory_space<hbm>>
      %dma_start3A_49 = tpu.memref_squeeze %dma_start3A_48 : memref<1x128x128xf32, #tpu.memory_space<hbm>> -> memref<128x128xf32, #tpu.memory_space<hbm>>
      %dma_start3A_50 = arith.constant 0 : i32
      %dma_start3A_51 = tpu.memref_slice %arg9[%add3A_29, %dma_start3A_50] : memref<10240x128xf32, #tpu.memory_space<vmem_shared>> -> memref<128x128xf32, #tpu.memory_space<vmem_shared>>
      tpu.enqueue_dma source(%dma_start3A_51 : memref<128x128xf32, #tpu.memory_space<vmem_shared>>) target(%dma_start3A_49 : memref<128x128xf32, #tpu.memory_space<hbm>>) target_semaphore(%run_scoped3A : memref<!tpu.dma_semaphore, #tpu.memory_space<semaphore_mem>>)
      %dma_wait3A = arith.constant 0 : i32
      %dma_wait3A_52 = tpu.memref_slice %arg5[%arg0, %add3A_31, %dma_wait3A] : memref<2x10240x128xf32, #tpu.memory_space<hbm>> -> memref<1x128x128xf32, #tpu.memory_space<hbm>>
      %dma_wait3A_53 = tpu.memref_squeeze %dma_wait3A_52 : memref<1x128x128xf32, #tpu.memory_space<hbm>> -> memref<128x128xf32, #tpu.memory_space<hbm>>
      %dma_wait3A_54 = arith.constant 0 : i32
      %dma_wait3A_55 = tpu.memref_slice %arg9[%add3A_29, %dma_wait3A_54] : memref<10240x128xf32, #tpu.memory_space<vmem_shared>> -> memref<128x128xf32, #tpu.memory_space<vmem_shared>>
      tpu.wait_dma2 semaphore(%run_scoped3A : memref<!tpu.dma_semaphore, #tpu.memory_space<semaphore_mem>>) src(%dma_wait3A_55 : memref<128x128xf32, #tpu.memory_space<vmem_shared>>) dst(%dma_wait3A_53 : memref<128x128xf32, #tpu.memory_space<hbm>>)
      tpu.yield
    }) : () -> ()
    %add3A_32 = arith.constant 128 : i32
    %add3A_33 = arith.addi %mul3A_9, %add3A_32 : i32
    %add3A_34 = arith.constant 128 : i32
    %add3A_35 = arith.addi %mul3A_9, %add3A_34 : i32
    "tpu.region"() ({
      %run_scoped3A = tpu.sem_alloc : memref<!tpu.dma_semaphore, #tpu.memory_space<semaphore_mem>>
      %dma_start3A = arith.constant 0 : i32
      %dma_start3A_48 = tpu.memref_slice %arg5[%arg0, %add3A_35, %dma_start3A] : memref<2x10240x128xf32, #tpu.memory_space<hbm>> -> memref<1x128x128xf32, #tpu.memory_space<hbm>>
      %dma_start3A_49 = tpu.memref_squeeze %dma_start3A_48 : memref<1x128x128xf32, #tpu.memory_space<hbm>> -> memref<128x128xf32, #tpu.memory_space<hbm>>
      %dma_start3A_50 = arith.constant 0 : i32
      %dma_start3A_51 = tpu.memref_slice %arg9[%add3A_33, %dma_start3A_50] : memref<10240x128xf32, #tpu.memory_space<vmem_shared>> -> memref<128x128xf32, #tpu.memory_space<vmem_shared>>
      tpu.enqueue_dma source(%dma_start3A_51 : memref<128x128xf32, #tpu.memory_space<vmem_shared>>) target(%dma_start3A_49 : memref<128x128xf32, #tpu.memory_space<hbm>>) target_semaphore(%run_scoped3A : memref<!tpu.dma_semaphore, #tpu.memory_space<semaphore_mem>>)
      %dma_wait3A = arith.constant 0 : i32
      %dma_wait3A_52 = tpu.memref_slice %arg5[%arg0, %add3A_35, %dma_wait3A] : memref<2x10240x128xf32, #tpu.memory_space<hbm>> -> memref<1x128x128xf32, #tpu.memory_space<hbm>>
      %dma_wait3A_53 = tpu.memref_squeeze %dma_wait3A_52 : memref<1x128x128xf32, #tpu.memory_space<hbm>> -> memref<128x128xf32, #tpu.memory_space<hbm>>
      %dma_wait3A_54 = arith.constant 0 : i32
      %dma_wait3A_55 = tpu.memref_slice %arg9[%add3A_33, %dma_wait3A_54] : memref<10240x128xf32, #tpu.memory_space<vmem_shared>> -> memref<128x128xf32, #tpu.memory_space<vmem_shared>>
      tpu.wait_dma2 semaphore(%run_scoped3A : memref<!tpu.dma_semaphore, #tpu.memory_space<semaphore_mem>>) src(%dma_wait3A_55 : memref<128x128xf32, #tpu.memory_space<vmem_shared>>) dst(%dma_wait3A_53 : memref<128x128xf32, #tpu.memory_space<hbm>>)
      tpu.yield
    }) : () -> ()
    %add3A_36 = arith.constant 256 : i32
    %add3A_37 = arith.addi %mul3A_9, %add3A_36 : i32
    %add3A_38 = arith.constant 256 : i32
    %add3A_39 = arith.addi %mul3A_9, %add3A_38 : i32
    "tpu.region"() ({
      %run_scoped3A = tpu.sem_alloc : memref<!tpu.dma_semaphore, #tpu.memory_space<semaphore_mem>>
      %dma_start3A = arith.constant 0 : i32
      %dma_start3A_48 = tpu.memref_slice %arg5[%arg0, %add3A_39, %dma_start3A] : memref<2x10240x128xf32, #tpu.memory_space<hbm>> -> memref<1x128x128xf32, #tpu.memory_space<hbm>>
      %dma_start3A_49 = tpu.memref_squeeze %dma_start3A_48 : memref<1x128x128xf32, #tpu.memory_space<hbm>> -> memref<128x128xf32, #tpu.memory_space<hbm>>
      %dma_start3A_50 = arith.constant 0 : i32
      %dma_start3A_51 = tpu.memref_slice %arg9[%add3A_37, %dma_start3A_50] : memref<10240x128xf32, #tpu.memory_space<vmem_shared>> -> memref<128x128xf32, #tpu.memory_space<vmem_shared>>
      tpu.enqueue_dma source(%dma_start3A_51 : memref<128x128xf32, #tpu.memory_space<vmem_shared>>) target(%dma_start3A_49 : memref<128x128xf32, #tpu.memory_space<hbm>>) target_semaphore(%run_scoped3A : memref<!tpu.dma_semaphore, #tpu.memory_space<semaphore_mem>>)
      %dma_wait3A = arith.constant 0 : i32
      %dma_wait3A_52 = tpu.memref_slice %arg5[%arg0, %add3A_39, %dma_wait3A] : memref<2x10240x128xf32, #tpu.memory_space<hbm>> -> memref<1x128x128xf32, #tpu.memory_space<hbm>>
      %dma_wait3A_53 = tpu.memref_squeeze %dma_wait3A_52 : memref<1x128x128xf32, #tpu.memory_space<hbm>> -> memref<128x128xf32, #tpu.memory_space<hbm>>
      %dma_wait3A_54 = arith.constant 0 : i32
      %dma_wait3A_55 = tpu.memref_slice %arg9[%add3A_37, %dma_wait3A_54] : memref<10240x128xf32, #tpu.memory_space<vmem_shared>> -> memref<128x128xf32, #tpu.memory_space<vmem_shared>>
      tpu.wait_dma2 semaphore(%run_scoped3A : memref<!tpu.dma_semaphore, #tpu.memory_space<semaphore_mem>>) src(%dma_wait3A_55 : memref<128x128xf32, #tpu.memory_space<vmem_shared>>) dst(%dma_wait3A_53 : memref<128x128xf32, #tpu.memory_space<hbm>>)
      tpu.yield
    }) : () -> ()
    %add3A_40 = arith.constant 384 : i32
    %add3A_41 = arith.addi %mul3A_9, %add3A_40 : i32
    %add3A_42 = arith.constant 384 : i32
    %add3A_43 = arith.addi %mul3A_9, %add3A_42 : i32
    "tpu.region"() ({
      %run_scoped3A = tpu.sem_alloc : memref<!tpu.dma_semaphore, #tpu.memory_space<semaphore_mem>>
      %dma_start3A = arith.constant 0 : i32
      %dma_start3A_48 = tpu.memref_slice %arg5[%arg0, %add3A_43, %dma_start3A] : memref<2x10240x128xf32, #tpu.memory_space<hbm>> -> memref<1x128x128xf32, #tpu.memory_space<hbm>>
      %dma_start3A_49 = tpu.memref_squeeze %dma_start3A_48 : memref<1x128x128xf32, #tpu.memory_space<hbm>> -> memref<128x128xf32, #tpu.memory_space<hbm>>
      %dma_start3A_50 = arith.constant 0 : i32
      %dma_start3A_51 = tpu.memref_slice %arg9[%add3A_41, %dma_start3A_50] : memref<10240x128xf32, #tpu.memory_space<vmem_shared>> -> memref<128x128xf32, #tpu.memory_space<vmem_shared>>
      tpu.enqueue_dma source(%dma_start3A_51 : memref<128x128xf32, #tpu.memory_space<vmem_shared>>) target(%dma_start3A_49 : memref<128x128xf32, #tpu.memory_space<hbm>>) target_semaphore(%run_scoped3A : memref<!tpu.dma_semaphore, #tpu.memory_space<semaphore_mem>>)
      %dma_wait3A = arith.constant 0 : i32
      %dma_wait3A_52 = tpu.memref_slice %arg5[%arg0, %add3A_43, %dma_wait3A] : memref<2x10240x128xf32, #tpu.memory_space<hbm>> -> memref<1x128x128xf32, #tpu.memory_space<hbm>>
      %dma_wait3A_53 = tpu.memref_squeeze %dma_wait3A_52 : memref<1x128x128xf32, #tpu.memory_space<hbm>> -> memref<128x128xf32, #tpu.memory_space<hbm>>
      %dma_wait3A_54 = arith.constant 0 : i32
      %dma_wait3A_55 = tpu.memref_slice %arg9[%add3A_41, %dma_wait3A_54] : memref<10240x128xf32, #tpu.memory_space<vmem_shared>> -> memref<128x128xf32, #tpu.memory_space<vmem_shared>>
      tpu.wait_dma2 semaphore(%run_scoped3A : memref<!tpu.dma_semaphore, #tpu.memory_space<semaphore_mem>>) src(%dma_wait3A_55 : memref<128x128xf32, #tpu.memory_space<vmem_shared>>) dst(%dma_wait3A_53 : memref<128x128xf32, #tpu.memory_space<hbm>>)
      tpu.yield
    }) : () -> ()
    %add3A_44 = arith.constant 512 : i32
    %add3A_45 = arith.addi %mul3A_9, %add3A_44 : i32
    %add3A_46 = arith.constant 512 : i32
    %add3A_47 = arith.addi %mul3A_9, %add3A_46 : i32
    "tpu.region"() ({
      %run_scoped3A = tpu.sem_alloc : memref<!tpu.dma_semaphore, #tpu.memory_space<semaphore_mem>>
      %dma_start3A = arith.constant 0 : i32
      %dma_start3A_48 = tpu.memref_slice %arg5[%arg0, %add3A_47, %dma_start3A] : memref<2x10240x128xf32, #tpu.memory_space<hbm>> -> memref<1x128x128xf32, #tpu.memory_space<hbm>>
      %dma_start3A_49 = tpu.memref_squeeze %dma_start3A_48 : memref<1x128x128xf32, #tpu.memory_space<hbm>> -> memref<128x128xf32, #tpu.memory_space<hbm>>
      %dma_start3A_50 = arith.constant 0 : i32
      %dma_start3A_51 = tpu.memref_slice %arg9[%add3A_45, %dma_start3A_50] : memref<10240x128xf32, #tpu.memory_space<vmem_shared>> -> memref<128x128xf32, #tpu.memory_space<vmem_shared>>
      tpu.enqueue_dma source(%dma_start3A_51 : memref<128x128xf32, #tpu.memory_space<vmem_shared>>) target(%dma_start3A_49 : memref<128x128xf32, #tpu.memory_space<hbm>>) target_semaphore(%run_scoped3A : memref<!tpu.dma_semaphore, #tpu.memory_space<semaphore_mem>>)
      %dma_wait3A = arith.constant 0 : i32
      %dma_wait3A_52 = tpu.memref_slice %arg5[%arg0, %add3A_47, %dma_wait3A] : memref<2x10240x128xf32, #tpu.memory_space<hbm>> -> memref<1x128x128xf32, #tpu.memory_space<hbm>>
      %dma_wait3A_53 = tpu.memref_squeeze %dma_wait3A_52 : memref<1x128x128xf32, #tpu.memory_space<hbm>> -> memref<128x128xf32, #tpu.memory_space<hbm>>
      %dma_wait3A_54 = arith.constant 0 : i32
      %dma_wait3A_55 = tpu.memref_slice %arg9[%add3A_45, %dma_wait3A_54] : memref<10240x128xf32, #tpu.memory_space<vmem_shared>> -> memref<128x128xf32, #tpu.memory_space<vmem_shared>>
      tpu.wait_dma2 semaphore(%run_scoped3A : memref<!tpu.dma_semaphore, #tpu.memory_space<semaphore_mem>>) src(%dma_wait3A_55 : memref<128x128xf32, #tpu.memory_space<vmem_shared>>) dst(%dma_wait3A_53 : memref<128x128xf32, #tpu.memory_space<hbm>>)
      tpu.yield
    }) : () -> ()
    return
  }
}

#map = affine_map<(d0, d1) -> (0, 0)>
#map1 = affine_map<(d0, d1) -> (0, 0, 0)>
module attributes {stable_mosaic.version = 14 : i64} {
  func.func @body(%arg0: i32, %arg1: i32, %arg2: memref<10240x128xf32, #tpu.memory_space<hbm>>, %arg3: memref<32x79x128xi32, #tpu.memory_space<hbm>>, %arg4: memref<32x79x128xi32, #tpu.memory_space<hbm>>, %arg5: memref<2x10240x128xf32, #tpu.memory_space<hbm>>, %arg6: memref<79x128xi32, #tpu.memory_space<vmem>>, %arg7: memref<79x128xi32, #tpu.memory_space<vmem>>, %arg8: memref<128x128xf32, #tpu.memory_space<vmem>>, %arg9: memref<10240x128xf32, #tpu.memory_space<vmem_shared>>, %arg10: memref<!tpu.dma_semaphore, #tpu.memory_space<semaphore_mem>>) attributes {dimension_semantics = [#tpu.dimension_semantics<core_parallel>, #tpu.dimension_semantics<subcore_parallel>], iteration_bounds = array<i64: 2, 16>, scalar_prefetch = 0 : i64, scratch_operands = 5 : i64, tpu.core_type = #tpu.core_type<sc_vector_subcore>, window_params = [{transform_indices = #map}, {transform_indices = #map1}, {transform_indices = #map1}, {transform_indices = #map1}]} {
    %mul3A = arith.constant 2 : i32
    %mul3A_0 = arith.muli %arg1, %mul3A : i32
    %add3A = arith.addi %mul3A_0, %arg0 : i32
    %broadcast_in_dim3A = arith.constant 0.000000e+00 : f32
    %broadcast_in_dim3A_1 = vector.broadcast %broadcast_in_dim3A : f32 to vector<16xf32>
    %scan3A = arith.constant 0 : i32
    %scan3A_2 = arith.constant 0 : i32
    %scan3A_3 = arith.constant 128 : i32
    %scan3A_4 = arith.addi %scan3A_2, %scan3A_3 : i32
    %scan3A_5 = arith.constant 1 : i32
    %scan3A_6 = scf.for %scan3A_48 = %scan3A_2 to %scan3A_4 step %scan3A_5 iter_args(%scan3A_49 = %scan3A) -> (i32)  : i32 {
      %swap3A = arith.index_cast %scan3A_48 : i32 to index
      %swap3A_50 = arith.constant 0 : index
      %swap3A_51 = tpu.vector_load %arg8[%swap3A, %swap3A_50] {strides = array<i32>} : memref<128x128xf32, #tpu.memory_space<vmem>>, vector<1x16xf32>,
      %swap3A_52 = vector.shape_cast %swap3A_51 : vector<1x16xf32> to vector<16xf32>
      %swap3A_53 = vector.shape_cast %broadcast_in_dim3A_1 : vector<16xf32> to vector<1x16xf32>
      tpu.vector_store %arg8[%swap3A, %swap3A_50], %swap3A_53 {strides = array<i32>} : memref<128x128xf32, #tpu.memory_space<vmem>>, vector<1x16xf32>,
      %swap3A_54 = arith.index_cast %scan3A_48 : i32 to index
      %swap3A_55 = arith.constant 16 : index
      %swap3A_56 = tpu.vector_load %arg8[%swap3A_54, %swap3A_55] {strides = array<i32>} : memref<128x128xf32, #tpu.memory_space<vmem>>, vector<1x16xf32>,
      %swap3A_57 = vector.shape_cast %swap3A_56 : vector<1x16xf32> to vector<16xf32>
      %swap3A_58 = vector.shape_cast %broadcast_in_dim3A_1 : vector<16xf32> to vector<1x16xf32>
      tpu.vector_store %arg8[%swap3A_54, %swap3A_55], %swap3A_58 {strides = array<i32>} : memref<128x128xf32, #tpu.memory_space<vmem>>, vector<1x16xf32>,
      %swap3A_59 = arith.index_cast %scan3A_48 : i32 to index
      %swap3A_60 = arith.constant 32 : index
      %swap3A_61 = tpu.vector_load %arg8[%swap3A_59, %swap3A_60] {strides = array<i32>} : memref<128x128xf32, #tpu.memory_space<vmem>>, vector<1x16xf32>,
      %swap3A_62 = vector.shape_cast %swap3A_61 : vector<1x16xf32> to vector<16xf32>
      %swap3A_63 = vector.shape_cast %broadcast_in_dim3A_1 : vector<16xf32> to vector<1x16xf32>
      tpu.vector_store %arg8[%swap3A_59, %swap3A_60], %swap3A_63 {strides = array<i32>} : memref<128x128xf32, #tpu.memory_space<vmem>>, vector<1x16xf32>,
      %swap3A_64 = arith.index_cast %scan3A_48 : i32 to index
      %swap3A_65 = arith.constant 48 : index
      %swap3A_66 = tpu.vector_load %arg8[%swap3A_64, %swap3A_65] {strides = array<i32>} : memref<128x128xf32, #tpu.memory_space<vmem>>, vector<1x16xf32>,
      %swap3A_67 = vector.shape_cast %swap3A_66 : vector<1x16xf32> to vector<16xf32>
      %swap3A_68 = vector.shape_cast %broadcast_in_dim3A_1 : vector<16xf32> to vector<1x16xf32>
      tpu.vector_store %arg8[%swap3A_64, %swap3A_65], %swap3A_68 {strides = array<i32>} : memref<128x128xf32, #tpu.memory_space<vmem>>, vector<1x16xf32>,
      %swap3A_69 = arith.index_cast %scan3A_48 : i32 to index
      %swap3A_70 = arith.constant 64 : index
      %swap3A_71 = tpu.vector_load %arg8[%swap3A_69, %swap3A_70] {strides = array<i32>} : memref<128x128xf32, #tpu.memory_space<vmem>>, vector<1x16xf32>,
      %swap3A_72 = vector.shape_cast %swap3A_71 : vector<1x16xf32> to vector<16xf32>
      %swap3A_73 = vector.shape_cast %broadcast_in_dim3A_1 : vector<16xf32> to vector<1x16xf32>
      tpu.vector_store %arg8[%swap3A_69, %swap3A_70], %swap3A_73 {strides = array<i32>} : memref<128x128xf32, #tpu.memory_space<vmem>>, vector<1x16xf32>,
      %swap3A_74 = arith.index_cast %scan3A_48 : i32 to index
      %swap3A_75 = arith.constant 80 : index
      %swap3A_76 = tpu.vector_load %arg8[%swap3A_74, %swap3A_75] {strides = array<i32>} : memref<128x128xf32, #tpu.memory_space<vmem>>, vector<1x16xf32>,
      %swap3A_77 = vector.shape_cast %swap3A_76 : vector<1x16xf32> to vector<16xf32>
      %swap3A_78 = vector.shape_cast %broadcast_in_dim3A_1 : vector<16xf32> to vector<1x16xf32>
      tpu.vector_store %arg8[%swap3A_74, %swap3A_75], %swap3A_78 {strides = array<i32>} : memref<128x128xf32, #tpu.memory_space<vmem>>, vector<1x16xf32>,
      %swap3A_79 = arith.index_cast %scan3A_48 : i32 to index
      %swap3A_80 = arith.constant 96 : index
      %swap3A_81 = tpu.vector_load %arg8[%swap3A_79, %swap3A_80] {strides = array<i32>} : memref<128x128xf32, #tpu.memory_space<vmem>>, vector<1x16xf32>,
      %swap3A_82 = vector.shape_cast %swap3A_81 : vector<1x16xf32> to vector<16xf32>
      %swap3A_83 = vector.shape_cast %broadcast_in_dim3A_1 : vector<16xf32> to vector<1x16xf32>
      tpu.vector_store %arg8[%swap3A_79, %swap3A_80], %swap3A_83 {strides = array<i32>} : memref<128x128xf32, #tpu.memory_space<vmem>>, vector<1x16xf32>,
      %swap3A_84 = arith.index_cast %scan3A_48 : i32 to index
      %swap3A_85 = arith.constant 112 : index
      %swap3A_86 = tpu.vector_load %arg8[%swap3A_84, %swap3A_85] {strides = array<i32>} : memref<128x128xf32, #tpu.memory_space<vmem>>, vector<1x16xf32>,
      %swap3A_87 = vector.shape_cast %swap3A_86 : vector<1x16xf32> to vector<16xf32>
      %swap3A_88 = vector.shape_cast %broadcast_in_dim3A_1 : vector<16xf32> to vector<1x16xf32>
      tpu.vector_store %arg8[%swap3A_84, %swap3A_85], %swap3A_88 {strides = array<i32>} : memref<128x128xf32, #tpu.memory_space<vmem>>, vector<1x16xf32>,
      %scan3A_89 = arith.constant 0 : i32
      scf.yield %scan3A_89 : i32
    }
    %scan3A_7 = arith.constant 128 : i32
    %mul3A_8 = arith.constant 640 : i32
    %mul3A_9 = arith.muli %arg1, %mul3A_8 : i32
    %add3A_10 = arith.constant 0 : i32
    %add3A_11 = arith.addi %mul3A_9, %add3A_10 : i32
    "tpu.region"() ({
      %run_scoped3A = tpu.sem_alloc : memref<!tpu.dma_semaphore, #tpu.memory_space<semaphore_mem>>
      %dma_start3A = arith.constant 0 : i32
      %dma_start3A_48 = tpu.memref_slice %arg9[%add3A_11, %dma_start3A] : memref<10240x128xf32, #tpu.memory_space<vmem_shared>> -> memref<128x128xf32, #tpu.memory_space<vmem_shared>>
      %dma_start3A_49 = arith.constant 0 : i32
      %dma_start3A_50 = tpu.memref_slice %arg9[%add3A_11, %dma_start3A_49] : memref<10240x128xf32, #tpu.memory_space<vmem_shared>> -> memref<128x128xf32, #tpu.memory_space<vmem_shared>>
      tpu.enqueue_dma source(%arg8 : memref<128x128xf32, #tpu.memory_space<vmem>>) target(%dma_start3A_50 : memref<128x128xf32, #tpu.memory_space<vmem_shared>>) target_semaphore(%run_scoped3A : memref<!tpu.dma_semaphore, #tpu.memory_space<semaphore_mem>>)
      %dma_wait3A = arith.constant 0 : i32
      %dma_wait3A_51 = tpu.memref_slice %arg9[%add3A_11, %dma_wait3A] : memref<10240x128xf32, #tpu.memory_space<vmem_shared>> -> memref<128x128xf32, #tpu.memory_space<vmem_shared>>
      %dma_wait3A_52 = arith.constant 0 : i32
      %dma_wait3A_53 = tpu.memref_slice %arg9[%add3A_11, %dma_wait3A_52] : memref<10240x128xf32, #tpu.memory_space<vmem_shared>> -> memref<128x128xf32, #tpu.memory_space<vmem_shared>>
      tpu.wait_dma2 semaphore(%run_scoped3A : memref<!tpu.dma_semaphore, #tpu.memory_space<semaphore_mem>>) src(%arg8 : memref<128x128xf32, #tpu.memory_space<vmem>>) dst(%dma_wait3A_53 : memref<128x128xf32, #tpu.memory_space<vmem_shared>>)
      tpu.yield
    }) : () -> ()
    %add3A_12 = arith.constant 128 : i32
    %add3A_13 = arith.addi %mul3A_9, %add3A_12 : i32
    "tpu.region"() ({
      %run_scoped3A = tpu.sem_alloc : memref<!tpu.dma_semaphore, #tpu.memory_space<semaphore_mem>>
      %dma_start3A = arith.constant 0 : i32
      %dma_start3A_48 = tpu.memref_slice %arg9[%add3A_13, %dma_start3A] : memref<10240x128xf32, #tpu.memory_space<vmem_shared>> -> memref<128x128xf32, #tpu.memory_space<vmem_shared>>
      %dma_start3A_49 = arith.constant 0 : i32
      %dma_start3A_50 = tpu.memref_slice %arg9[%add3A_13, %dma_start3A_49] : memref<10240x128xf32, #tpu.memory_space<vmem_shared>> -> memref<128x128xf32, #tpu.memory_space<vmem_shared>>
      tpu.enqueue_dma source(%arg8 : memref<128x128xf32, #tpu.memory_space<vmem>>) target(%dma_start3A_50 : memref<128x128xf32, #tpu.memory_space<vmem_shared>>) target_semaphore(%run_scoped3A : memref<!tpu.dma_semaphore, #tpu.memory_space<semaphore_mem>>)
      %dma_wait3A = arith.constant 0 : i32
      %dma_wait3A_51 = tpu.memref_slice %arg9[%add3A_13, %dma_wait3A] : memref<10240x128xf32, #tpu.memory_space<vmem_shared>> -> memref<128x128xf32, #tpu.memory_space<vmem_shared>>
      %dma_wait3A_52 = arith.constant 0 : i32
      %dma_wait3A_53 = tpu.memref_slice %arg9[%add3A_13, %dma_wait3A_52] : memref<10240x128xf32, #tpu.memory_space<vmem_shared>> -> memref<128x128xf32, #tpu.memory_space<vmem_shared>>
      tpu.wait_dma2 semaphore(%run_scoped3A : memref<!tpu.dma_semaphore, #tpu.memory_space<semaphore_mem>>) src(%arg8 : memref<128x128xf32, #tpu.memory_space<vmem>>) dst(%dma_wait3A_53 : memref<128x128xf32, #tpu.memory_space<vmem_shared>>)
      tpu.yield
    }) : () -> ()
    %add3A_14 = arith.constant 256 : i32
    %add3A_15 = arith.addi %mul3A_9, %add3A_14 : i32
    "tpu.region"() ({
      %run_scoped3A = tpu.sem_alloc : memref<!tpu.dma_semaphore, #tpu.memory_space<semaphore_mem>>
      %dma_start3A = arith.constant 0 : i32
      %dma_start3A_48 = tpu.memref_slice %arg9[%add3A_15, %dma_start3A] : memref<10240x128xf32, #tpu.memory_space<vmem_shared>> -> memref<128x128xf32, #tpu.memory_space<vmem_shared>>
      %dma_start3A_49 = arith.constant 0 : i32
      %dma_start3A_50 = tpu.memref_slice %arg9[%add3A_15, %dma_start3A_49] : memref<10240x128xf32, #tpu.memory_space<vmem_shared>> -> memref<128x128xf32, #tpu.memory_space<vmem_shared>>
      tpu.enqueue_dma source(%arg8 : memref<128x128xf32, #tpu.memory_space<vmem>>) target(%dma_start3A_50 : memref<128x128xf32, #tpu.memory_space<vmem_shared>>) target_semaphore(%run_scoped3A : memref<!tpu.dma_semaphore, #tpu.memory_space<semaphore_mem>>)
      %dma_wait3A = arith.constant 0 : i32
      %dma_wait3A_51 = tpu.memref_slice %arg9[%add3A_15, %dma_wait3A] : memref<10240x128xf32, #tpu.memory_space<vmem_shared>> -> memref<128x128xf32, #tpu.memory_space<vmem_shared>>
      %dma_wait3A_52 = arith.constant 0 : i32
      %dma_wait3A_53 = tpu.memref_slice %arg9[%add3A_15, %dma_wait3A_52] : memref<10240x128xf32, #tpu.memory_space<vmem_shared>> -> memref<128x128xf32, #tpu.memory_space<vmem_shared>>
      tpu.wait_dma2 semaphore(%run_scoped3A : memref<!tpu.dma_semaphore, #tpu.memory_space<semaphore_mem>>) src(%arg8 : memref<128x128xf32, #tpu.memory_space<vmem>>) dst(%dma_wait3A_53 : memref<128x128xf32, #tpu.memory_space<vmem_shared>>)
      tpu.yield
    }) : () -> ()
    %add3A_16 = arith.constant 384 : i32
    %add3A_17 = arith.addi %mul3A_9, %add3A_16 : i32
    "tpu.region"() ({
      %run_scoped3A = tpu.sem_alloc : memref<!tpu.dma_semaphore, #tpu.memory_space<semaphore_mem>>
      %dma_start3A = arith.constant 0 : i32
      %dma_start3A_48 = tpu.memref_slice %arg9[%add3A_17, %dma_start3A] : memref<10240x128xf32, #tpu.memory_space<vmem_shared>> -> memref<128x128xf32, #tpu.memory_space<vmem_shared>>
      %dma_start3A_49 = arith.constant 0 : i32
      %dma_start3A_50 = tpu.memref_slice %arg9[%add3A_17, %dma_start3A_49] : memref<10240x128xf32, #tpu.memory_space<vmem_shared>> -> memref<128x128xf32, #tpu.memory_space<vmem_shared>>
      tpu.enqueue_dma source(%arg8 : memref<128x128xf32, #tpu.memory_space<vmem>>) target(%dma_start3A_50 : memref<128x128xf32, #tpu.memory_space<vmem_shared>>) target_semaphore(%run_scoped3A : memref<!tpu.dma_semaphore, #tpu.memory_space<semaphore_mem>>)
      %dma_wait3A = arith.constant 0 : i32
      %dma_wait3A_51 = tpu.memref_slice %arg9[%add3A_17, %dma_wait3A] : memref<10240x128xf32, #tpu.memory_space<vmem_shared>> -> memref<128x128xf32, #tpu.memory_space<vmem_shared>>
      %dma_wait3A_52 = arith.constant 0 : i32
      %dma_wait3A_53 = tpu.memref_slice %arg9[%add3A_17, %dma_wait3A_52] : memref<10240x128xf32, #tpu.memory_space<vmem_shared>> -> memref<128x128xf32, #tpu.memory_space<vmem_shared>>
      tpu.wait_dma2 semaphore(%run_scoped3A : memref<!tpu.dma_semaphore, #tpu.memory_space<semaphore_mem>>) src(%arg8 : memref<128x128xf32, #tpu.memory_space<vmem>>) dst(%dma_wait3A_53 : memref<128x128xf32, #tpu.memory_space<vmem_shared>>)
      tpu.yield
    }) : () -> ()
    %add3A_18 = arith.constant 512 : i32
    %add3A_19 = arith.addi %mul3A_9, %add3A_18 : i32
    "tpu.region"() ({
      %run_scoped3A = tpu.sem_alloc : memref<!tpu.dma_semaphore, #tpu.memory_space<semaphore_mem>>
      %dma_start3A = arith.constant 0 : i32
      %dma_start3A_48 = tpu.memref_slice %arg9[%add3A_19, %dma_start3A] : memref<10240x128xf32, #tpu.memory_space<vmem_shared>> -> memref<128x128xf32, #tpu.memory_space<vmem_shared>>
      %dma_start3A_49 = arith.constant 0 : i32
      %dma_start3A_50 = tpu.memref_slice %arg9[%add3A_19, %dma_start3A_49] : memref<10240x128xf32, #tpu.memory_space<vmem_shared>> -> memref<128x128xf32, #tpu.memory_space<vmem_shared>>
      tpu.enqueue_dma source(%arg8 : memref<128x128xf32, #tpu.memory_space<vmem>>) target(%dma_start3A_50 : memref<128x128xf32, #tpu.memory_space<vmem_shared>>) target_semaphore(%run_scoped3A : memref<!tpu.dma_semaphore, #tpu.memory_space<semaphore_mem>>)
      %dma_wait3A = arith.constant 0 : i32
      %dma_wait3A_51 = tpu.memref_slice %arg9[%add3A_19, %dma_wait3A] : memref<10240x128xf32, #tpu.memory_space<vmem_shared>> -> memref<128x128xf32, #tpu.memory_space<vmem_shared>>
      %dma_wait3A_52 = arith.constant 0 : i32
      %dma_wait3A_53 = tpu.memref_slice %arg9[%add3A_19, %dma_wait3A_52] : memref<10240x128xf32, #tpu.memory_space<vmem_shared>> -> memref<128x128xf32, #tpu.memory_space<vmem_shared>>
      tpu.wait_dma2 semaphore(%run_scoped3A : memref<!tpu.dma_semaphore, #tpu.memory_space<semaphore_mem>>) src(%arg8 : memref<128x128xf32, #tpu.memory_space<vmem>>) dst(%dma_wait3A_53 : memref<128x128xf32, #tpu.memory_space<vmem_shared>>)
      tpu.yield
    }) : () -> ()
    %barrier3A = arith.constant 0 : index
    tpu.barrier barrier_id(%barrier3A)
    "tpu.region"() ({
      %run_scoped3A = tpu.sem_alloc : memref<!tpu.dma_semaphore, #tpu.memory_space<semaphore_mem>>
      %dma_start3A = arith.constant 0 : i32
      %dma_start3A_48 = arith.constant 0 : i32
      %dma_start3A_49 = tpu.memref_slice %arg3[%add3A, %dma_start3A, %dma_start3A_48] : memref<32x79x128xi32, #tpu.memory_space<hbm>> -> memref<1x79x128xi32, #tpu.memory_space<hbm>>
      %dma_start3A_50 = tpu.memref_squeeze %dma_start3A_49 : memref<1x79x128xi32, #tpu.memory_space<hbm>> -> memref<79x128xi32, #tpu.memory_space<hbm>>
      %dma_start3A_51 = arith.constant 0 : i32
      %dma_start3A_52 = arith.constant 0 : i32
      %dma_start3A_53 = tpu.memref_slice %arg3[%add3A, %dma_start3A_51, %dma_start3A_52] : memref<32x79x128xi32, #tpu.memory_space<hbm>> -> memref<1x79x128xi32, #tpu.memory_space<hbm>>
      %dma_start3A_54 = tpu.memref_squeeze %dma_start3A_53 : memref<1x79x128xi32, #tpu.memory_space<hbm>> -> memref<79x128xi32, #tpu.memory_space<hbm>>
      tpu.enqueue_dma source(%dma_start3A_54 : memref<79x128xi32, #tpu.memory_space<hbm>>) target(%arg6 : memref<79x128xi32, #tpu.memory_space<vmem>>) target_semaphore(%run_scoped3A : memref<!tpu.dma_semaphore, #tpu.memory_space<semaphore_mem>>)
      %dma_wait3A = arith.constant 0 : i32
      %dma_wait3A_55 = arith.constant 0 : i32
      %dma_wait3A_56 = tpu.memref_slice %arg3[%add3A, %dma_wait3A, %dma_wait3A_55] : memref<32x79x128xi32, #tpu.memory_space<hbm>> -> memref<1x79x128xi32, #tpu.memory_space<hbm>>
      %dma_wait3A_57 = tpu.memref_squeeze %dma_wait3A_56 : memref<1x79x128xi32, #tpu.memory_space<hbm>> -> memref<79x128xi32, #tpu.memory_space<hbm>>
      %dma_wait3A_58 = arith.constant 0 : i32
      %dma_wait3A_59 = arith.constant 0 : i32
      %dma_wait3A_60 = tpu.memref_slice %arg3[%add3A, %dma_wait3A_58, %dma_wait3A_59] : memref<32x79x128xi32, #tpu.memory_space<hbm>> -> memref<1x79x128xi32, #tpu.memory_space<hbm>>
      %dma_wait3A_61 = tpu.memref_squeeze %dma_wait3A_60 : memref<1x79x128xi32, #tpu.memory_space<hbm>> -> memref<79x128xi32, #tpu.memory_space<hbm>>
      tpu.wait_dma2 semaphore(%run_scoped3A : memref<!tpu.dma_semaphore, #tpu.memory_space<semaphore_mem>>) src(%dma_wait3A_61 : memref<79x128xi32, #tpu.memory_space<hbm>>) dst(%arg6 : memref<79x128xi32, #tpu.memory_space<vmem>>)
      tpu.yield
    }) : () -> ()
    "tpu.region"() ({
      %run_scoped3A = tpu.sem_alloc : memref<!tpu.dma_semaphore, #tpu.memory_space<semaphore_mem>>
      %dma_start3A = arith.constant 0 : i32
      %dma_start3A_48 = arith.constant 0 : i32
      %dma_start3A_49 = tpu.memref_slice %arg4[%add3A, %dma_start3A, %dma_start3A_48] : memref<32x79x128xi32, #tpu.memory_space<hbm>> -> memref<1x79x128xi32, #tpu.memory_space<hbm>>
      %dma_start3A_50 = tpu.memref_squeeze %dma_start3A_49 : memref<1x79x128xi32, #tpu.memory_space<hbm>> -> memref<79x128xi32, #tpu.memory_space<hbm>>
      %dma_start3A_51 = arith.constant 0 : i32
      %dma_start3A_52 = arith.constant 0 : i32
      %dma_start3A_53 = tpu.memref_slice %arg4[%add3A, %dma_start3A_51, %dma_start3A_52] : memref<32x79x128xi32, #tpu.memory_space<hbm>> -> memref<1x79x128xi32, #tpu.memory_space<hbm>>
      %dma_start3A_54 = tpu.memref_squeeze %dma_start3A_53 : memref<1x79x128xi32, #tpu.memory_space<hbm>> -> memref<79x128xi32, #tpu.memory_space<hbm>>
      tpu.enqueue_dma source(%dma_start3A_54 : memref<79x128xi32, #tpu.memory_space<hbm>>) target(%arg7 : memref<79x128xi32, #tpu.memory_space<vmem>>) target_semaphore(%run_scoped3A : memref<!tpu.dma_semaphore, #tpu.memory_space<semaphore_mem>>)
      %dma_wait3A = arith.constant 0 : i32
      %dma_wait3A_55 = arith.constant 0 : i32
      %dma_wait3A_56 = tpu.memref_slice %arg4[%add3A, %dma_wait3A, %dma_wait3A_55] : memref<32x79x128xi32, #tpu.memory_space<hbm>> -> memref<1x79x128xi32, #tpu.memory_space<hbm>>
      %dma_wait3A_57 = tpu.memref_squeeze %dma_wait3A_56 : memref<1x79x128xi32, #tpu.memory_space<hbm>> -> memref<79x128xi32, #tpu.memory_space<hbm>>
      %dma_wait3A_58 = arith.constant 0 : i32
      %dma_wait3A_59 = arith.constant 0 : i32
      %dma_wait3A_60 = tpu.memref_slice %arg4[%add3A, %dma_wait3A_58, %dma_wait3A_59] : memref<32x79x128xi32, #tpu.memory_space<hbm>> -> memref<1x79x128xi32, #tpu.memory_space<hbm>>
      %dma_wait3A_61 = tpu.memref_squeeze %dma_wait3A_60 : memref<1x79x128xi32, #tpu.memory_space<hbm>> -> memref<79x128xi32, #tpu.memory_space<hbm>>
      tpu.wait_dma2 semaphore(%run_scoped3A : memref<!tpu.dma_semaphore, #tpu.memory_space<semaphore_mem>>) src(%dma_wait3A_61 : memref<79x128xi32, #tpu.memory_space<hbm>>) dst(%arg7 : memref<79x128xi32, #tpu.memory_space<vmem>>)
      tpu.yield
    }) : () -> ()
    %scan3A_20 = arith.constant 0 : i32
    %scan3A_21 = arith.constant 0 : i32
    %scan3A_22 = arith.constant 79 : i32
    %scan3A_23 = arith.addi %scan3A_21, %scan3A_22 : i32
    %scan3A_24 = arith.constant 1 : i32
    %scan3A_25 = scf.for %scan3A_48 = %scan3A_21 to %scan3A_23 step %scan3A_24 iter_args(%scan3A_49 = %scan3A_20) -> (i32)  : i32 {
      %dma_start3A = arith.constant 0 : i32
      %dma_start3A_50 = tpu.memref_slice %arg6[%scan3A_48, %dma_start3A] : memref<79x128xi32, #tpu.memory_space<vmem>> -> memref<1x128xi32, #tpu.memory_space<vmem>>
      %dma_start3A_51 = tpu.memref_squeeze %dma_start3A_50 : memref<1x128xi32, #tpu.memory_space<vmem>> -> memref<128xi32, #tpu.memory_space<vmem>>
      %dma_start3A_52 = arith.constant 0 : i32
      %dma_start3A_53 = arith.constant 0 : i32
      %dma_start3A_54 = tpu.memref_slice %arg2[%dma_start3A_52, %dma_start3A_53] : memref<10240x128xf32, #tpu.memory_space<hbm>> -> memref<10240x128xf32, #tpu.memory_space<hbm>>
      tpu.enqueue_indirect_dma source(%dma_start3A_54 : memref<10240x128xf32, #tpu.memory_space<hbm>>) target(%arg8 : memref<128x128xf32, #tpu.memory_space<vmem>>) offsets(%dma_start3A_51 : memref<128xi32, #tpu.memory_space<vmem>>) semaphore(%arg10 : memref<!tpu.dma_semaphore, #tpu.memory_space<semaphore_mem>>)
      %dma_wait3A = arith.constant 0 : i32
      %dma_wait3A_55 = tpu.memref_slice %arg6[%scan3A_48, %dma_wait3A] : memref<79x128xi32, #tpu.memory_space<vmem>> -> memref<1x128xi32, #tpu.memory_space<vmem>>
      %dma_wait3A_56 = tpu.memref_squeeze %dma_wait3A_55 : memref<1x128xi32, #tpu.memory_space<vmem>> -> memref<128xi32, #tpu.memory_space<vmem>>
      %dma_wait3A_57 = arith.constant 0 : i32
      %dma_wait3A_58 = arith.constant 0 : i32
      %dma_wait3A_59 = tpu.memref_slice %arg2[%dma_wait3A_57, %dma_wait3A_58] : memref<10240x128xf32, #tpu.memory_space<hbm>> -> memref<10240x128xf32, #tpu.memory_space<hbm>>
      tpu.wait_indirect_dma semaphore(%arg10 : memref<!tpu.dma_semaphore, #tpu.memory_space<semaphore_mem>>) src(%dma_wait3A_59 : memref<10240x128xf32, #tpu.memory_space<hbm>>) dst(%arg8 : memref<128x128xf32, #tpu.memory_space<vmem>>)
      "tpu.region"() ({
        %run_scoped3A = tpu.sem_alloc : memref<!tpu.dma_semaphore, #tpu.memory_space<semaphore_mem>>
        %dma_start3A_61 = arith.constant 0 : i32
        %dma_start3A_62 = tpu.memref_slice %arg7[%scan3A_48, %dma_start3A_61] : memref<79x128xi32, #tpu.memory_space<vmem>> -> memref<1x128xi32, #tpu.memory_space<vmem>>
        %dma_start3A_63 = tpu.memref_squeeze %dma_start3A_62 : memref<1x128xi32, #tpu.memory_space<vmem>> -> memref<128xi32, #tpu.memory_space<vmem>>
        %dma_start3A_64 = arith.constant 0 : i32
        %dma_start3A_65 = arith.constant 0 : i32
        %dma_start3A_66 = tpu.memref_slice %arg9[%dma_start3A_64, %dma_start3A_65] : memref<10240x128xf32, #tpu.memory_space<vmem_shared>> -> memref<10240x128xf32, #tpu.memory_space<vmem_shared>>
        tpu.enqueue_indirect_dma source(%arg8 : memref<128x128xf32, #tpu.memory_space<vmem>>) target(%dma_start3A_66 : memref<10240x128xf32, #tpu.memory_space<vmem_shared>>) offsets(%dma_start3A_63 : memref<128xi32, #tpu.memory_space<vmem>>) semaphore(%run_scoped3A : memref<!tpu.dma_semaphore, #tpu.memory_space<semaphore_mem>>) {add = true}
        %dma_wait3A_67 = arith.constant 0 : i32
        %dma_wait3A_68 = tpu.memref_slice %arg7[%scan3A_48, %dma_wait3A_67] : memref<79x128xi32, #tpu.memory_space<vmem>> -> memref<1x128xi32, #tpu.memory_space<vmem>>
        %dma_wait3A_69 = tpu.memref_squeeze %dma_wait3A_68 : memref<1x128xi32, #tpu.memory_space<vmem>> -> memref<128xi32, #tpu.memory_space<vmem>>
        %dma_wait3A_70 = arith.constant 0 : i32
        %dma_wait3A_71 = arith.constant 0 : i32
        %dma_wait3A_72 = tpu.memref_slice %arg9[%dma_wait3A_70, %dma_wait3A_71] : memref<10240x128xf32, #tpu.memory_space<vmem_shared>> -> memref<10240x128xf32, #tpu.memory_space<vmem_shared>>
        tpu.wait_indirect_dma semaphore(%run_scoped3A : memref<!tpu.dma_semaphore, #tpu.memory_space<semaphore_mem>>) src(%arg8 : memref<128x128xf32, #tpu.memory_space<vmem>>) dst(%dma_wait3A_72 : memref<10240x128xf32, #tpu.memory_space<vmem_shared>>)
        tpu.yield
      }) : () -> ()
      %scan3A_60 = arith.constant 0 : i32
      scf.yield %scan3A_60 : i32
    }
    %scan3A_26 = arith.constant 79 : i32
    %barrier3A_27 = arith.constant 0 : index
    tpu.barrier barrier_id(%barrier3A_27)
    %add3A_28 = arith.constant 0 : i32
    %add3A_29 = arith.addi %mul3A_9, %add3A_28 : i32
    %add3A_30 = arith.constant 0 : i32
    %add3A_31 = arith.addi %mul3A_9, %add3A_30 : i32
    "tpu.region"() ({
      %run_scoped3A = tpu.sem_alloc : memref<!tpu.dma_semaphore, #tpu.memory_space<semaphore_mem>>
      %dma_start3A = arith.constant 0 : i32
      %dma_start3A_48 = tpu.memref_slice %arg5[%arg0, %add3A_31, %dma_start3A] : memref<2x10240x128xf32, #tpu.memory_space<hbm>> -> memref<1x128x128xf32, #tpu.memory_space<hbm>>
      %dma_start3A_49 = tpu.memref_squeeze %dma_start3A_48 : memref<1x128x128xf32, #tpu.memory_space<hbm>> -> memref<128x128xf32, #tpu.memory_space<hbm>>
      %dma_start3A_50 = arith.constant 0 : i32
      %dma_start3A_51 = tpu.memref_slice %arg9[%add3A_29, %dma_start3A_50] : memref<10240x128xf32, #tpu.memory_space<vmem_shared>> -> memref<128x128xf32, #tpu.memory_space<vmem_shared>>
      tpu.enqueue_dma source(%dma_start3A_51 : memref<128x128xf32, #tpu.memory_space<vmem_shared>>) target(%dma_start3A_49 : memref<128x128xf32, #tpu.memory_space<hbm>>) target_semaphore(%run_scoped3A : memref<!tpu.dma_semaphore, #tpu.memory_space<semaphore_mem>>)
      %dma_wait3A = arith.constant 0 : i32
      %dma_wait3A_52 = tpu.memref_slice %arg5[%arg0, %add3A_31, %dma_wait3A] : memref<2x10240x128xf32, #tpu.memory_space<hbm>> -> memref<1x128x128xf32, #tpu.memory_space<hbm>>
      %dma_wait3A_53 = tpu.memref_squeeze %dma_wait3A_52 : memref<1x128x128xf32, #tpu.memory_space<hbm>> -> memref<128x128xf32, #tpu.memory_space<hbm>>
      %dma_wait3A_54 = arith.constant 0 : i32
      %dma_wait3A_55 = tpu.memref_slice %arg9[%add3A_29, %dma_wait3A_54] : memref<10240x128xf32, #tpu.memory_space<vmem_shared>> -> memref<128x128xf32, #tpu.memory_space<vmem_shared>>
      tpu.wait_dma2 semaphore(%run_scoped3A : memref<!tpu.dma_semaphore, #tpu.memory_space<semaphore_mem>>) src(%dma_wait3A_55 : memref<128x128xf32, #tpu.memory_space<vmem_shared>>) dst(%dma_wait3A_53 : memref<128x128xf32, #tpu.memory_space<hbm>>)
      tpu.yield
    }) : () -> ()
    %add3A_32 = arith.constant 128 : i32
    %add3A_33 = arith.addi %mul3A_9, %add3A_32 : i32
    %add3A_34 = arith.constant 128 : i32
    %add3A_35 = arith.addi %mul3A_9, %add3A_34 : i32
    "tpu.region"() ({
      %run_scoped3A = tpu.sem_alloc : memref<!tpu.dma_semaphore, #tpu.memory_space<semaphore_mem>>
      %dma_start3A = arith.constant 0 : i32
      %dma_start3A_48 = tpu.memref_slice %arg5[%arg0, %add3A_35, %dma_start3A] : memref<2x10240x128xf32, #tpu.memory_space<hbm>> -> memref<1x128x128xf32, #tpu.memory_space<hbm>>
      %dma_start3A_49 = tpu.memref_squeeze %dma_start3A_48 : memref<1x128x128xf32, #tpu.memory_space<hbm>> -> memref<128x128xf32, #tpu.memory_space<hbm>>
      %dma_start3A_50 = arith.constant 0 : i32
      %dma_start3A_51 = tpu.memref_slice %arg9[%add3A_33, %dma_start3A_50] : memref<10240x128xf32, #tpu.memory_space<vmem_shared>> -> memref<128x128xf32, #tpu.memory_space<vmem_shared>>
      tpu.enqueue_dma source(%dma_start3A_51 : memref<128x128xf32, #tpu.memory_space<vmem_shared>>) target(%dma_start3A_49 : memref<128x128xf32, #tpu.memory_space<hbm>>) target_semaphore(%run_scoped3A : memref<!tpu.dma_semaphore, #tpu.memory_space<semaphore_mem>>)
      %dma_wait3A = arith.constant 0 : i32
      %dma_wait3A_52 = tpu.memref_slice %arg5[%arg0, %add3A_35, %dma_wait3A] : memref<2x10240x128xf32, #tpu.memory_space<hbm>> -> memref<1x128x128xf32, #tpu.memory_space<hbm>>
      %dma_wait3A_53 = tpu.memref_squeeze %dma_wait3A_52 : memref<1x128x128xf32, #tpu.memory_space<hbm>> -> memref<128x128xf32, #tpu.memory_space<hbm>>
      %dma_wait3A_54 = arith.constant 0 : i32
      %dma_wait3A_55 = tpu.memref_slice %arg9[%add3A_33, %dma_wait3A_54] : memref<10240x128xf32, #tpu.memory_space<vmem_shared>> -> memref<128x128xf32, #tpu.memory_space<vmem_shared>>
      tpu.wait_dma2 semaphore(%run_scoped3A : memref<!tpu.dma_semaphore, #tpu.memory_space<semaphore_mem>>) src(%dma_wait3A_55 : memref<128x128xf32, #tpu.memory_space<vmem_shared>>) dst(%dma_wait3A_53 : memref<128x128xf32, #tpu.memory_space<hbm>>)
      tpu.yield
    }) : () -> ()
    %add3A_36 = arith.constant 256 : i32
    %add3A_37 = arith.addi %mul3A_9, %add3A_36 : i32
    %add3A_38 = arith.constant 256 : i32
    %add3A_39 = arith.addi %mul3A_9, %add3A_38 : i32
    "tpu.region"() ({
      %run_scoped3A = tpu.sem_alloc : memref<!tpu.dma_semaphore, #tpu.memory_space<semaphore_mem>>
      %dma_start3A = arith.constant 0 : i32
      %dma_start3A_48 = tpu.memref_slice %arg5[%arg0, %add3A_39, %dma_start3A] : memref<2x10240x128xf32, #tpu.memory_space<hbm>> -> memref<1x128x128xf32, #tpu.memory_space<hbm>>
      %dma_start3A_49 = tpu.memref_squeeze %dma_start3A_48 : memref<1x128x128xf32, #tpu.memory_space<hbm>> -> memref<128x128xf32, #tpu.memory_space<hbm>>
      %dma_start3A_50 = arith.constant 0 : i32
      %dma_start3A_51 = tpu.memref_slice %arg9[%add3A_37, %dma_start3A_50] : memref<10240x128xf32, #tpu.memory_space<vmem_shared>> -> memref<128x128xf32, #tpu.memory_space<vmem_shared>>
      tpu.enqueue_dma source(%dma_start3A_51 : memref<128x128xf32, #tpu.memory_space<vmem_shared>>) target(%dma_start3A_49 : memref<128x128xf32, #tpu.memory_space<hbm>>) target_semaphore(%run_scoped3A : memref<!tpu.dma_semaphore, #tpu.memory_space<semaphore_mem>>)
      %dma_wait3A = arith.constant 0 : i32
      %dma_wait3A_52 = tpu.memref_slice %arg5[%arg0, %add3A_39, %dma_wait3A] : memref<2x10240x128xf32, #tpu.memory_space<hbm>> -> memref<1x128x128xf32, #tpu.memory_space<hbm>>
      %dma_wait3A_53 = tpu.memref_squeeze %dma_wait3A_52 : memref<1x128x128xf32, #tpu.memory_space<hbm>> -> memref<128x128xf32, #tpu.memory_space<hbm>>
      %dma_wait3A_54 = arith.constant 0 : i32
      %dma_wait3A_55 = tpu.memref_slice %arg9[%add3A_37, %dma_wait3A_54] : memref<10240x128xf32, #tpu.memory_space<vmem_shared>> -> memref<128x128xf32, #tpu.memory_space<vmem_shared>>
      tpu.wait_dma2 semaphore(%run_scoped3A : memref<!tpu.dma_semaphore, #tpu.memory_space<semaphore_mem>>) src(%dma_wait3A_55 : memref<128x128xf32, #tpu.memory_space<vmem_shared>>) dst(%dma_wait3A_53 : memref<128x128xf32, #tpu.memory_space<hbm>>)
      tpu.yield
    }) : () -> ()
    %add3A_40 = arith.constant 384 : i32
    %add3A_41 = arith.addi %mul3A_9, %add3A_40 : i32
    %add3A_42 = arith.constant 384 : i32
    %add3A_43 = arith.addi %mul3A_9, %add3A_42 : i32
    "tpu.region"() ({
      %run_scoped3A = tpu.sem_alloc : memref<!tpu.dma_semaphore, #tpu.memory_space<semaphore_mem>>
      %dma_start3A = arith.constant 0 : i32
      %dma_start3A_48 = tpu.memref_slice %arg5[%arg0, %add3A_43, %dma_start3A] : memref<2x10240x128xf32, #tpu.memory_space<hbm>> -> memref<1x128x128xf32, #tpu.memory_space<hbm>>
      %dma_start3A_49 = tpu.memref_squeeze %dma_start3A_48 : memref<1x128x128xf32, #tpu.memory_space<hbm>> -> memref<128x128xf32, #tpu.memory_space<hbm>>
      %dma_start3A_50 = arith.constant 0 : i32
      %dma_start3A_51 = tpu.memref_slice %arg9[%add3A_41, %dma_start3A_50] : memref<10240x128xf32, #tpu.memory_space<vmem_shared>> -> memref<128x128xf32, #tpu.memory_space<vmem_shared>>
      tpu.enqueue_dma source(%dma_start3A_51 : memref<128x128xf32, #tpu.memory_space<vmem_shared>>) target(%dma_start3A_49 : memref<128x128xf32, #tpu.memory_space<hbm>>) target_semaphore(%run_scoped3A : memref<!tpu.dma_semaphore, #tpu.memory_space<semaphore_mem>>)
      %dma_wait3A = arith.constant 0 : i32
      %dma_wait3A_52 = tpu.memref_slice %arg5[%arg0, %add3A_43, %dma_wait3A] : memref<2x10240x128xf32, #tpu.memory_space<hbm>> -> memref<1x128x128xf32, #tpu.memory_space<hbm>>
      %dma_wait3A_53 = tpu.memref_squeeze %dma_wait3A_52 : memref<1x128x128xf32, #tpu.memory_space<hbm>> -> memref<128x128xf32, #tpu.memory_space<hbm>>
      %dma_wait3A_54 = arith.constant 0 : i32
      %dma_wait3A_55 = tpu.memref_slice %arg9[%add3A_41, %dma_wait3A_54] : memref<10240x128xf32, #tpu.memory_space<vmem_shared>> -> memref<128x128xf32, #tpu.memory_space<vmem_shared>>
      tpu.wait_dma2 semaphore(%run_scoped3A : memref<!tpu.dma_semaphore, #tpu.memory_space<semaphore_mem>>) src(%dma_wait3A_55 : memref<128x128xf32, #tpu.memory_space<vmem_shared>>) dst(%dma_wait3A_53 : memref<128x128xf32, #tpu.memory_space<hbm>>)
      tpu.yield
    }) : () -> ()
    %add3A_44 = arith.constant 512 : i32
    %add3A_45 = arith.addi %mul3A_9, %add3A_44 : i32
    %add3A_46 = arith.constant 512 : i32
    %add3A_47 = arith.addi %mul3A_9, %add3A_46 : i32
    "tpu.region"() ({
      %run_scoped3A = tpu.sem_alloc : memref<!tpu.dma_semaphore, #tpu.memory_space<semaphore_mem>>
      %dma_start3A = arith.constant 0 : i32
      %dma_start3A_48 = tpu.memref_slice %arg5[%arg0, %add3A_47, %dma_start3A] : memref<2x10240x128xf32, #tpu.memory_space<hbm>> -> memref<1x128x128xf32, #tpu.memory_space<hbm>>
      %dma_start3A_49 = tpu.memref_squeeze %dma_start3A_48 : memref<1x128x128xf32, #tpu.memory_space<hbm>> -> memref<128x128xf32, #tpu.memory_space<hbm>>
      %dma_start3A_50 = arith.constant 0 : i32
      %dma_start3A_51 = tpu.memref_slice %arg9[%add3A_45, %dma_start3A_50] : memref<10240x128xf32, #tpu.memory_space<vmem_shared>> -> memref<128x128xf32, #tpu.memory_space<vmem_shared>>
      tpu.enqueue_dma source(%dma_start3A_51 : memref<128x128xf32, #tpu.memory_space<vmem_shared>>) target(%dma_start3A_49 : memref<128x128xf32, #tpu.memory_space<hbm>>) target_semaphore(%run_scoped3A : memref<!tpu.dma_semaphore, #tpu.memory_space<semaphore_mem>>)
      %dma_wait3A = arith.constant 0 : i32
      %dma_wait3A_52 = tpu.memref_slice %arg5[%arg0, %add3A_47, %dma_wait3A] : memref<2x10240x128xf32, #tpu.memory_space<hbm>> -> memref<1x128x128xf32, #tpu.memory_space<hbm>>
      %dma_wait3A_53 = tpu.memref_squeeze %dma_wait3A_52 : memref<1x128x128xf32, #tpu.memory_space<hbm>> -> memref<128x128xf32, #tpu.memory_space<hbm>>
      %dma_wait3A_54 = arith.constant 0 : i32
      %dma_wait3A_55 = tpu.memref_slice %arg9[%add3A_45, %dma_wait3A_54] : memref<10240x128xf32, #tpu.memory_space<vmem_shared>> -> memref<128x128xf32, #tpu.memory_space<vmem_shared>>
      tpu.wait_dma2 semaphore(%run_scoped3A : memref<!tpu.dma_semaphore, #tpu.memory_space<semaphore_mem>>) src(%dma_wait3A_55 : memref<128x128xf32, #tpu.memory_space<vmem_shared>>) dst(%dma_wait3A_53 : memref<128x128xf32, #tpu.memory_space<hbm>>)
      tpu.yield
    }) : () -> ()
    return
  }
}

#map = affine_map<(d0, d1) -> (0, 0)>
#map1 = affine_map<(d0, d1) -> (0, 0, 0)>
module attributes {stable_mosaic.version = 14 : i64} {
  func.func @body(%arg0: i32, %arg1: i32, %arg2: memref<10240x128xf32, #tpu.memory_space<hbm>>, %arg3: memref<32x79x128xi32, #tpu.memory_space<hbm>>, %arg4: memref<32x79x128xi32, #tpu.memory_space<hbm>>, %arg5: memref<2x10240x128xf32, #tpu.memory_space<hbm>>, %arg6: memref<79x128xi32, #tpu.memory_space<vmem>>, %arg7: memref<79x128xi32, #tpu.memory_space<vmem>>, %arg8: memref<128x128xf32, #tpu.memory_space<vmem>>, %arg9: memref<10240x128xf32, #tpu.memory_space<vmem_shared>>, %arg10: memref<!tpu.dma_semaphore, #tpu.memory_space<semaphore_mem>>) attributes {dimension_semantics = [#tpu.dimension_semantics<core_parallel>, #tpu.dimension_semantics<subcore_parallel>], iteration_bounds = array<i64: 2, 16>, scalar_prefetch = 0 : i64, scratch_operands = 5 : i64, tpu.core_type = #tpu.core_type<sc_vector_subcore>, window_params = [{transform_indices = #map}, {transform_indices = #map1}, {transform_indices = #map1}, {transform_indices = #map1}]} {
    %mul3A = arith.constant 2 : i32
    %mul3A_0 = arith.muli %arg1, %mul3A : i32
    %add3A = arith.addi %mul3A_0, %arg0 : i32
    %broadcast_in_dim3A = arith.constant 0.000000e+00 : f32
    %broadcast_in_dim3A_1 = vector.broadcast %broadcast_in_dim3A : f32 to vector<16xf32>
    %scan3A = arith.constant 0 : i32
    %scan3A_2 = arith.constant 0 : i32
    %scan3A_3 = arith.constant 128 : i32
    %scan3A_4 = arith.addi %scan3A_2, %scan3A_3 : i32
    %scan3A_5 = arith.constant 1 : i32
    %scan3A_6 = scf.for %scan3A_57 = %scan3A_2 to %scan3A_4 step %scan3A_5 iter_args(%scan3A_58 = %scan3A) -> (i32)  : i32 {
      %swap3A = arith.index_cast %scan3A_57 : i32 to index
      %swap3A_59 = arith.constant 0 : index
      %swap3A_60 = tpu.vector_load %arg8[%swap3A, %swap3A_59] {strides = array<i32>} : memref<128x128xf32, #tpu.memory_space<vmem>>, vector<1x16xf32>,
      %swap3A_61 = vector.shape_cast %swap3A_60 : vector<1x16xf32> to vector<16xf32>
      %swap3A_62 = vector.shape_cast %broadcast_in_dim3A_1 : vector<16xf32> to vector<1x16xf32>
      tpu.vector_store %arg8[%swap3A, %swap3A_59], %swap3A_62 {strides = array<i32>} : memref<128x128xf32, #tpu.memory_space<vmem>>, vector<1x16xf32>,
      %swap3A_63 = arith.index_cast %scan3A_57 : i32 to index
      %swap3A_64 = arith.constant 16 : index
      %swap3A_65 = tpu.vector_load %arg8[%swap3A_63, %swap3A_64] {strides = array<i32>} : memref<128x128xf32, #tpu.memory_space<vmem>>, vector<1x16xf32>,
      %swap3A_66 = vector.shape_cast %swap3A_65 : vector<1x16xf32> to vector<16xf32>
      %swap3A_67 = vector.shape_cast %broadcast_in_dim3A_1 : vector<16xf32> to vector<1x16xf32>
      tpu.vector_store %arg8[%swap3A_63, %swap3A_64], %swap3A_67 {strides = array<i32>} : memref<128x128xf32, #tpu.memory_space<vmem>>, vector<1x16xf32>,
      %swap3A_68 = arith.index_cast %scan3A_57 : i32 to index
      %swap3A_69 = arith.constant 32 : index
      %swap3A_70 = tpu.vector_load %arg8[%swap3A_68, %swap3A_69] {strides = array<i32>} : memref<128x128xf32, #tpu.memory_space<vmem>>, vector<1x16xf32>,
      %swap3A_71 = vector.shape_cast %swap3A_70 : vector<1x16xf32> to vector<16xf32>
      %swap3A_72 = vector.shape_cast %broadcast_in_dim3A_1 : vector<16xf32> to vector<1x16xf32>
      tpu.vector_store %arg8[%swap3A_68, %swap3A_69], %swap3A_72 {strides = array<i32>} : memref<128x128xf32, #tpu.memory_space<vmem>>, vector<1x16xf32>,
      %swap3A_73 = arith.index_cast %scan3A_57 : i32 to index
      %swap3A_74 = arith.constant 48 : index
      %swap3A_75 = tpu.vector_load %arg8[%swap3A_73, %swap3A_74] {strides = array<i32>} : memref<128x128xf32, #tpu.memory_space<vmem>>, vector<1x16xf32>,
      %swap3A_76 = vector.shape_cast %swap3A_75 : vector<1x16xf32> to vector<16xf32>
      %swap3A_77 = vector.shape_cast %broadcast_in_dim3A_1 : vector<16xf32> to vector<1x16xf32>
      tpu.vector_store %arg8[%swap3A_73, %swap3A_74], %swap3A_77 {strides = array<i32>} : memref<128x128xf32, #tpu.memory_space<vmem>>, vector<1x16xf32>,
      %swap3A_78 = arith.index_cast %scan3A_57 : i32 to index
      %swap3A_79 = arith.constant 64 : index
      %swap3A_80 = tpu.vector_load %arg8[%swap3A_78, %swap3A_79] {strides = array<i32>} : memref<128x128xf32, #tpu.memory_space<vmem>>, vector<1x16xf32>,
      %swap3A_81 = vector.shape_cast %swap3A_80 : vector<1x16xf32> to vector<16xf32>
      %swap3A_82 = vector.shape_cast %broadcast_in_dim3A_1 : vector<16xf32> to vector<1x16xf32>
      tpu.vector_store %arg8[%swap3A_78, %swap3A_79], %swap3A_82 {strides = array<i32>} : memref<128x128xf32, #tpu.memory_space<vmem>>, vector<1x16xf32>,
      %swap3A_83 = arith.index_cast %scan3A_57 : i32 to index
      %swap3A_84 = arith.constant 80 : index
      %swap3A_85 = tpu.vector_load %arg8[%swap3A_83, %swap3A_84] {strides = array<i32>} : memref<128x128xf32, #tpu.memory_space<vmem>>, vector<1x16xf32>,
      %swap3A_86 = vector.shape_cast %swap3A_85 : vector<1x16xf32> to vector<16xf32>
      %swap3A_87 = vector.shape_cast %broadcast_in_dim3A_1 : vector<16xf32> to vector<1x16xf32>
      tpu.vector_store %arg8[%swap3A_83, %swap3A_84], %swap3A_87 {strides = array<i32>} : memref<128x128xf32, #tpu.memory_space<vmem>>, vector<1x16xf32>,
      %swap3A_88 = arith.index_cast %scan3A_57 : i32 to index
      %swap3A_89 = arith.constant 96 : index
      %swap3A_90 = tpu.vector_load %arg8[%swap3A_88, %swap3A_89] {strides = array<i32>} : memref<128x128xf32, #tpu.memory_space<vmem>>, vector<1x16xf32>,
      %swap3A_91 = vector.shape_cast %swap3A_90 : vector<1x16xf32> to vector<16xf32>
      %swap3A_92 = vector.shape_cast %broadcast_in_dim3A_1 : vector<16xf32> to vector<1x16xf32>
      tpu.vector_store %arg8[%swap3A_88, %swap3A_89], %swap3A_92 {strides = array<i32>} : memref<128x128xf32, #tpu.memory_space<vmem>>, vector<1x16xf32>,
      %swap3A_93 = arith.index_cast %scan3A_57 : i32 to index
      %swap3A_94 = arith.constant 112 : index
      %swap3A_95 = tpu.vector_load %arg8[%swap3A_93, %swap3A_94] {strides = array<i32>} : memref<128x128xf32, #tpu.memory_space<vmem>>, vector<1x16xf32>,
      %swap3A_96 = vector.shape_cast %swap3A_95 : vector<1x16xf32> to vector<16xf32>
      %swap3A_97 = vector.shape_cast %broadcast_in_dim3A_1 : vector<16xf32> to vector<1x16xf32>
      tpu.vector_store %arg8[%swap3A_93, %swap3A_94], %swap3A_97 {strides = array<i32>} : memref<128x128xf32, #tpu.memory_space<vmem>>, vector<1x16xf32>,
      %scan3A_98 = arith.constant 0 : i32
      scf.yield %scan3A_98 : i32
    }
    %scan3A_7 = arith.constant 128 : i32
    %mul3A_8 = arith.constant 640 : i32
    %mul3A_9 = arith.muli %arg1, %mul3A_8 : i32
    %add3A_10 = arith.constant 0 : i32
    %add3A_11 = arith.addi %mul3A_9, %add3A_10 : i32
    "tpu.region"() ({
      %run_scoped3A = tpu.sem_alloc : memref<!tpu.dma_semaphore, #tpu.memory_space<semaphore_mem>>
      %dma_start3A = arith.constant 0 : i32
      %dma_start3A_57 = tpu.memref_slice %arg9[%add3A_11, %dma_start3A] : memref<10240x128xf32, #tpu.memory_space<vmem_shared>> -> memref<128x128xf32, #tpu.memory_space<vmem_shared>>
      %dma_start3A_58 = arith.constant 0 : i32
      %dma_start3A_59 = tpu.memref_slice %arg9[%add3A_11, %dma_start3A_58] : memref<10240x128xf32, #tpu.memory_space<vmem_shared>> -> memref<128x128xf32, #tpu.memory_space<vmem_shared>>
      tpu.enqueue_dma source(%arg8 : memref<128x128xf32, #tpu.memory_space<vmem>>) target(%dma_start3A_59 : memref<128x128xf32, #tpu.memory_space<vmem_shared>>) target_semaphore(%run_scoped3A : memref<!tpu.dma_semaphore, #tpu.memory_space<semaphore_mem>>)
      %dma_wait3A = arith.constant 0 : i32
      %dma_wait3A_60 = tpu.memref_slice %arg9[%add3A_11, %dma_wait3A] : memref<10240x128xf32, #tpu.memory_space<vmem_shared>> -> memref<128x128xf32, #tpu.memory_space<vmem_shared>>
      %dma_wait3A_61 = arith.constant 0 : i32
      %dma_wait3A_62 = tpu.memref_slice %arg9[%add3A_11, %dma_wait3A_61] : memref<10240x128xf32, #tpu.memory_space<vmem_shared>> -> memref<128x128xf32, #tpu.memory_space<vmem_shared>>
      tpu.wait_dma2 semaphore(%run_scoped3A : memref<!tpu.dma_semaphore, #tpu.memory_space<semaphore_mem>>) src(%arg8 : memref<128x128xf32, #tpu.memory_space<vmem>>) dst(%dma_wait3A_62 : memref<128x128xf32, #tpu.memory_space<vmem_shared>>)
      tpu.yield
    }) : () -> ()
    %add3A_12 = arith.constant 128 : i32
    %add3A_13 = arith.addi %mul3A_9, %add3A_12 : i32
    "tpu.region"() ({
      %run_scoped3A = tpu.sem_alloc : memref<!tpu.dma_semaphore, #tpu.memory_space<semaphore_mem>>
      %dma_start3A = arith.constant 0 : i32
      %dma_start3A_57 = tpu.memref_slice %arg9[%add3A_13, %dma_start3A] : memref<10240x128xf32, #tpu.memory_space<vmem_shared>> -> memref<128x128xf32, #tpu.memory_space<vmem_shared>>
      %dma_start3A_58 = arith.constant 0 : i32
      %dma_start3A_59 = tpu.memref_slice %arg9[%add3A_13, %dma_start3A_58] : memref<10240x128xf32, #tpu.memory_space<vmem_shared>> -> memref<128x128xf32, #tpu.memory_space<vmem_shared>>
      tpu.enqueue_dma source(%arg8 : memref<128x128xf32, #tpu.memory_space<vmem>>) target(%dma_start3A_59 : memref<128x128xf32, #tpu.memory_space<vmem_shared>>) target_semaphore(%run_scoped3A : memref<!tpu.dma_semaphore, #tpu.memory_space<semaphore_mem>>)
      %dma_wait3A = arith.constant 0 : i32
      %dma_wait3A_60 = tpu.memref_slice %arg9[%add3A_13, %dma_wait3A] : memref<10240x128xf32, #tpu.memory_space<vmem_shared>> -> memref<128x128xf32, #tpu.memory_space<vmem_shared>>
      %dma_wait3A_61 = arith.constant 0 : i32
      %dma_wait3A_62 = tpu.memref_slice %arg9[%add3A_13, %dma_wait3A_61] : memref<10240x128xf32, #tpu.memory_space<vmem_shared>> -> memref<128x128xf32, #tpu.memory_space<vmem_shared>>
      tpu.wait_dma2 semaphore(%run_scoped3A : memref<!tpu.dma_semaphore, #tpu.memory_space<semaphore_mem>>) src(%arg8 : memref<128x128xf32, #tpu.memory_space<vmem>>) dst(%dma_wait3A_62 : memref<128x128xf32, #tpu.memory_space<vmem_shared>>)
      tpu.yield
    }) : () -> ()
    %add3A_14 = arith.constant 256 : i32
    %add3A_15 = arith.addi %mul3A_9, %add3A_14 : i32
    "tpu.region"() ({
      %run_scoped3A = tpu.sem_alloc : memref<!tpu.dma_semaphore, #tpu.memory_space<semaphore_mem>>
      %dma_start3A = arith.constant 0 : i32
      %dma_start3A_57 = tpu.memref_slice %arg9[%add3A_15, %dma_start3A] : memref<10240x128xf32, #tpu.memory_space<vmem_shared>> -> memref<128x128xf32, #tpu.memory_space<vmem_shared>>
      %dma_start3A_58 = arith.constant 0 : i32
      %dma_start3A_59 = tpu.memref_slice %arg9[%add3A_15, %dma_start3A_58] : memref<10240x128xf32, #tpu.memory_space<vmem_shared>> -> memref<128x128xf32, #tpu.memory_space<vmem_shared>>
      tpu.enqueue_dma source(%arg8 : memref<128x128xf32, #tpu.memory_space<vmem>>) target(%dma_start3A_59 : memref<128x128xf32, #tpu.memory_space<vmem_shared>>) target_semaphore(%run_scoped3A : memref<!tpu.dma_semaphore, #tpu.memory_space<semaphore_mem>>)
      %dma_wait3A = arith.constant 0 : i32
      %dma_wait3A_60 = tpu.memref_slice %arg9[%add3A_15, %dma_wait3A] : memref<10240x128xf32, #tpu.memory_space<vmem_shared>> -> memref<128x128xf32, #tpu.memory_space<vmem_shared>>
      %dma_wait3A_61 = arith.constant 0 : i32
      %dma_wait3A_62 = tpu.memref_slice %arg9[%add3A_15, %dma_wait3A_61] : memref<10240x128xf32, #tpu.memory_space<vmem_shared>> -> memref<128x128xf32, #tpu.memory_space<vmem_shared>>
      tpu.wait_dma2 semaphore(%run_scoped3A : memref<!tpu.dma_semaphore, #tpu.memory_space<semaphore_mem>>) src(%arg8 : memref<128x128xf32, #tpu.memory_space<vmem>>) dst(%dma_wait3A_62 : memref<128x128xf32, #tpu.memory_space<vmem_shared>>)
      tpu.yield
    }) : () -> ()
    %add3A_16 = arith.constant 384 : i32
    %add3A_17 = arith.addi %mul3A_9, %add3A_16 : i32
    "tpu.region"() ({
      %run_scoped3A = tpu.sem_alloc : memref<!tpu.dma_semaphore, #tpu.memory_space<semaphore_mem>>
      %dma_start3A = arith.constant 0 : i32
      %dma_start3A_57 = tpu.memref_slice %arg9[%add3A_17, %dma_start3A] : memref<10240x128xf32, #tpu.memory_space<vmem_shared>> -> memref<128x128xf32, #tpu.memory_space<vmem_shared>>
      %dma_start3A_58 = arith.constant 0 : i32
      %dma_start3A_59 = tpu.memref_slice %arg9[%add3A_17, %dma_start3A_58] : memref<10240x128xf32, #tpu.memory_space<vmem_shared>> -> memref<128x128xf32, #tpu.memory_space<vmem_shared>>
      tpu.enqueue_dma source(%arg8 : memref<128x128xf32, #tpu.memory_space<vmem>>) target(%dma_start3A_59 : memref<128x128xf32, #tpu.memory_space<vmem_shared>>) target_semaphore(%run_scoped3A : memref<!tpu.dma_semaphore, #tpu.memory_space<semaphore_mem>>)
      %dma_wait3A = arith.constant 0 : i32
      %dma_wait3A_60 = tpu.memref_slice %arg9[%add3A_17, %dma_wait3A] : memref<10240x128xf32, #tpu.memory_space<vmem_shared>> -> memref<128x128xf32, #tpu.memory_space<vmem_shared>>
      %dma_wait3A_61 = arith.constant 0 : i32
      %dma_wait3A_62 = tpu.memref_slice %arg9[%add3A_17, %dma_wait3A_61] : memref<10240x128xf32, #tpu.memory_space<vmem_shared>> -> memref<128x128xf32, #tpu.memory_space<vmem_shared>>
      tpu.wait_dma2 semaphore(%run_scoped3A : memref<!tpu.dma_semaphore, #tpu.memory_space<semaphore_mem>>) src(%arg8 : memref<128x128xf32, #tpu.memory_space<vmem>>) dst(%dma_wait3A_62 : memref<128x128xf32, #tpu.memory_space<vmem_shared>>)
      tpu.yield
    }) : () -> ()
    %add3A_18 = arith.constant 512 : i32
    %add3A_19 = arith.addi %mul3A_9, %add3A_18 : i32
    "tpu.region"() ({
      %run_scoped3A = tpu.sem_alloc : memref<!tpu.dma_semaphore, #tpu.memory_space<semaphore_mem>>
      %dma_start3A = arith.constant 0 : i32
      %dma_start3A_57 = tpu.memref_slice %arg9[%add3A_19, %dma_start3A] : memref<10240x128xf32, #tpu.memory_space<vmem_shared>> -> memref<128x128xf32, #tpu.memory_space<vmem_shared>>
      %dma_start3A_58 = arith.constant 0 : i32
      %dma_start3A_59 = tpu.memref_slice %arg9[%add3A_19, %dma_start3A_58] : memref<10240x128xf32, #tpu.memory_space<vmem_shared>> -> memref<128x128xf32, #tpu.memory_space<vmem_shared>>
      tpu.enqueue_dma source(%arg8 : memref<128x128xf32, #tpu.memory_space<vmem>>) target(%dma_start3A_59 : memref<128x128xf32, #tpu.memory_space<vmem_shared>>) target_semaphore(%run_scoped3A : memref<!tpu.dma_semaphore, #tpu.memory_space<semaphore_mem>>)
      %dma_wait3A = arith.constant 0 : i32
      %dma_wait3A_60 = tpu.memref_slice %arg9[%add3A_19, %dma_wait3A] : memref<10240x128xf32, #tpu.memory_space<vmem_shared>> -> memref<128x128xf32, #tpu.memory_space<vmem_shared>>
      %dma_wait3A_61 = arith.constant 0 : i32
      %dma_wait3A_62 = tpu.memref_slice %arg9[%add3A_19, %dma_wait3A_61] : memref<10240x128xf32, #tpu.memory_space<vmem_shared>> -> memref<128x128xf32, #tpu.memory_space<vmem_shared>>
      tpu.wait_dma2 semaphore(%run_scoped3A : memref<!tpu.dma_semaphore, #tpu.memory_space<semaphore_mem>>) src(%arg8 : memref<128x128xf32, #tpu.memory_space<vmem>>) dst(%dma_wait3A_62 : memref<128x128xf32, #tpu.memory_space<vmem_shared>>)
      tpu.yield
    }) : () -> ()
    %barrier3A = arith.constant 0 : index
    tpu.barrier barrier_id(%barrier3A)
    %broadcast_in_dim3A_20 = arith.constant 1.000000e+00 : f32
    %broadcast_in_dim3A_21 = vector.broadcast %broadcast_in_dim3A_20 : f32 to vector<16xf32>
    %scan3A_22 = arith.constant 0 : i32
    %scan3A_23 = arith.constant 0 : i32
    %scan3A_24 = arith.constant 128 : i32
    %scan3A_25 = arith.addi %scan3A_23, %scan3A_24 : i32
    %scan3A_26 = arith.constant 1 : i32
    %scan3A_27 = scf.for %scan3A_57 = %scan3A_23 to %scan3A_25 step %scan3A_26 iter_args(%scan3A_58 = %scan3A_22) -> (i32)  : i32 {
      %swap3A = arith.index_cast %scan3A_57 : i32 to index
      %swap3A_59 = arith.constant 0 : index
      %swap3A_60 = tpu.vector_load %arg8[%swap3A, %swap3A_59] {strides = array<i32>} : memref<128x128xf32, #tpu.memory_space<vmem>>, vector<1x16xf32>,
      %swap3A_61 = vector.shape_cast %swap3A_60 : vector<1x16xf32> to vector<16xf32>
      %swap3A_62 = vector.shape_cast %broadcast_in_dim3A_21 : vector<16xf32> to vector<1x16xf32>
      tpu.vector_store %arg8[%swap3A, %swap3A_59], %swap3A_62 {strides = array<i32>} : memref<128x128xf32, #tpu.memory_space<vmem>>, vector<1x16xf32>,
      %swap3A_63 = arith.index_cast %scan3A_57 : i32 to index
      %swap3A_64 = arith.constant 16 : index
      %swap3A_65 = tpu.vector_load %arg8[%swap3A_63, %swap3A_64] {strides = array<i32>} : memref<128x128xf32, #tpu.memory_space<vmem>>, vector<1x16xf32>,
      %swap3A_66 = vector.shape_cast %swap3A_65 : vector<1x16xf32> to vector<16xf32>
      %swap3A_67 = vector.shape_cast %broadcast_in_dim3A_21 : vector<16xf32> to vector<1x16xf32>
      tpu.vector_store %arg8[%swap3A_63, %swap3A_64], %swap3A_67 {strides = array<i32>} : memref<128x128xf32, #tpu.memory_space<vmem>>, vector<1x16xf32>,
      %swap3A_68 = arith.index_cast %scan3A_57 : i32 to index
      %swap3A_69 = arith.constant 32 : index
      %swap3A_70 = tpu.vector_load %arg8[%swap3A_68, %swap3A_69] {strides = array<i32>} : memref<128x128xf32, #tpu.memory_space<vmem>>, vector<1x16xf32>,
      %swap3A_71 = vector.shape_cast %swap3A_70 : vector<1x16xf32> to vector<16xf32>
      %swap3A_72 = vector.shape_cast %broadcast_in_dim3A_21 : vector<16xf32> to vector<1x16xf32>
      tpu.vector_store %arg8[%swap3A_68, %swap3A_69], %swap3A_72 {strides = array<i32>} : memref<128x128xf32, #tpu.memory_space<vmem>>, vector<1x16xf32>,
      %swap3A_73 = arith.index_cast %scan3A_57 : i32 to index
      %swap3A_74 = arith.constant 48 : index
      %swap3A_75 = tpu.vector_load %arg8[%swap3A_73, %swap3A_74] {strides = array<i32>} : memref<128x128xf32, #tpu.memory_space<vmem>>, vector<1x16xf32>,
      %swap3A_76 = vector.shape_cast %swap3A_75 : vector<1x16xf32> to vector<16xf32>
      %swap3A_77 = vector.shape_cast %broadcast_in_dim3A_21 : vector<16xf32> to vector<1x16xf32>
      tpu.vector_store %arg8[%swap3A_73, %swap3A_74], %swap3A_77 {strides = array<i32>} : memref<128x128xf32, #tpu.memory_space<vmem>>, vector<1x16xf32>,
      %swap3A_78 = arith.index_cast %scan3A_57 : i32 to index
      %swap3A_79 = arith.constant 64 : index
      %swap3A_80 = tpu.vector_load %arg8[%swap3A_78, %swap3A_79] {strides = array<i32>} : memref<128x128xf32, #tpu.memory_space<vmem>>, vector<1x16xf32>,
      %swap3A_81 = vector.shape_cast %swap3A_80 : vector<1x16xf32> to vector<16xf32>
      %swap3A_82 = vector.shape_cast %broadcast_in_dim3A_21 : vector<16xf32> to vector<1x16xf32>
      tpu.vector_store %arg8[%swap3A_78, %swap3A_79], %swap3A_82 {strides = array<i32>} : memref<128x128xf32, #tpu.memory_space<vmem>>, vector<1x16xf32>,
      %swap3A_83 = arith.index_cast %scan3A_57 : i32 to index
      %swap3A_84 = arith.constant 80 : index
      %swap3A_85 = tpu.vector_load %arg8[%swap3A_83, %swap3A_84] {strides = array<i32>} : memref<128x128xf32, #tpu.memory_space<vmem>>, vector<1x16xf32>,
      %swap3A_86 = vector.shape_cast %swap3A_85 : vector<1x16xf32> to vector<16xf32>
      %swap3A_87 = vector.shape_cast %broadcast_in_dim3A_21 : vector<16xf32> to vector<1x16xf32>
      tpu.vector_store %arg8[%swap3A_83, %swap3A_84], %swap3A_87 {strides = array<i32>} : memref<128x128xf32, #tpu.memory_space<vmem>>, vector<1x16xf32>,
      %swap3A_88 = arith.index_cast %scan3A_57 : i32 to index
      %swap3A_89 = arith.constant 96 : index
      %swap3A_90 = tpu.vector_load %arg8[%swap3A_88, %swap3A_89] {strides = array<i32>} : memref<128x128xf32, #tpu.memory_space<vmem>>, vector<1x16xf32>,
      %swap3A_91 = vector.shape_cast %swap3A_90 : vector<1x16xf32> to vector<16xf32>
      %swap3A_92 = vector.shape_cast %broadcast_in_dim3A_21 : vector<16xf32> to vector<1x16xf32>
      tpu.vector_store %arg8[%swap3A_88, %swap3A_89], %swap3A_92 {strides = array<i32>} : memref<128x128xf32, #tpu.memory_space<vmem>>, vector<1x16xf32>,
      %swap3A_93 = arith.index_cast %scan3A_57 : i32 to index
      %swap3A_94 = arith.constant 112 : index
      %swap3A_95 = tpu.vector_load %arg8[%swap3A_93, %swap3A_94] {strides = array<i32>} : memref<128x128xf32, #tpu.memory_space<vmem>>, vector<1x16xf32>,
      %swap3A_96 = vector.shape_cast %swap3A_95 : vector<1x16xf32> to vector<16xf32>
      %swap3A_97 = vector.shape_cast %broadcast_in_dim3A_21 : vector<16xf32> to vector<1x16xf32>
      tpu.vector_store %arg8[%swap3A_93, %swap3A_94], %swap3A_97 {strides = array<i32>} : memref<128x128xf32, #tpu.memory_space<vmem>>, vector<1x16xf32>,
      %scan3A_98 = arith.constant 0 : i32
      scf.yield %scan3A_98 : i32
    }
    %scan3A_28 = arith.constant 128 : i32
    "tpu.region"() ({
      %run_scoped3A = tpu.sem_alloc : memref<!tpu.dma_semaphore, #tpu.memory_space<semaphore_mem>>
      %dma_start3A = arith.constant 0 : i32
      %dma_start3A_57 = arith.constant 0 : i32
      %dma_start3A_58 = tpu.memref_slice %arg4[%add3A, %dma_start3A, %dma_start3A_57] : memref<32x79x128xi32, #tpu.memory_space<hbm>> -> memref<1x79x128xi32, #tpu.memory_space<hbm>>
      %dma_start3A_59 = tpu.memref_squeeze %dma_start3A_58 : memref<1x79x128xi32, #tpu.memory_space<hbm>> -> memref<79x128xi32, #tpu.memory_space<hbm>>
      %dma_start3A_60 = arith.constant 0 : i32
      %dma_start3A_61 = arith.constant 0 : i32
      %dma_start3A_62 = tpu.memref_slice %arg4[%add3A, %dma_start3A_60, %dma_start3A_61] : memref<32x79x128xi32, #tpu.memory_space<hbm>> -> memref<1x79x128xi32, #tpu.memory_space<hbm>>
      %dma_start3A_63 = tpu.memref_squeeze %dma_start3A_62 : memref<1x79x128xi32, #tpu.memory_space<hbm>> -> memref<79x128xi32, #tpu.memory_space<hbm>>
      tpu.enqueue_dma source(%dma_start3A_63 : memref<79x128xi32, #tpu.memory_space<hbm>>) target(%arg7 : memref<79x128xi32, #tpu.memory_space<vmem>>) target_semaphore(%run_scoped3A : memref<!tpu.dma_semaphore, #tpu.memory_space<semaphore_mem>>)
      %dma_wait3A = arith.constant 0 : i32
      %dma_wait3A_64 = arith.constant 0 : i32
      %dma_wait3A_65 = tpu.memref_slice %arg4[%add3A, %dma_wait3A, %dma_wait3A_64] : memref<32x79x128xi32, #tpu.memory_space<hbm>> -> memref<1x79x128xi32, #tpu.memory_space<hbm>>
      %dma_wait3A_66 = tpu.memref_squeeze %dma_wait3A_65 : memref<1x79x128xi32, #tpu.memory_space<hbm>> -> memref<79x128xi32, #tpu.memory_space<hbm>>
      %dma_wait3A_67 = arith.constant 0 : i32
      %dma_wait3A_68 = arith.constant 0 : i32
      %dma_wait3A_69 = tpu.memref_slice %arg4[%add3A, %dma_wait3A_67, %dma_wait3A_68] : memref<32x79x128xi32, #tpu.memory_space<hbm>> -> memref<1x79x128xi32, #tpu.memory_space<hbm>>
      %dma_wait3A_70 = tpu.memref_squeeze %dma_wait3A_69 : memref<1x79x128xi32, #tpu.memory_space<hbm>> -> memref<79x128xi32, #tpu.memory_space<hbm>>
      tpu.wait_dma2 semaphore(%run_scoped3A : memref<!tpu.dma_semaphore, #tpu.memory_space<semaphore_mem>>) src(%dma_wait3A_70 : memref<79x128xi32, #tpu.memory_space<hbm>>) dst(%arg7 : memref<79x128xi32, #tpu.memory_space<vmem>>)
      tpu.yield
    }) : () -> ()
    %scan3A_29 = arith.constant 0 : i32
    %scan3A_30 = arith.constant 0 : i32
    %scan3A_31 = arith.constant 79 : i32
    %scan3A_32 = arith.addi %scan3A_30, %scan3A_31 : i32
    %scan3A_33 = arith.constant 1 : i32
    %scan3A_34 = scf.for %scan3A_57 = %scan3A_30 to %scan3A_32 step %scan3A_33 iter_args(%scan3A_58 = %scan3A_29) -> (i32)  : i32 {
      "tpu.region"() ({
        %run_scoped3A = tpu.sem_alloc : memref<!tpu.dma_semaphore, #tpu.memory_space<semaphore_mem>>
        %dma_start3A = arith.constant 0 : i32
        %dma_start3A_60 = tpu.memref_slice %arg7[%scan3A_57, %dma_start3A] : memref<79x128xi32, #tpu.memory_space<vmem>> -> memref<1x128xi32, #tpu.memory_space<vmem>>
        %dma_start3A_61 = tpu.memref_squeeze %dma_start3A_60 : memref<1x128xi32, #tpu.memory_space<vmem>> -> memref<128xi32, #tpu.memory_space<vmem>>
        %dma_start3A_62 = arith.constant 0 : i32
        %dma_start3A_63 = arith.constant 0 : i32
        %dma_start3A_64 = tpu.memref_slice %arg9[%dma_start3A_62, %dma_start3A_63] : memref<10240x128xf32, #tpu.memory_space<vmem_shared>> -> memref<10240x128xf32, #tpu.memory_space<vmem_shared>>
        tpu.enqueue_indirect_dma source(%arg8 : memref<128x128xf32, #tpu.memory_space<vmem>>) target(%dma_start3A_64 : memref<10240x128xf32, #tpu.memory_space<vmem_shared>>) offsets(%dma_start3A_61 : memref<128xi32, #tpu.memory_space<vmem>>) semaphore(%run_scoped3A : memref<!tpu.dma_semaphore, #tpu.memory_space<semaphore_mem>>) {add = true}
        %dma_wait3A = arith.constant 0 : i32
        %dma_wait3A_65 = tpu.memref_slice %arg7[%scan3A_57, %dma_wait3A] : memref<79x128xi32, #tpu.memory_space<vmem>> -> memref<1x128xi32, #tpu.memory_space<vmem>>
        %dma_wait3A_66 = tpu.memref_squeeze %dma_wait3A_65 : memref<1x128xi32, #tpu.memory_space<vmem>> -> memref<128xi32, #tpu.memory_space<vmem>>
        %dma_wait3A_67 = arith.constant 0 : i32
        %dma_wait3A_68 = arith.constant 0 : i32
        %dma_wait3A_69 = tpu.memref_slice %arg9[%dma_wait3A_67, %dma_wait3A_68] : memref<10240x128xf32, #tpu.memory_space<vmem_shared>> -> memref<10240x128xf32, #tpu.memory_space<vmem_shared>>
        tpu.wait_indirect_dma semaphore(%run_scoped3A : memref<!tpu.dma_semaphore, #tpu.memory_space<semaphore_mem>>) src(%arg8 : memref<128x128xf32, #tpu.memory_space<vmem>>) dst(%dma_wait3A_69 : memref<10240x128xf32, #tpu.memory_space<vmem_shared>>)
        tpu.yield
      }) : () -> ()
      %scan3A_59 = arith.constant 0 : i32
      scf.yield %scan3A_59 : i32
    }
    %scan3A_35 = arith.constant 79 : i32
    %barrier3A_36 = arith.constant 0 : index
    tpu.barrier barrier_id(%barrier3A_36)
    %add3A_37 = arith.constant 0 : i32
    %add3A_38 = arith.addi %mul3A_9, %add3A_37 : i32
    %add3A_39 = arith.constant 0 : i32
    %add3A_40 = arith.addi %mul3A_9, %add3A_39 : i32
    "tpu.region"() ({
      %run_scoped3A = tpu.sem_alloc : memref<!tpu.dma_semaphore, #tpu.memory_space<semaphore_mem>>
      %dma_start3A = arith.constant 0 : i32
      %dma_start3A_57 = tpu.memref_slice %arg5[%arg0, %add3A_40, %dma_start3A] : memref<2x10240x128xf32, #tpu.memory_space<hbm>> -> memref<1x128x128xf32, #tpu.memory_space<hbm>>
      %dma_start3A_58 = tpu.memref_squeeze %dma_start3A_57 : memref<1x128x128xf32, #tpu.memory_space<hbm>> -> memref<128x128xf32, #tpu.memory_space<hbm>>
      %dma_start3A_59 = arith.constant 0 : i32
      %dma_start3A_60 = tpu.memref_slice %arg9[%add3A_38, %dma_start3A_59] : memref<10240x128xf32, #tpu.memory_space<vmem_shared>> -> memref<128x128xf32, #tpu.memory_space<vmem_shared>>
      tpu.enqueue_dma source(%dma_start3A_60 : memref<128x128xf32, #tpu.memory_space<vmem_shared>>) target(%dma_start3A_58 : memref<128x128xf32, #tpu.memory_space<hbm>>) target_semaphore(%run_scoped3A : memref<!tpu.dma_semaphore, #tpu.memory_space<semaphore_mem>>)
      %dma_wait3A = arith.constant 0 : i32
      %dma_wait3A_61 = tpu.memref_slice %arg5[%arg0, %add3A_40, %dma_wait3A] : memref<2x10240x128xf32, #tpu.memory_space<hbm>> -> memref<1x128x128xf32, #tpu.memory_space<hbm>>
      %dma_wait3A_62 = tpu.memref_squeeze %dma_wait3A_61 : memref<1x128x128xf32, #tpu.memory_space<hbm>> -> memref<128x128xf32, #tpu.memory_space<hbm>>
      %dma_wait3A_63 = arith.constant 0 : i32
      %dma_wait3A_64 = tpu.memref_slice %arg9[%add3A_38, %dma_wait3A_63] : memref<10240x128xf32, #tpu.memory_space<vmem_shared>> -> memref<128x128xf32, #tpu.memory_space<vmem_shared>>
      tpu.wait_dma2 semaphore(%run_scoped3A : memref<!tpu.dma_semaphore, #tpu.memory_space<semaphore_mem>>) src(%dma_wait3A_64 : memref<128x128xf32, #tpu.memory_space<vmem_shared>>) dst(%dma_wait3A_62 : memref<128x128xf32, #tpu.memory_space<hbm>>)
      tpu.yield
    }) : () -> ()
    %add3A_41 = arith.constant 128 : i32
    %add3A_42 = arith.addi %mul3A_9, %add3A_41 : i32
    %add3A_43 = arith.constant 128 : i32
    %add3A_44 = arith.addi %mul3A_9, %add3A_43 : i32
    "tpu.region"() ({
      %run_scoped3A = tpu.sem_alloc : memref<!tpu.dma_semaphore, #tpu.memory_space<semaphore_mem>>
      %dma_start3A = arith.constant 0 : i32
      %dma_start3A_57 = tpu.memref_slice %arg5[%arg0, %add3A_44, %dma_start3A] : memref<2x10240x128xf32, #tpu.memory_space<hbm>> -> memref<1x128x128xf32, #tpu.memory_space<hbm>>
      %dma_start3A_58 = tpu.memref_squeeze %dma_start3A_57 : memref<1x128x128xf32, #tpu.memory_space<hbm>> -> memref<128x128xf32, #tpu.memory_space<hbm>>
      %dma_start3A_59 = arith.constant 0 : i32
      %dma_start3A_60 = tpu.memref_slice %arg9[%add3A_42, %dma_start3A_59] : memref<10240x128xf32, #tpu.memory_space<vmem_shared>> -> memref<128x128xf32, #tpu.memory_space<vmem_shared>>
      tpu.enqueue_dma source(%dma_start3A_60 : memref<128x128xf32, #tpu.memory_space<vmem_shared>>) target(%dma_start3A_58 : memref<128x128xf32, #tpu.memory_space<hbm>>) target_semaphore(%run_scoped3A : memref<!tpu.dma_semaphore, #tpu.memory_space<semaphore_mem>>)
      %dma_wait3A = arith.constant 0 : i32
      %dma_wait3A_61 = tpu.memref_slice %arg5[%arg0, %add3A_44, %dma_wait3A] : memref<2x10240x128xf32, #tpu.memory_space<hbm>> -> memref<1x128x128xf32, #tpu.memory_space<hbm>>
      %dma_wait3A_62 = tpu.memref_squeeze %dma_wait3A_61 : memref<1x128x128xf32, #tpu.memory_space<hbm>> -> memref<128x128xf32, #tpu.memory_space<hbm>>
      %dma_wait3A_63 = arith.constant 0 : i32
      %dma_wait3A_64 = tpu.memref_slice %arg9[%add3A_42, %dma_wait3A_63] : memref<10240x128xf32, #tpu.memory_space<vmem_shared>> -> memref<128x128xf32, #tpu.memory_space<vmem_shared>>
      tpu.wait_dma2 semaphore(%run_scoped3A : memref<!tpu.dma_semaphore, #tpu.memory_space<semaphore_mem>>) src(%dma_wait3A_64 : memref<128x128xf32, #tpu.memory_space<vmem_shared>>) dst(%dma_wait3A_62 : memref<128x128xf32, #tpu.memory_space<hbm>>)
      tpu.yield
    }) : () -> ()
    %add3A_45 = arith.constant 256 : i32
    %add3A_46 = arith.addi %mul3A_9, %add3A_45 : i32
    %add3A_47 = arith.constant 256 : i32
    %add3A_48 = arith.addi %mul3A_9, %add3A_47 : i32
    "tpu.region"() ({
      %run_scoped3A = tpu.sem_alloc : memref<!tpu.dma_semaphore, #tpu.memory_space<semaphore_mem>>
      %dma_start3A = arith.constant 0 : i32
      %dma_start3A_57 = tpu.memref_slice %arg5[%arg0, %add3A_48, %dma_start3A] : memref<2x10240x128xf32, #tpu.memory_space<hbm>> -> memref<1x128x128xf32, #tpu.memory_space<hbm>>
      %dma_start3A_58 = tpu.memref_squeeze %dma_start3A_57 : memref<1x128x128xf32, #tpu.memory_space<hbm>> -> memref<128x128xf32, #tpu.memory_space<hbm>>
      %dma_start3A_59 = arith.constant 0 : i32
      %dma_start3A_60 = tpu.memref_slice %arg9[%add3A_46, %dma_start3A_59] : memref<10240x128xf32, #tpu.memory_space<vmem_shared>> -> memref<128x128xf32, #tpu.memory_space<vmem_shared>>
      tpu.enqueue_dma source(%dma_start3A_60 : memref<128x128xf32, #tpu.memory_space<vmem_shared>>) target(%dma_start3A_58 : memref<128x128xf32, #tpu.memory_space<hbm>>) target_semaphore(%run_scoped3A : memref<!tpu.dma_semaphore, #tpu.memory_space<semaphore_mem>>)
      %dma_wait3A = arith.constant 0 : i32
      %dma_wait3A_61 = tpu.memref_slice %arg5[%arg0, %add3A_48, %dma_wait3A] : memref<2x10240x128xf32, #tpu.memory_space<hbm>> -> memref<1x128x128xf32, #tpu.memory_space<hbm>>
      %dma_wait3A_62 = tpu.memref_squeeze %dma_wait3A_61 : memref<1x128x128xf32, #tpu.memory_space<hbm>> -> memref<128x128xf32, #tpu.memory_space<hbm>>
      %dma_wait3A_63 = arith.constant 0 : i32
      %dma_wait3A_64 = tpu.memref_slice %arg9[%add3A_46, %dma_wait3A_63] : memref<10240x128xf32, #tpu.memory_space<vmem_shared>> -> memref<128x128xf32, #tpu.memory_space<vmem_shared>>
      tpu.wait_dma2 semaphore(%run_scoped3A : memref<!tpu.dma_semaphore, #tpu.memory_space<semaphore_mem>>) src(%dma_wait3A_64 : memref<128x128xf32, #tpu.memory_space<vmem_shared>>) dst(%dma_wait3A_62 : memref<128x128xf32, #tpu.memory_space<hbm>>)
      tpu.yield
    }) : () -> ()
    %add3A_49 = arith.constant 384 : i32
    %add3A_50 = arith.addi %mul3A_9, %add3A_49 : i32
    %add3A_51 = arith.constant 384 : i32
    %add3A_52 = arith.addi %mul3A_9, %add3A_51 : i32
    "tpu.region"() ({
      %run_scoped3A = tpu.sem_alloc : memref<!tpu.dma_semaphore, #tpu.memory_space<semaphore_mem>>
      %dma_start3A = arith.constant 0 : i32
      %dma_start3A_57 = tpu.memref_slice %arg5[%arg0, %add3A_52, %dma_start3A] : memref<2x10240x128xf32, #tpu.memory_space<hbm>> -> memref<1x128x128xf32, #tpu.memory_space<hbm>>
      %dma_start3A_58 = tpu.memref_squeeze %dma_start3A_57 : memref<1x128x128xf32, #tpu.memory_space<hbm>> -> memref<128x128xf32, #tpu.memory_space<hbm>>
      %dma_start3A_59 = arith.constant 0 : i32
      %dma_start3A_60 = tpu.memref_slice %arg9[%add3A_50, %dma_start3A_59] : memref<10240x128xf32, #tpu.memory_space<vmem_shared>> -> memref<128x128xf32, #tpu.memory_space<vmem_shared>>
      tpu.enqueue_dma source(%dma_start3A_60 : memref<128x128xf32, #tpu.memory_space<vmem_shared>>) target(%dma_start3A_58 : memref<128x128xf32, #tpu.memory_space<hbm>>) target_semaphore(%run_scoped3A : memref<!tpu.dma_semaphore, #tpu.memory_space<semaphore_mem>>)
      %dma_wait3A = arith.constant 0 : i32
      %dma_wait3A_61 = tpu.memref_slice %arg5[%arg0, %add3A_52, %dma_wait3A] : memref<2x10240x128xf32, #tpu.memory_space<hbm>> -> memref<1x128x128xf32, #tpu.memory_space<hbm>>
      %dma_wait3A_62 = tpu.memref_squeeze %dma_wait3A_61 : memref<1x128x128xf32, #tpu.memory_space<hbm>> -> memref<128x128xf32, #tpu.memory_space<hbm>>
      %dma_wait3A_63 = arith.constant 0 : i32
      %dma_wait3A_64 = tpu.memref_slice %arg9[%add3A_50, %dma_wait3A_63] : memref<10240x128xf32, #tpu.memory_space<vmem_shared>> -> memref<128x128xf32, #tpu.memory_space<vmem_shared>>
      tpu.wait_dma2 semaphore(%run_scoped3A : memref<!tpu.dma_semaphore, #tpu.memory_space<semaphore_mem>>) src(%dma_wait3A_64 : memref<128x128xf32, #tpu.memory_space<vmem_shared>>) dst(%dma_wait3A_62 : memref<128x128xf32, #tpu.memory_space<hbm>>)
      tpu.yield
    }) : () -> ()
    %add3A_53 = arith.constant 512 : i32
    %add3A_54 = arith.addi %mul3A_9, %add3A_53 : i32
    %add3A_55 = arith.constant 512 : i32
    %add3A_56 = arith.addi %mul3A_9, %add3A_55 : i32
    "tpu.region"() ({
      %run_scoped3A = tpu.sem_alloc : memref<!tpu.dma_semaphore, #tpu.memory_space<semaphore_mem>>
      %dma_start3A = arith.constant 0 : i32
      %dma_start3A_57 = tpu.memref_slice %arg5[%arg0, %add3A_56, %dma_start3A] : memref<2x10240x128xf32, #tpu.memory_space<hbm>> -> memref<1x128x128xf32, #tpu.memory_space<hbm>>
      %dma_start3A_58 = tpu.memref_squeeze %dma_start3A_57 : memref<1x128x128xf32, #tpu.memory_space<hbm>> -> memref<128x128xf32, #tpu.memory_space<hbm>>
      %dma_start3A_59 = arith.constant 0 : i32
      %dma_start3A_60 = tpu.memref_slice %arg9[%add3A_54, %dma_start3A_59] : memref<10240x128xf32, #tpu.memory_space<vmem_shared>> -> memref<128x128xf32, #tpu.memory_space<vmem_shared>>
      tpu.enqueue_dma source(%dma_start3A_60 : memref<128x128xf32, #tpu.memory_space<vmem_shared>>) target(%dma_start3A_58 : memref<128x128xf32, #tpu.memory_space<hbm>>) target_semaphore(%run_scoped3A : memref<!tpu.dma_semaphore, #tpu.memory_space<semaphore_mem>>)
      %dma_wait3A = arith.constant 0 : i32
      %dma_wait3A_61 = tpu.memref_slice %arg5[%arg0, %add3A_56, %dma_wait3A] : memref<2x10240x128xf32, #tpu.memory_space<hbm>> -> memref<1x128x128xf32, #tpu.memory_space<hbm>>
      %dma_wait3A_62 = tpu.memref_squeeze %dma_wait3A_61 : memref<1x128x128xf32, #tpu.memory_space<hbm>> -> memref<128x128xf32, #tpu.memory_space<hbm>>
      %dma_wait3A_63 = arith.constant 0 : i32
      %dma_wait3A_64 = tpu.memref_slice %arg9[%add3A_54, %dma_wait3A_63] : memref<10240x128xf32, #tpu.memory_space<vmem_shared>> -> memref<128x128xf32, #tpu.memory_space<vmem_shared>>
      tpu.wait_dma2 semaphore(%run_scoped3A : memref<!tpu.dma_semaphore, #tpu.memory_space<semaphore_mem>>) src(%dma_wait3A_64 : memref<128x128xf32, #tpu.memory_space<vmem_shared>>) dst(%dma_wait3A_62 : memref<128x128xf32, #tpu.memory_space<hbm>>)
      tpu.yield
    }) : () -> ()
    return
  }
}

#map = affine_map<(d0, d1) -> (0, 0)>
#map1 = affine_map<(d0, d1) -> (0, 0, 0)>
module attributes {stable_mosaic.version = 14 : i64} {
  func.func @body(%arg0: i32, %arg1: i32, %arg2: memref<10240x128xf32, #tpu.memory_space<hbm>>, %arg3: memref<32x79x128xi32, #tpu.memory_space<hbm>>, %arg4: memref<32x79x128xi32, #tpu.memory_space<hbm>>, %arg5: memref<2x10240x128xf32, #tpu.memory_space<hbm>>, %arg6: memref<79x128xi32, #tpu.memory_space<vmem>>, %arg7: memref<79x128xi32, #tpu.memory_space<vmem>>, %arg8: memref<128x128xf32, #tpu.memory_space<vmem>>, %arg9: memref<10240x128xf32, #tpu.memory_space<vmem_shared>>, %arg10: memref<!tpu.dma_semaphore, #tpu.memory_space<semaphore_mem>>) attributes {dimension_semantics = [#tpu.dimension_semantics<core_parallel>, #tpu.dimension_semantics<subcore_parallel>], iteration_bounds = array<i64: 2, 16>, scalar_prefetch = 0 : i64, scratch_operands = 5 : i64, tpu.core_type = #tpu.core_type<sc_vector_subcore>, window_params = [{transform_indices = #map}, {transform_indices = #map1}, {transform_indices = #map1}, {transform_indices = #map1}]} {
    %mul3A = arith.constant 2 : i32
    %mul3A_0 = arith.muli %arg1, %mul3A : i32
    %add3A = arith.addi %mul3A_0, %arg0 : i32
    %broadcast_in_dim3A = arith.constant 0.000000e+00 : f32
    %broadcast_in_dim3A_1 = vector.broadcast %broadcast_in_dim3A : f32 to vector<16xf32>
    %scan3A = arith.constant 0 : i32
    %scan3A_2 = arith.constant 0 : i32
    %scan3A_3 = arith.constant 128 : i32
    %scan3A_4 = arith.addi %scan3A_2, %scan3A_3 : i32
    %scan3A_5 = arith.constant 1 : i32
    %scan3A_6 = scf.for %scan3A_48 = %scan3A_2 to %scan3A_4 step %scan3A_5 iter_args(%scan3A_49 = %scan3A) -> (i32)  : i32 {
      %swap3A = arith.index_cast %scan3A_48 : i32 to index
      %swap3A_50 = arith.constant 0 : index
      %swap3A_51 = tpu.vector_load %arg8[%swap3A, %swap3A_50] {strides = array<i32>} : memref<128x128xf32, #tpu.memory_space<vmem>>, vector<1x16xf32>,
      %swap3A_52 = vector.shape_cast %swap3A_51 : vector<1x16xf32> to vector<16xf32>
      %swap3A_53 = vector.shape_cast %broadcast_in_dim3A_1 : vector<16xf32> to vector<1x16xf32>
      tpu.vector_store %arg8[%swap3A, %swap3A_50], %swap3A_53 {strides = array<i32>} : memref<128x128xf32, #tpu.memory_space<vmem>>, vector<1x16xf32>,
      %swap3A_54 = arith.index_cast %scan3A_48 : i32 to index
      %swap3A_55 = arith.constant 16 : index
      %swap3A_56 = tpu.vector_load %arg8[%swap3A_54, %swap3A_55] {strides = array<i32>} : memref<128x128xf32, #tpu.memory_space<vmem>>, vector<1x16xf32>,
      %swap3A_57 = vector.shape_cast %swap3A_56 : vector<1x16xf32> to vector<16xf32>
      %swap3A_58 = vector.shape_cast %broadcast_in_dim3A_1 : vector<16xf32> to vector<1x16xf32>
      tpu.vector_store %arg8[%swap3A_54, %swap3A_55], %swap3A_58 {strides = array<i32>} : memref<128x128xf32, #tpu.memory_space<vmem>>, vector<1x16xf32>,
      %swap3A_59 = arith.index_cast %scan3A_48 : i32 to index
      %swap3A_60 = arith.constant 32 : index
      %swap3A_61 = tpu.vector_load %arg8[%swap3A_59, %swap3A_60] {strides = array<i32>} : memref<128x128xf32, #tpu.memory_space<vmem>>, vector<1x16xf32>,
      %swap3A_62 = vector.shape_cast %swap3A_61 : vector<1x16xf32> to vector<16xf32>
      %swap3A_63 = vector.shape_cast %broadcast_in_dim3A_1 : vector<16xf32> to vector<1x16xf32>
      tpu.vector_store %arg8[%swap3A_59, %swap3A_60], %swap3A_63 {strides = array<i32>} : memref<128x128xf32, #tpu.memory_space<vmem>>, vector<1x16xf32>,
      %swap3A_64 = arith.index_cast %scan3A_48 : i32 to index
      %swap3A_65 = arith.constant 48 : index
      %swap3A_66 = tpu.vector_load %arg8[%swap3A_64, %swap3A_65] {strides = array<i32>} : memref<128x128xf32, #tpu.memory_space<vmem>>, vector<1x16xf32>,
      %swap3A_67 = vector.shape_cast %swap3A_66 : vector<1x16xf32> to vector<16xf32>
      %swap3A_68 = vector.shape_cast %broadcast_in_dim3A_1 : vector<16xf32> to vector<1x16xf32>
      tpu.vector_store %arg8[%swap3A_64, %swap3A_65], %swap3A_68 {strides = array<i32>} : memref<128x128xf32, #tpu.memory_space<vmem>>, vector<1x16xf32>,
      %swap3A_69 = arith.index_cast %scan3A_48 : i32 to index
      %swap3A_70 = arith.constant 64 : index
      %swap3A_71 = tpu.vector_load %arg8[%swap3A_69, %swap3A_70] {strides = array<i32>} : memref<128x128xf32, #tpu.memory_space<vmem>>, vector<1x16xf32>,
      %swap3A_72 = vector.shape_cast %swap3A_71 : vector<1x16xf32> to vector<16xf32>
      %swap3A_73 = vector.shape_cast %broadcast_in_dim3A_1 : vector<16xf32> to vector<1x16xf32>
      tpu.vector_store %arg8[%swap3A_69, %swap3A_70], %swap3A_73 {strides = array<i32>} : memref<128x128xf32, #tpu.memory_space<vmem>>, vector<1x16xf32>,
      %swap3A_74 = arith.index_cast %scan3A_48 : i32 to index
      %swap3A_75 = arith.constant 80 : index
      %swap3A_76 = tpu.vector_load %arg8[%swap3A_74, %swap3A_75] {strides = array<i32>} : memref<128x128xf32, #tpu.memory_space<vmem>>, vector<1x16xf32>,
      %swap3A_77 = vector.shape_cast %swap3A_76 : vector<1x16xf32> to vector<16xf32>
      %swap3A_78 = vector.shape_cast %broadcast_in_dim3A_1 : vector<16xf32> to vector<1x16xf32>
      tpu.vector_store %arg8[%swap3A_74, %swap3A_75], %swap3A_78 {strides = array<i32>} : memref<128x128xf32, #tpu.memory_space<vmem>>, vector<1x16xf32>,
      %swap3A_79 = arith.index_cast %scan3A_48 : i32 to index
      %swap3A_80 = arith.constant 96 : index
      %swap3A_81 = tpu.vector_load %arg8[%swap3A_79, %swap3A_80] {strides = array<i32>} : memref<128x128xf32, #tpu.memory_space<vmem>>, vector<1x16xf32>,
      %swap3A_82 = vector.shape_cast %swap3A_81 : vector<1x16xf32> to vector<16xf32>
      %swap3A_83 = vector.shape_cast %broadcast_in_dim3A_1 : vector<16xf32> to vector<1x16xf32>
      tpu.vector_store %arg8[%swap3A_79, %swap3A_80], %swap3A_83 {strides = array<i32>} : memref<128x128xf32, #tpu.memory_space<vmem>>, vector<1x16xf32>,
      %swap3A_84 = arith.index_cast %scan3A_48 : i32 to index
      %swap3A_85 = arith.constant 112 : index
      %swap3A_86 = tpu.vector_load %arg8[%swap3A_84, %swap3A_85] {strides = array<i32>} : memref<128x128xf32, #tpu.memory_space<vmem>>, vector<1x16xf32>,
      %swap3A_87 = vector.shape_cast %swap3A_86 : vector<1x16xf32> to vector<16xf32>
      %swap3A_88 = vector.shape_cast %broadcast_in_dim3A_1 : vector<16xf32> to vector<1x16xf32>
      tpu.vector_store %arg8[%swap3A_84, %swap3A_85], %swap3A_88 {strides = array<i32>} : memref<128x128xf32, #tpu.memory_space<vmem>>, vector<1x16xf32>,
      %scan3A_89 = arith.constant 0 : i32
      scf.yield %scan3A_89 : i32
    }
    %scan3A_7 = arith.constant 128 : i32
    %mul3A_8 = arith.constant 640 : i32
    %mul3A_9 = arith.muli %arg1, %mul3A_8 : i32
    %add3A_10 = arith.constant 0 : i32
    %add3A_11 = arith.addi %mul3A_9, %add3A_10 : i32
    "tpu.region"() ({
      %run_scoped3A = tpu.sem_alloc : memref<!tpu.dma_semaphore, #tpu.memory_space<semaphore_mem>>
      %dma_start3A = arith.constant 0 : i32
      %dma_start3A_48 = tpu.memref_slice %arg9[%add3A_11, %dma_start3A] : memref<10240x128xf32, #tpu.memory_space<vmem_shared>> -> memref<128x128xf32, #tpu.memory_space<vmem_shared>>
      %dma_start3A_49 = arith.constant 0 : i32
      %dma_start3A_50 = tpu.memref_slice %arg9[%add3A_11, %dma_start3A_49] : memref<10240x128xf32, #tpu.memory_space<vmem_shared>> -> memref<128x128xf32, #tpu.memory_space<vmem_shared>>
      tpu.enqueue_dma source(%arg8 : memref<128x128xf32, #tpu.memory_space<vmem>>) target(%dma_start3A_50 : memref<128x128xf32, #tpu.memory_space<vmem_shared>>) target_semaphore(%run_scoped3A : memref<!tpu.dma_semaphore, #tpu.memory_space<semaphore_mem>>)
      %dma_wait3A = arith.constant 0 : i32
      %dma_wait3A_51 = tpu.memref_slice %arg9[%add3A_11, %dma_wait3A] : memref<10240x128xf32, #tpu.memory_space<vmem_shared>> -> memref<128x128xf32, #tpu.memory_space<vmem_shared>>
      %dma_wait3A_52 = arith.constant 0 : i32
      %dma_wait3A_53 = tpu.memref_slice %arg9[%add3A_11, %dma_wait3A_52] : memref<10240x128xf32, #tpu.memory_space<vmem_shared>> -> memref<128x128xf32, #tpu.memory_space<vmem_shared>>
      tpu.wait_dma2 semaphore(%run_scoped3A : memref<!tpu.dma_semaphore, #tpu.memory_space<semaphore_mem>>) src(%arg8 : memref<128x128xf32, #tpu.memory_space<vmem>>) dst(%dma_wait3A_53 : memref<128x128xf32, #tpu.memory_space<vmem_shared>>)
      tpu.yield
    }) : () -> ()
    %add3A_12 = arith.constant 128 : i32
    %add3A_13 = arith.addi %mul3A_9, %add3A_12 : i32
    "tpu.region"() ({
      %run_scoped3A = tpu.sem_alloc : memref<!tpu.dma_semaphore, #tpu.memory_space<semaphore_mem>>
      %dma_start3A = arith.constant 0 : i32
      %dma_start3A_48 = tpu.memref_slice %arg9[%add3A_13, %dma_start3A] : memref<10240x128xf32, #tpu.memory_space<vmem_shared>> -> memref<128x128xf32, #tpu.memory_space<vmem_shared>>
      %dma_start3A_49 = arith.constant 0 : i32
      %dma_start3A_50 = tpu.memref_slice %arg9[%add3A_13, %dma_start3A_49] : memref<10240x128xf32, #tpu.memory_space<vmem_shared>> -> memref<128x128xf32, #tpu.memory_space<vmem_shared>>
      tpu.enqueue_dma source(%arg8 : memref<128x128xf32, #tpu.memory_space<vmem>>) target(%dma_start3A_50 : memref<128x128xf32, #tpu.memory_space<vmem_shared>>) target_semaphore(%run_scoped3A : memref<!tpu.dma_semaphore, #tpu.memory_space<semaphore_mem>>)
      %dma_wait3A = arith.constant 0 : i32
      %dma_wait3A_51 = tpu.memref_slice %arg9[%add3A_13, %dma_wait3A] : memref<10240x128xf32, #tpu.memory_space<vmem_shared>> -> memref<128x128xf32, #tpu.memory_space<vmem_shared>>
      %dma_wait3A_52 = arith.constant 0 : i32
      %dma_wait3A_53 = tpu.memref_slice %arg9[%add3A_13, %dma_wait3A_52] : memref<10240x128xf32, #tpu.memory_space<vmem_shared>> -> memref<128x128xf32, #tpu.memory_space<vmem_shared>>
      tpu.wait_dma2 semaphore(%run_scoped3A : memref<!tpu.dma_semaphore, #tpu.memory_space<semaphore_mem>>) src(%arg8 : memref<128x128xf32, #tpu.memory_space<vmem>>) dst(%dma_wait3A_53 : memref<128x128xf32, #tpu.memory_space<vmem_shared>>)
      tpu.yield
    }) : () -> ()
    %add3A_14 = arith.constant 256 : i32
    %add3A_15 = arith.addi %mul3A_9, %add3A_14 : i32
    "tpu.region"() ({
      %run_scoped3A = tpu.sem_alloc : memref<!tpu.dma_semaphore, #tpu.memory_space<semaphore_mem>>
      %dma_start3A = arith.constant 0 : i32
      %dma_start3A_48 = tpu.memref_slice %arg9[%add3A_15, %dma_start3A] : memref<10240x128xf32, #tpu.memory_space<vmem_shared>> -> memref<128x128xf32, #tpu.memory_space<vmem_shared>>
      %dma_start3A_49 = arith.constant 0 : i32
      %dma_start3A_50 = tpu.memref_slice %arg9[%add3A_15, %dma_start3A_49] : memref<10240x128xf32, #tpu.memory_space<vmem_shared>> -> memref<128x128xf32, #tpu.memory_space<vmem_shared>>
      tpu.enqueue_dma source(%arg8 : memref<128x128xf32, #tpu.memory_space<vmem>>) target(%dma_start3A_50 : memref<128x128xf32, #tpu.memory_space<vmem_shared>>) target_semaphore(%run_scoped3A : memref<!tpu.dma_semaphore, #tpu.memory_space<semaphore_mem>>)
      %dma_wait3A = arith.constant 0 : i32
      %dma_wait3A_51 = tpu.memref_slice %arg9[%add3A_15, %dma_wait3A] : memref<10240x128xf32, #tpu.memory_space<vmem_shared>> -> memref<128x128xf32, #tpu.memory_space<vmem_shared>>
      %dma_wait3A_52 = arith.constant 0 : i32
      %dma_wait3A_53 = tpu.memref_slice %arg9[%add3A_15, %dma_wait3A_52] : memref<10240x128xf32, #tpu.memory_space<vmem_shared>> -> memref<128x128xf32, #tpu.memory_space<vmem_shared>>
      tpu.wait_dma2 semaphore(%run_scoped3A : memref<!tpu.dma_semaphore, #tpu.memory_space<semaphore_mem>>) src(%arg8 : memref<128x128xf32, #tpu.memory_space<vmem>>) dst(%dma_wait3A_53 : memref<128x128xf32, #tpu.memory_space<vmem_shared>>)
      tpu.yield
    }) : () -> ()
    %add3A_16 = arith.constant 384 : i32
    %add3A_17 = arith.addi %mul3A_9, %add3A_16 : i32
    "tpu.region"() ({
      %run_scoped3A = tpu.sem_alloc : memref<!tpu.dma_semaphore, #tpu.memory_space<semaphore_mem>>
      %dma_start3A = arith.constant 0 : i32
      %dma_start3A_48 = tpu.memref_slice %arg9[%add3A_17, %dma_start3A] : memref<10240x128xf32, #tpu.memory_space<vmem_shared>> -> memref<128x128xf32, #tpu.memory_space<vmem_shared>>
      %dma_start3A_49 = arith.constant 0 : i32
      %dma_start3A_50 = tpu.memref_slice %arg9[%add3A_17, %dma_start3A_49] : memref<10240x128xf32, #tpu.memory_space<vmem_shared>> -> memref<128x128xf32, #tpu.memory_space<vmem_shared>>
      tpu.enqueue_dma source(%arg8 : memref<128x128xf32, #tpu.memory_space<vmem>>) target(%dma_start3A_50 : memref<128x128xf32, #tpu.memory_space<vmem_shared>>) target_semaphore(%run_scoped3A : memref<!tpu.dma_semaphore, #tpu.memory_space<semaphore_mem>>)
      %dma_wait3A = arith.constant 0 : i32
      %dma_wait3A_51 = tpu.memref_slice %arg9[%add3A_17, %dma_wait3A] : memref<10240x128xf32, #tpu.memory_space<vmem_shared>> -> memref<128x128xf32, #tpu.memory_space<vmem_shared>>
      %dma_wait3A_52 = arith.constant 0 : i32
      %dma_wait3A_53 = tpu.memref_slice %arg9[%add3A_17, %dma_wait3A_52] : memref<10240x128xf32, #tpu.memory_space<vmem_shared>> -> memref<128x128xf32, #tpu.memory_space<vmem_shared>>
      tpu.wait_dma2 semaphore(%run_scoped3A : memref<!tpu.dma_semaphore, #tpu.memory_space<semaphore_mem>>) src(%arg8 : memref<128x128xf32, #tpu.memory_space<vmem>>) dst(%dma_wait3A_53 : memref<128x128xf32, #tpu.memory_space<vmem_shared>>)
      tpu.yield
    }) : () -> ()
    %add3A_18 = arith.constant 512 : i32
    %add3A_19 = arith.addi %mul3A_9, %add3A_18 : i32
    "tpu.region"() ({
      %run_scoped3A = tpu.sem_alloc : memref<!tpu.dma_semaphore, #tpu.memory_space<semaphore_mem>>
      %dma_start3A = arith.constant 0 : i32
      %dma_start3A_48 = tpu.memref_slice %arg9[%add3A_19, %dma_start3A] : memref<10240x128xf32, #tpu.memory_space<vmem_shared>> -> memref<128x128xf32, #tpu.memory_space<vmem_shared>>
      %dma_start3A_49 = arith.constant 0 : i32
      %dma_start3A_50 = tpu.memref_slice %arg9[%add3A_19, %dma_start3A_49] : memref<10240x128xf32, #tpu.memory_space<vmem_shared>> -> memref<128x128xf32, #tpu.memory_space<vmem_shared>>
      tpu.enqueue_dma source(%arg8 : memref<128x128xf32, #tpu.memory_space<vmem>>) target(%dma_start3A_50 : memref<128x128xf32, #tpu.memory_space<vmem_shared>>) target_semaphore(%run_scoped3A : memref<!tpu.dma_semaphore, #tpu.memory_space<semaphore_mem>>)
      %dma_wait3A = arith.constant 0 : i32
      %dma_wait3A_51 = tpu.memref_slice %arg9[%add3A_19, %dma_wait3A] : memref<10240x128xf32, #tpu.memory_space<vmem_shared>> -> memref<128x128xf32, #tpu.memory_space<vmem_shared>>
      %dma_wait3A_52 = arith.constant 0 : i32
      %dma_wait3A_53 = tpu.memref_slice %arg9[%add3A_19, %dma_wait3A_52] : memref<10240x128xf32, #tpu.memory_space<vmem_shared>> -> memref<128x128xf32, #tpu.memory_space<vmem_shared>>
      tpu.wait_dma2 semaphore(%run_scoped3A : memref<!tpu.dma_semaphore, #tpu.memory_space<semaphore_mem>>) src(%arg8 : memref<128x128xf32, #tpu.memory_space<vmem>>) dst(%dma_wait3A_53 : memref<128x128xf32, #tpu.memory_space<vmem_shared>>)
      tpu.yield
    }) : () -> ()
    %barrier3A = arith.constant 0 : index
    tpu.barrier barrier_id(%barrier3A)
    "tpu.region"() ({
      %run_scoped3A = tpu.sem_alloc : memref<!tpu.dma_semaphore, #tpu.memory_space<semaphore_mem>>
      %dma_start3A = arith.constant 0 : i32
      %dma_start3A_48 = arith.constant 0 : i32
      %dma_start3A_49 = tpu.memref_slice %arg3[%add3A, %dma_start3A, %dma_start3A_48] : memref<32x79x128xi32, #tpu.memory_space<hbm>> -> memref<1x79x128xi32, #tpu.memory_space<hbm>>
      %dma_start3A_50 = tpu.memref_squeeze %dma_start3A_49 : memref<1x79x128xi32, #tpu.memory_space<hbm>> -> memref<79x128xi32, #tpu.memory_space<hbm>>
      %dma_start3A_51 = arith.constant 0 : i32
      %dma_start3A_52 = arith.constant 0 : i32
      %dma_start3A_53 = tpu.memref_slice %arg3[%add3A, %dma_start3A_51, %dma_start3A_52] : memref<32x79x128xi32, #tpu.memory_space<hbm>> -> memref<1x79x128xi32, #tpu.memory_space<hbm>>
      %dma_start3A_54 = tpu.memref_squeeze %dma_start3A_53 : memref<1x79x128xi32, #tpu.memory_space<hbm>> -> memref<79x128xi32, #tpu.memory_space<hbm>>
      tpu.enqueue_dma source(%dma_start3A_54 : memref<79x128xi32, #tpu.memory_space<hbm>>) target(%arg6 : memref<79x128xi32, #tpu.memory_space<vmem>>) target_semaphore(%run_scoped3A : memref<!tpu.dma_semaphore, #tpu.memory_space<semaphore_mem>>)
      %dma_wait3A = arith.constant 0 : i32
      %dma_wait3A_55 = arith.constant 0 : i32
      %dma_wait3A_56 = tpu.memref_slice %arg3[%add3A, %dma_wait3A, %dma_wait3A_55] : memref<32x79x128xi32, #tpu.memory_space<hbm>> -> memref<1x79x128xi32, #tpu.memory_space<hbm>>
      %dma_wait3A_57 = tpu.memref_squeeze %dma_wait3A_56 : memref<1x79x128xi32, #tpu.memory_space<hbm>> -> memref<79x128xi32, #tpu.memory_space<hbm>>
      %dma_wait3A_58 = arith.constant 0 : i32
      %dma_wait3A_59 = arith.constant 0 : i32
      %dma_wait3A_60 = tpu.memref_slice %arg3[%add3A, %dma_wait3A_58, %dma_wait3A_59] : memref<32x79x128xi32, #tpu.memory_space<hbm>> -> memref<1x79x128xi32, #tpu.memory_space<hbm>>
      %dma_wait3A_61 = tpu.memref_squeeze %dma_wait3A_60 : memref<1x79x128xi32, #tpu.memory_space<hbm>> -> memref<79x128xi32, #tpu.memory_space<hbm>>
      tpu.wait_dma2 semaphore(%run_scoped3A : memref<!tpu.dma_semaphore, #tpu.memory_space<semaphore_mem>>) src(%dma_wait3A_61 : memref<79x128xi32, #tpu.memory_space<hbm>>) dst(%arg6 : memref<79x128xi32, #tpu.memory_space<vmem>>)
      tpu.yield
    }) : () -> ()
    "tpu.region"() ({
      %run_scoped3A = tpu.sem_alloc : memref<!tpu.dma_semaphore, #tpu.memory_space<semaphore_mem>>
      %dma_start3A = arith.constant 0 : i32
      %dma_start3A_48 = arith.constant 0 : i32
      %dma_start3A_49 = tpu.memref_slice %arg4[%add3A, %dma_start3A, %dma_start3A_48] : memref<32x79x128xi32, #tpu.memory_space<hbm>> -> memref<1x79x128xi32, #tpu.memory_space<hbm>>
      %dma_start3A_50 = tpu.memref_squeeze %dma_start3A_49 : memref<1x79x128xi32, #tpu.memory_space<hbm>> -> memref<79x128xi32, #tpu.memory_space<hbm>>
      %dma_start3A_51 = arith.constant 0 : i32
      %dma_start3A_52 = arith.constant 0 : i32
      %dma_start3A_53 = tpu.memref_slice %arg4[%add3A, %dma_start3A_51, %dma_start3A_52] : memref<32x79x128xi32, #tpu.memory_space<hbm>> -> memref<1x79x128xi32, #tpu.memory_space<hbm>>
      %dma_start3A_54 = tpu.memref_squeeze %dma_start3A_53 : memref<1x79x128xi32, #tpu.memory_space<hbm>> -> memref<79x128xi32, #tpu.memory_space<hbm>>
      tpu.enqueue_dma source(%dma_start3A_54 : memref<79x128xi32, #tpu.memory_space<hbm>>) target(%arg7 : memref<79x128xi32, #tpu.memory_space<vmem>>) target_semaphore(%run_scoped3A : memref<!tpu.dma_semaphore, #tpu.memory_space<semaphore_mem>>)
      %dma_wait3A = arith.constant 0 : i32
      %dma_wait3A_55 = arith.constant 0 : i32
      %dma_wait3A_56 = tpu.memref_slice %arg4[%add3A, %dma_wait3A, %dma_wait3A_55] : memref<32x79x128xi32, #tpu.memory_space<hbm>> -> memref<1x79x128xi32, #tpu.memory_space<hbm>>
      %dma_wait3A_57 = tpu.memref_squeeze %dma_wait3A_56 : memref<1x79x128xi32, #tpu.memory_space<hbm>> -> memref<79x128xi32, #tpu.memory_space<hbm>>
      %dma_wait3A_58 = arith.constant 0 : i32
      %dma_wait3A_59 = arith.constant 0 : i32
      %dma_wait3A_60 = tpu.memref_slice %arg4[%add3A, %dma_wait3A_58, %dma_wait3A_59] : memref<32x79x128xi32, #tpu.memory_space<hbm>> -> memref<1x79x128xi32, #tpu.memory_space<hbm>>
      %dma_wait3A_61 = tpu.memref_squeeze %dma_wait3A_60 : memref<1x79x128xi32, #tpu.memory_space<hbm>> -> memref<79x128xi32, #tpu.memory_space<hbm>>
      tpu.wait_dma2 semaphore(%run_scoped3A : memref<!tpu.dma_semaphore, #tpu.memory_space<semaphore_mem>>) src(%dma_wait3A_61 : memref<79x128xi32, #tpu.memory_space<hbm>>) dst(%arg7 : memref<79x128xi32, #tpu.memory_space<vmem>>)
      tpu.yield
    }) : () -> ()
    %scan3A_20 = arith.constant 0 : i32
    %scan3A_21 = arith.constant 0 : i32
    %scan3A_22 = arith.constant 79 : i32
    %scan3A_23 = arith.addi %scan3A_21, %scan3A_22 : i32
    %scan3A_24 = arith.constant 1 : i32
    %scan3A_25 = scf.for %scan3A_48 = %scan3A_21 to %scan3A_23 step %scan3A_24 iter_args(%scan3A_49 = %scan3A_20) -> (i32)  : i32 {
      %dma_start3A = arith.constant 0 : i32
      %dma_start3A_50 = tpu.memref_slice %arg6[%scan3A_48, %dma_start3A] : memref<79x128xi32, #tpu.memory_space<vmem>> -> memref<1x128xi32, #tpu.memory_space<vmem>>
      %dma_start3A_51 = tpu.memref_squeeze %dma_start3A_50 : memref<1x128xi32, #tpu.memory_space<vmem>> -> memref<128xi32, #tpu.memory_space<vmem>>
      %dma_start3A_52 = arith.constant 0 : i32
      %dma_start3A_53 = arith.constant 0 : i32
      %dma_start3A_54 = tpu.memref_slice %arg2[%dma_start3A_52, %dma_start3A_53] : memref<10240x128xf32, #tpu.memory_space<hbm>> -> memref<10240x128xf32, #tpu.memory_space<hbm>>
      tpu.enqueue_indirect_dma source(%dma_start3A_54 : memref<10240x128xf32, #tpu.memory_space<hbm>>) target(%arg8 : memref<128x128xf32, #tpu.memory_space<vmem>>) offsets(%dma_start3A_51 : memref<128xi32, #tpu.memory_space<vmem>>) semaphore(%arg10 : memref<!tpu.dma_semaphore, #tpu.memory_space<semaphore_mem>>)
      %dma_wait3A = arith.constant 0 : i32
      %dma_wait3A_55 = tpu.memref_slice %arg6[%scan3A_48, %dma_wait3A] : memref<79x128xi32, #tpu.memory_space<vmem>> -> memref<1x128xi32, #tpu.memory_space<vmem>>
      %dma_wait3A_56 = tpu.memref_squeeze %dma_wait3A_55 : memref<1x128xi32, #tpu.memory_space<vmem>> -> memref<128xi32, #tpu.memory_space<vmem>>
      %dma_wait3A_57 = arith.constant 0 : i32
      %dma_wait3A_58 = arith.constant 0 : i32
      %dma_wait3A_59 = tpu.memref_slice %arg2[%dma_wait3A_57, %dma_wait3A_58] : memref<10240x128xf32, #tpu.memory_space<hbm>> -> memref<10240x128xf32, #tpu.memory_space<hbm>>
      tpu.wait_indirect_dma semaphore(%arg10 : memref<!tpu.dma_semaphore, #tpu.memory_space<semaphore_mem>>) src(%dma_wait3A_59 : memref<10240x128xf32, #tpu.memory_space<hbm>>) dst(%arg8 : memref<128x128xf32, #tpu.memory_space<vmem>>)
      "tpu.region"() ({
        %run_scoped3A = tpu.sem_alloc : memref<!tpu.dma_semaphore, #tpu.memory_space<semaphore_mem>>
        %dma_start3A_61 = arith.constant 0 : i32
        %dma_start3A_62 = tpu.memref_slice %arg7[%scan3A_48, %dma_start3A_61] : memref<79x128xi32, #tpu.memory_space<vmem>> -> memref<1x128xi32, #tpu.memory_space<vmem>>
        %dma_start3A_63 = tpu.memref_squeeze %dma_start3A_62 : memref<1x128xi32, #tpu.memory_space<vmem>> -> memref<128xi32, #tpu.memory_space<vmem>>
        %dma_start3A_64 = arith.constant 0 : i32
        %dma_start3A_65 = arith.constant 0 : i32
        %dma_start3A_66 = tpu.memref_slice %arg9[%dma_start3A_64, %dma_start3A_65] : memref<10240x128xf32, #tpu.memory_space<vmem_shared>> -> memref<10240x128xf32, #tpu.memory_space<vmem_shared>>
        tpu.enqueue_indirect_dma source(%arg8 : memref<128x128xf32, #tpu.memory_space<vmem>>) target(%dma_start3A_66 : memref<10240x128xf32, #tpu.memory_space<vmem_shared>>) offsets(%dma_start3A_63 : memref<128xi32, #tpu.memory_space<vmem>>) semaphore(%run_scoped3A : memref<!tpu.dma_semaphore, #tpu.memory_space<semaphore_mem>>) {add = true}
        %dma_wait3A_67 = arith.constant 0 : i32
        %dma_wait3A_68 = tpu.memref_slice %arg7[%scan3A_48, %dma_wait3A_67] : memref<79x128xi32, #tpu.memory_space<vmem>> -> memref<1x128xi32, #tpu.memory_space<vmem>>
        %dma_wait3A_69 = tpu.memref_squeeze %dma_wait3A_68 : memref<1x128xi32, #tpu.memory_space<vmem>> -> memref<128xi32, #tpu.memory_space<vmem>>
        %dma_wait3A_70 = arith.constant 0 : i32
        %dma_wait3A_71 = arith.constant 0 : i32
        %dma_wait3A_72 = tpu.memref_slice %arg9[%dma_wait3A_70, %dma_wait3A_71] : memref<10240x128xf32, #tpu.memory_space<vmem_shared>> -> memref<10240x128xf32, #tpu.memory_space<vmem_shared>>
        tpu.wait_indirect_dma semaphore(%run_scoped3A : memref<!tpu.dma_semaphore, #tpu.memory_space<semaphore_mem>>) src(%arg8 : memref<128x128xf32, #tpu.memory_space<vmem>>) dst(%dma_wait3A_72 : memref<10240x128xf32, #tpu.memory_space<vmem_shared>>)
        tpu.yield
      }) : () -> ()
      %scan3A_60 = arith.constant 0 : i32
      scf.yield %scan3A_60 : i32
    }
    %scan3A_26 = arith.constant 79 : i32
    %barrier3A_27 = arith.constant 0 : index
    tpu.barrier barrier_id(%barrier3A_27)
    %add3A_28 = arith.constant 0 : i32
    %add3A_29 = arith.addi %mul3A_9, %add3A_28 : i32
    %add3A_30 = arith.constant 0 : i32
    %add3A_31 = arith.addi %mul3A_9, %add3A_30 : i32
    "tpu.region"() ({
      %run_scoped3A = tpu.sem_alloc : memref<!tpu.dma_semaphore, #tpu.memory_space<semaphore_mem>>
      %dma_start3A = arith.constant 0 : i32
      %dma_start3A_48 = tpu.memref_slice %arg5[%arg0, %add3A_31, %dma_start3A] : memref<2x10240x128xf32, #tpu.memory_space<hbm>> -> memref<1x128x128xf32, #tpu.memory_space<hbm>>
      %dma_start3A_49 = tpu.memref_squeeze %dma_start3A_48 : memref<1x128x128xf32, #tpu.memory_space<hbm>> -> memref<128x128xf32, #tpu.memory_space<hbm>>
      %dma_start3A_50 = arith.constant 0 : i32
      %dma_start3A_51 = tpu.memref_slice %arg9[%add3A_29, %dma_start3A_50] : memref<10240x128xf32, #tpu.memory_space<vmem_shared>> -> memref<128x128xf32, #tpu.memory_space<vmem_shared>>
      tpu.enqueue_dma source(%dma_start3A_51 : memref<128x128xf32, #tpu.memory_space<vmem_shared>>) target(%dma_start3A_49 : memref<128x128xf32, #tpu.memory_space<hbm>>) target_semaphore(%run_scoped3A : memref<!tpu.dma_semaphore, #tpu.memory_space<semaphore_mem>>)
      %dma_wait3A = arith.constant 0 : i32
      %dma_wait3A_52 = tpu.memref_slice %arg5[%arg0, %add3A_31, %dma_wait3A] : memref<2x10240x128xf32, #tpu.memory_space<hbm>> -> memref<1x128x128xf32, #tpu.memory_space<hbm>>
      %dma_wait3A_53 = tpu.memref_squeeze %dma_wait3A_52 : memref<1x128x128xf32, #tpu.memory_space<hbm>> -> memref<128x128xf32, #tpu.memory_space<hbm>>
      %dma_wait3A_54 = arith.constant 0 : i32
      %dma_wait3A_55 = tpu.memref_slice %arg9[%add3A_29, %dma_wait3A_54] : memref<10240x128xf32, #tpu.memory_space<vmem_shared>> -> memref<128x128xf32, #tpu.memory_space<vmem_shared>>
      tpu.wait_dma2 semaphore(%run_scoped3A : memref<!tpu.dma_semaphore, #tpu.memory_space<semaphore_mem>>) src(%dma_wait3A_55 : memref<128x128xf32, #tpu.memory_space<vmem_shared>>) dst(%dma_wait3A_53 : memref<128x128xf32, #tpu.memory_space<hbm>>)
      tpu.yield
    }) : () -> ()
    %add3A_32 = arith.constant 128 : i32
    %add3A_33 = arith.addi %mul3A_9, %add3A_32 : i32
    %add3A_34 = arith.constant 128 : i32
    %add3A_35 = arith.addi %mul3A_9, %add3A_34 : i32
    "tpu.region"() ({
      %run_scoped3A = tpu.sem_alloc : memref<!tpu.dma_semaphore, #tpu.memory_space<semaphore_mem>>
      %dma_start3A = arith.constant 0 : i32
      %dma_start3A_48 = tpu.memref_slice %arg5[%arg0, %add3A_35, %dma_start3A] : memref<2x10240x128xf32, #tpu.memory_space<hbm>> -> memref<1x128x128xf32, #tpu.memory_space<hbm>>
      %dma_start3A_49 = tpu.memref_squeeze %dma_start3A_48 : memref<1x128x128xf32, #tpu.memory_space<hbm>> -> memref<128x128xf32, #tpu.memory_space<hbm>>
      %dma_start3A_50 = arith.constant 0 : i32
      %dma_start3A_51 = tpu.memref_slice %arg9[%add3A_33, %dma_start3A_50] : memref<10240x128xf32, #tpu.memory_space<vmem_shared>> -> memref<128x128xf32, #tpu.memory_space<vmem_shared>>
      tpu.enqueue_dma source(%dma_start3A_51 : memref<128x128xf32, #tpu.memory_space<vmem_shared>>) target(%dma_start3A_49 : memref<128x128xf32, #tpu.memory_space<hbm>>) target_semaphore(%run_scoped3A : memref<!tpu.dma_semaphore, #tpu.memory_space<semaphore_mem>>)
      %dma_wait3A = arith.constant 0 : i32
      %dma_wait3A_52 = tpu.memref_slice %arg5[%arg0, %add3A_35, %dma_wait3A] : memref<2x10240x128xf32, #tpu.memory_space<hbm>> -> memref<1x128x128xf32, #tpu.memory_space<hbm>>
      %dma_wait3A_53 = tpu.memref_squeeze %dma_wait3A_52 : memref<1x128x128xf32, #tpu.memory_space<hbm>> -> memref<128x128xf32, #tpu.memory_space<hbm>>
      %dma_wait3A_54 = arith.constant 0 : i32
      %dma_wait3A_55 = tpu.memref_slice %arg9[%add3A_33, %dma_wait3A_54] : memref<10240x128xf32, #tpu.memory_space<vmem_shared>> -> memref<128x128xf32, #tpu.memory_space<vmem_shared>>
      tpu.wait_dma2 semaphore(%run_scoped3A : memref<!tpu.dma_semaphore, #tpu.memory_space<semaphore_mem>>) src(%dma_wait3A_55 : memref<128x128xf32, #tpu.memory_space<vmem_shared>>) dst(%dma_wait3A_53 : memref<128x128xf32, #tpu.memory_space<hbm>>)
      tpu.yield
    }) : () -> ()
    %add3A_36 = arith.constant 256 : i32
    %add3A_37 = arith.addi %mul3A_9, %add3A_36 : i32
    %add3A_38 = arith.constant 256 : i32
    %add3A_39 = arith.addi %mul3A_9, %add3A_38 : i32
    "tpu.region"() ({
      %run_scoped3A = tpu.sem_alloc : memref<!tpu.dma_semaphore, #tpu.memory_space<semaphore_mem>>
      %dma_start3A = arith.constant 0 : i32
      %dma_start3A_48 = tpu.memref_slice %arg5[%arg0, %add3A_39, %dma_start3A] : memref<2x10240x128xf32, #tpu.memory_space<hbm>> -> memref<1x128x128xf32, #tpu.memory_space<hbm>>
      %dma_start3A_49 = tpu.memref_squeeze %dma_start3A_48 : memref<1x128x128xf32, #tpu.memory_space<hbm>> -> memref<128x128xf32, #tpu.memory_space<hbm>>
      %dma_start3A_50 = arith.constant 0 : i32
      %dma_start3A_51 = tpu.memref_slice %arg9[%add3A_37, %dma_start3A_50] : memref<10240x128xf32, #tpu.memory_space<vmem_shared>> -> memref<128x128xf32, #tpu.memory_space<vmem_shared>>
      tpu.enqueue_dma source(%dma_start3A_51 : memref<128x128xf32, #tpu.memory_space<vmem_shared>>) target(%dma_start3A_49 : memref<128x128xf32, #tpu.memory_space<hbm>>) target_semaphore(%run_scoped3A : memref<!tpu.dma_semaphore, #tpu.memory_space<semaphore_mem>>)
      %dma_wait3A = arith.constant 0 : i32
      %dma_wait3A_52 = tpu.memref_slice %arg5[%arg0, %add3A_39, %dma_wait3A] : memref<2x10240x128xf32, #tpu.memory_space<hbm>> -> memref<1x128x128xf32, #tpu.memory_space<hbm>>
      %dma_wait3A_53 = tpu.memref_squeeze %dma_wait3A_52 : memref<1x128x128xf32, #tpu.memory_space<hbm>> -> memref<128x128xf32, #tpu.memory_space<hbm>>
      %dma_wait3A_54 = arith.constant 0 : i32
      %dma_wait3A_55 = tpu.memref_slice %arg9[%add3A_37, %dma_wait3A_54] : memref<10240x128xf32, #tpu.memory_space<vmem_shared>> -> memref<128x128xf32, #tpu.memory_space<vmem_shared>>
      tpu.wait_dma2 semaphore(%run_scoped3A : memref<!tpu.dma_semaphore, #tpu.memory_space<semaphore_mem>>) src(%dma_wait3A_55 : memref<128x128xf32, #tpu.memory_space<vmem_shared>>) dst(%dma_wait3A_53 : memref<128x128xf32, #tpu.memory_space<hbm>>)
      tpu.yield
    }) : () -> ()
    %add3A_40 = arith.constant 384 : i32
    %add3A_41 = arith.addi %mul3A_9, %add3A_40 : i32
    %add3A_42 = arith.constant 384 : i32
    %add3A_43 = arith.addi %mul3A_9, %add3A_42 : i32
    "tpu.region"() ({
      %run_scoped3A = tpu.sem_alloc : memref<!tpu.dma_semaphore, #tpu.memory_space<semaphore_mem>>
      %dma_start3A = arith.constant 0 : i32
      %dma_start3A_48 = tpu.memref_slice %arg5[%arg0, %add3A_43, %dma_start3A] : memref<2x10240x128xf32, #tpu.memory_space<hbm>> -> memref<1x128x128xf32, #tpu.memory_space<hbm>>
      %dma_start3A_49 = tpu.memref_squeeze %dma_start3A_48 : memref<1x128x128xf32, #tpu.memory_space<hbm>> -> memref<128x128xf32, #tpu.memory_space<hbm>>
      %dma_start3A_50 = arith.constant 0 : i32
      %dma_start3A_51 = tpu.memref_slice %arg9[%add3A_41, %dma_start3A_50] : memref<10240x128xf32, #tpu.memory_space<vmem_shared>> -> memref<128x128xf32, #tpu.memory_space<vmem_shared>>
      tpu.enqueue_dma source(%dma_start3A_51 : memref<128x128xf32, #tpu.memory_space<vmem_shared>>) target(%dma_start3A_49 : memref<128x128xf32, #tpu.memory_space<hbm>>) target_semaphore(%run_scoped3A : memref<!tpu.dma_semaphore, #tpu.memory_space<semaphore_mem>>)
      %dma_wait3A = arith.constant 0 : i32
      %dma_wait3A_52 = tpu.memref_slice %arg5[%arg0, %add3A_43, %dma_wait3A] : memref<2x10240x128xf32, #tpu.memory_space<hbm>> -> memref<1x128x128xf32, #tpu.memory_space<hbm>>
      %dma_wait3A_53 = tpu.memref_squeeze %dma_wait3A_52 : memref<1x128x128xf32, #tpu.memory_space<hbm>> -> memref<128x128xf32, #tpu.memory_space<hbm>>
      %dma_wait3A_54 = arith.constant 0 : i32
      %dma_wait3A_55 = tpu.memref_slice %arg9[%add3A_41, %dma_wait3A_54] : memref<10240x128xf32, #tpu.memory_space<vmem_shared>> -> memref<128x128xf32, #tpu.memory_space<vmem_shared>>
      tpu.wait_dma2 semaphore(%run_scoped3A : memref<!tpu.dma_semaphore, #tpu.memory_space<semaphore_mem>>) src(%dma_wait3A_55 : memref<128x128xf32, #tpu.memory_space<vmem_shared>>) dst(%dma_wait3A_53 : memref<128x128xf32, #tpu.memory_space<hbm>>)
      tpu.yield
    }) : () -> ()
    %add3A_44 = arith.constant 512 : i32
    %add3A_45 = arith.addi %mul3A_9, %add3A_44 : i32
    %add3A_46 = arith.constant 512 : i32
    %add3A_47 = arith.addi %mul3A_9, %add3A_46 : i32
    "tpu.region"() ({
      %run_scoped3A = tpu.sem_alloc : memref<!tpu.dma_semaphore, #tpu.memory_space<semaphore_mem>>
      %dma_start3A = arith.constant 0 : i32
      %dma_start3A_48 = tpu.memref_slice %arg5[%arg0, %add3A_47, %dma_start3A] : memref<2x10240x128xf32, #tpu.memory_space<hbm>> -> memref<1x128x128xf32, #tpu.memory_space<hbm>>
      %dma_start3A_49 = tpu.memref_squeeze %dma_start3A_48 : memref<1x128x128xf32, #tpu.memory_space<hbm>> -> memref<128x128xf32, #tpu.memory_space<hbm>>
      %dma_start3A_50 = arith.constant 0 : i32
      %dma_start3A_51 = tpu.memref_slice %arg9[%add3A_45, %dma_start3A_50] : memref<10240x128xf32, #tpu.memory_space<vmem_shared>> -> memref<128x128xf32, #tpu.memory_space<vmem_shared>>
      tpu.enqueue_dma source(%dma_start3A_51 : memref<128x128xf32, #tpu.memory_space<vmem_shared>>) target(%dma_start3A_49 : memref<128x128xf32, #tpu.memory_space<hbm>>) target_semaphore(%run_scoped3A : memref<!tpu.dma_semaphore, #tpu.memory_space<semaphore_mem>>)
      %dma_wait3A = arith.constant 0 : i32
      %dma_wait3A_52 = tpu.memref_slice %arg5[%arg0, %add3A_47, %dma_wait3A] : memref<2x10240x128xf32, #tpu.memory_space<hbm>> -> memref<1x128x128xf32, #tpu.memory_space<hbm>>
      %dma_wait3A_53 = tpu.memref_squeeze %dma_wait3A_52 : memref<1x128x128xf32, #tpu.memory_space<hbm>> -> memref<128x128xf32, #tpu.memory_space<hbm>>
      %dma_wait3A_54 = arith.constant 0 : i32
      %dma_wait3A_55 = tpu.memref_slice %arg9[%add3A_45, %dma_wait3A_54] : memref<10240x128xf32, #tpu.memory_space<vmem_shared>> -> memref<128x128xf32, #tpu.memory_space<vmem_shared>>
      tpu.wait_dma2 semaphore(%run_scoped3A : memref<!tpu.dma_semaphore, #tpu.memory_space<semaphore_mem>>) src(%dma_wait3A_55 : memref<128x128xf32, #tpu.memory_space<vmem_shared>>) dst(%dma_wait3A_53 : memref<128x128xf32, #tpu.memory_space<hbm>>)
      tpu.yield
    }) : () -> ()
    return
  }
}

#map = affine_map<(d0, d1) -> (0, 0)>
#map1 = affine_map<(d0, d1) -> (0, 0, 0)>
module attributes {stable_mosaic.version = 14 : i64} {
  func.func @body(%arg0: i32, %arg1: i32, %arg2: memref<10240x128xf32, #tpu.memory_space<hbm>>, %arg3: memref<32x79x128xi32, #tpu.memory_space<hbm>>, %arg4: memref<32x79x128xi32, #tpu.memory_space<hbm>>, %arg5: memref<2x10240x128xf32, #tpu.memory_space<hbm>>, %arg6: memref<79x128xi32, #tpu.memory_space<vmem>>, %arg7: memref<79x128xi32, #tpu.memory_space<vmem>>, %arg8: memref<128x128xf32, #tpu.memory_space<vmem>>, %arg9: memref<10240x128xf32, #tpu.memory_space<vmem_shared>>, %arg10: memref<!tpu.dma_semaphore, #tpu.memory_space<semaphore_mem>>) attributes {dimension_semantics = [#tpu.dimension_semantics<core_parallel>, #tpu.dimension_semantics<subcore_parallel>], iteration_bounds = array<i64: 2, 16>, scalar_prefetch = 0 : i64, scratch_operands = 5 : i64, tpu.core_type = #tpu.core_type<sc_vector_subcore>, window_params = [{transform_indices = #map}, {transform_indices = #map1}, {transform_indices = #map1}, {transform_indices = #map1}]} {
    %mul3A = arith.constant 2 : i32
    %mul3A_0 = arith.muli %arg1, %mul3A : i32
    %add3A = arith.addi %mul3A_0, %arg0 : i32
    %broadcast_in_dim3A = arith.constant 0.000000e+00 : f32
    %broadcast_in_dim3A_1 = vector.broadcast %broadcast_in_dim3A : f32 to vector<16xf32>
    %scan3A = arith.constant 0 : i32
    %scan3A_2 = arith.constant 0 : i32
    %scan3A_3 = arith.constant 128 : i32
    %scan3A_4 = arith.addi %scan3A_2, %scan3A_3 : i32
    %scan3A_5 = arith.constant 1 : i32
    %scan3A_6 = scf.for %scan3A_48 = %scan3A_2 to %scan3A_4 step %scan3A_5 iter_args(%scan3A_49 = %scan3A) -> (i32)  : i32 {
      %swap3A = arith.index_cast %scan3A_48 : i32 to index
      %swap3A_50 = arith.constant 0 : index
      %swap3A_51 = tpu.vector_load %arg8[%swap3A, %swap3A_50] {strides = array<i32>} : memref<128x128xf32, #tpu.memory_space<vmem>>, vector<1x16xf32>,
      %swap3A_52 = vector.shape_cast %swap3A_51 : vector<1x16xf32> to vector<16xf32>
      %swap3A_53 = vector.shape_cast %broadcast_in_dim3A_1 : vector<16xf32> to vector<1x16xf32>
      tpu.vector_store %arg8[%swap3A, %swap3A_50], %swap3A_53 {strides = array<i32>} : memref<128x128xf32, #tpu.memory_space<vmem>>, vector<1x16xf32>,
      %swap3A_54 = arith.index_cast %scan3A_48 : i32 to index
      %swap3A_55 = arith.constant 16 : index
      %swap3A_56 = tpu.vector_load %arg8[%swap3A_54, %swap3A_55] {strides = array<i32>} : memref<128x128xf32, #tpu.memory_space<vmem>>, vector<1x16xf32>,
      %swap3A_57 = vector.shape_cast %swap3A_56 : vector<1x16xf32> to vector<16xf32>
      %swap3A_58 = vector.shape_cast %broadcast_in_dim3A_1 : vector<16xf32> to vector<1x16xf32>
      tpu.vector_store %arg8[%swap3A_54, %swap3A_55], %swap3A_58 {strides = array<i32>} : memref<128x128xf32, #tpu.memory_space<vmem>>, vector<1x16xf32>,
      %swap3A_59 = arith.index_cast %scan3A_48 : i32 to index
      %swap3A_60 = arith.constant 32 : index
      %swap3A_61 = tpu.vector_load %arg8[%swap3A_59, %swap3A_60] {strides = array<i32>} : memref<128x128xf32, #tpu.memory_space<vmem>>, vector<1x16xf32>,
      %swap3A_62 = vector.shape_cast %swap3A_61 : vector<1x16xf32> to vector<16xf32>
      %swap3A_63 = vector.shape_cast %broadcast_in_dim3A_1 : vector<16xf32> to vector<1x16xf32>
      tpu.vector_store %arg8[%swap3A_59, %swap3A_60], %swap3A_63 {strides = array<i32>} : memref<128x128xf32, #tpu.memory_space<vmem>>, vector<1x16xf32>,
      %swap3A_64 = arith.index_cast %scan3A_48 : i32 to index
      %swap3A_65 = arith.constant 48 : index
      %swap3A_66 = tpu.vector_load %arg8[%swap3A_64, %swap3A_65] {strides = array<i32>} : memref<128x128xf32, #tpu.memory_space<vmem>>, vector<1x16xf32>,
      %swap3A_67 = vector.shape_cast %swap3A_66 : vector<1x16xf32> to vector<16xf32>
      %swap3A_68 = vector.shape_cast %broadcast_in_dim3A_1 : vector<16xf32> to vector<1x16xf32>
      tpu.vector_store %arg8[%swap3A_64, %swap3A_65], %swap3A_68 {strides = array<i32>} : memref<128x128xf32, #tpu.memory_space<vmem>>, vector<1x16xf32>,
      %swap3A_69 = arith.index_cast %scan3A_48 : i32 to index
      %swap3A_70 = arith.constant 64 : index
      %swap3A_71 = tpu.vector_load %arg8[%swap3A_69, %swap3A_70] {strides = array<i32>} : memref<128x128xf32, #tpu.memory_space<vmem>>, vector<1x16xf32>,
      %swap3A_72 = vector.shape_cast %swap3A_71 : vector<1x16xf32> to vector<16xf32>
      %swap3A_73 = vector.shape_cast %broadcast_in_dim3A_1 : vector<16xf32> to vector<1x16xf32>
      tpu.vector_store %arg8[%swap3A_69, %swap3A_70], %swap3A_73 {strides = array<i32>} : memref<128x128xf32, #tpu.memory_space<vmem>>, vector<1x16xf32>,
      %swap3A_74 = arith.index_cast %scan3A_48 : i32 to index
      %swap3A_75 = arith.constant 80 : index
      %swap3A_76 = tpu.vector_load %arg8[%swap3A_74, %swap3A_75] {strides = array<i32>} : memref<128x128xf32, #tpu.memory_space<vmem>>, vector<1x16xf32>,
      %swap3A_77 = vector.shape_cast %swap3A_76 : vector<1x16xf32> to vector<16xf32>
      %swap3A_78 = vector.shape_cast %broadcast_in_dim3A_1 : vector<16xf32> to vector<1x16xf32>
      tpu.vector_store %arg8[%swap3A_74, %swap3A_75], %swap3A_78 {strides = array<i32>} : memref<128x128xf32, #tpu.memory_space<vmem>>, vector<1x16xf32>,
      %swap3A_79 = arith.index_cast %scan3A_48 : i32 to index
      %swap3A_80 = arith.constant 96 : index
      %swap3A_81 = tpu.vector_load %arg8[%swap3A_79, %swap3A_80] {strides = array<i32>} : memref<128x128xf32, #tpu.memory_space<vmem>>, vector<1x16xf32>,
      %swap3A_82 = vector.shape_cast %swap3A_81 : vector<1x16xf32> to vector<16xf32>
      %swap3A_83 = vector.shape_cast %broadcast_in_dim3A_1 : vector<16xf32> to vector<1x16xf32>
      tpu.vector_store %arg8[%swap3A_79, %swap3A_80], %swap3A_83 {strides = array<i32>} : memref<128x128xf32, #tpu.memory_space<vmem>>, vector<1x16xf32>,
      %swap3A_84 = arith.index_cast %scan3A_48 : i32 to index
      %swap3A_85 = arith.constant 112 : index
      %swap3A_86 = tpu.vector_load %arg8[%swap3A_84, %swap3A_85] {strides = array<i32>} : memref<128x128xf32, #tpu.memory_space<vmem>>, vector<1x16xf32>,
      %swap3A_87 = vector.shape_cast %swap3A_86 : vector<1x16xf32> to vector<16xf32>
      %swap3A_88 = vector.shape_cast %broadcast_in_dim3A_1 : vector<16xf32> to vector<1x16xf32>
      tpu.vector_store %arg8[%swap3A_84, %swap3A_85], %swap3A_88 {strides = array<i32>} : memref<128x128xf32, #tpu.memory_space<vmem>>, vector<1x16xf32>,
      %scan3A_89 = arith.constant 0 : i32
      scf.yield %scan3A_89 : i32
    }
    %scan3A_7 = arith.constant 128 : i32
    %mul3A_8 = arith.constant 640 : i32
    %mul3A_9 = arith.muli %arg1, %mul3A_8 : i32
    %add3A_10 = arith.constant 0 : i32
    %add3A_11 = arith.addi %mul3A_9, %add3A_10 : i32
    "tpu.region"() ({
      %run_scoped3A = tpu.sem_alloc : memref<!tpu.dma_semaphore, #tpu.memory_space<semaphore_mem>>
      %dma_start3A = arith.constant 0 : i32
      %dma_start3A_48 = tpu.memref_slice %arg9[%add3A_11, %dma_start3A] : memref<10240x128xf32, #tpu.memory_space<vmem_shared>> -> memref<128x128xf32, #tpu.memory_space<vmem_shared>>
      %dma_start3A_49 = arith.constant 0 : i32
      %dma_start3A_50 = tpu.memref_slice %arg9[%add3A_11, %dma_start3A_49] : memref<10240x128xf32, #tpu.memory_space<vmem_shared>> -> memref<128x128xf32, #tpu.memory_space<vmem_shared>>
      tpu.enqueue_dma source(%arg8 : memref<128x128xf32, #tpu.memory_space<vmem>>) target(%dma_start3A_50 : memref<128x128xf32, #tpu.memory_space<vmem_shared>>) target_semaphore(%run_scoped3A : memref<!tpu.dma_semaphore, #tpu.memory_space<semaphore_mem>>)
      %dma_wait3A = arith.constant 0 : i32
      %dma_wait3A_51 = tpu.memref_slice %arg9[%add3A_11, %dma_wait3A] : memref<10240x128xf32, #tpu.memory_space<vmem_shared>> -> memref<128x128xf32, #tpu.memory_space<vmem_shared>>
      %dma_wait3A_52 = arith.constant 0 : i32
      %dma_wait3A_53 = tpu.memref_slice %arg9[%add3A_11, %dma_wait3A_52] : memref<10240x128xf32, #tpu.memory_space<vmem_shared>> -> memref<128x128xf32, #tpu.memory_space<vmem_shared>>
      tpu.wait_dma2 semaphore(%run_scoped3A : memref<!tpu.dma_semaphore, #tpu.memory_space<semaphore_mem>>) src(%arg8 : memref<128x128xf32, #tpu.memory_space<vmem>>) dst(%dma_wait3A_53 : memref<128x128xf32, #tpu.memory_space<vmem_shared>>)
      tpu.yield
    }) : () -> ()
    %add3A_12 = arith.constant 128 : i32
    %add3A_13 = arith.addi %mul3A_9, %add3A_12 : i32
    "tpu.region"() ({
      %run_scoped3A = tpu.sem_alloc : memref<!tpu.dma_semaphore, #tpu.memory_space<semaphore_mem>>
      %dma_start3A = arith.constant 0 : i32
      %dma_start3A_48 = tpu.memref_slice %arg9[%add3A_13, %dma_start3A] : memref<10240x128xf32, #tpu.memory_space<vmem_shared>> -> memref<128x128xf32, #tpu.memory_space<vmem_shared>>
      %dma_start3A_49 = arith.constant 0 : i32
      %dma_start3A_50 = tpu.memref_slice %arg9[%add3A_13, %dma_start3A_49] : memref<10240x128xf32, #tpu.memory_space<vmem_shared>> -> memref<128x128xf32, #tpu.memory_space<vmem_shared>>
      tpu.enqueue_dma source(%arg8 : memref<128x128xf32, #tpu.memory_space<vmem>>) target(%dma_start3A_50 : memref<128x128xf32, #tpu.memory_space<vmem_shared>>) target_semaphore(%run_scoped3A : memref<!tpu.dma_semaphore, #tpu.memory_space<semaphore_mem>>)
      %dma_wait3A = arith.constant 0 : i32
      %dma_wait3A_51 = tpu.memref_slice %arg9[%add3A_13, %dma_wait3A] : memref<10240x128xf32, #tpu.memory_space<vmem_shared>> -> memref<128x128xf32, #tpu.memory_space<vmem_shared>>
      %dma_wait3A_52 = arith.constant 0 : i32
      %dma_wait3A_53 = tpu.memref_slice %arg9[%add3A_13, %dma_wait3A_52] : memref<10240x128xf32, #tpu.memory_space<vmem_shared>> -> memref<128x128xf32, #tpu.memory_space<vmem_shared>>
      tpu.wait_dma2 semaphore(%run_scoped3A : memref<!tpu.dma_semaphore, #tpu.memory_space<semaphore_mem>>) src(%arg8 : memref<128x128xf32, #tpu.memory_space<vmem>>) dst(%dma_wait3A_53 : memref<128x128xf32, #tpu.memory_space<vmem_shared>>)
      tpu.yield
    }) : () -> ()
    %add3A_14 = arith.constant 256 : i32
    %add3A_15 = arith.addi %mul3A_9, %add3A_14 : i32
    "tpu.region"() ({
      %run_scoped3A = tpu.sem_alloc : memref<!tpu.dma_semaphore, #tpu.memory_space<semaphore_mem>>
      %dma_start3A = arith.constant 0 : i32
      %dma_start3A_48 = tpu.memref_slice %arg9[%add3A_15, %dma_start3A] : memref<10240x128xf32, #tpu.memory_space<vmem_shared>> -> memref<128x128xf32, #tpu.memory_space<vmem_shared>>
      %dma_start3A_49 = arith.constant 0 : i32
      %dma_start3A_50 = tpu.memref_slice %arg9[%add3A_15, %dma_start3A_49] : memref<10240x128xf32, #tpu.memory_space<vmem_shared>> -> memref<128x128xf32, #tpu.memory_space<vmem_shared>>
      tpu.enqueue_dma source(%arg8 : memref<128x128xf32, #tpu.memory_space<vmem>>) target(%dma_start3A_50 : memref<128x128xf32, #tpu.memory_space<vmem_shared>>) target_semaphore(%run_scoped3A : memref<!tpu.dma_semaphore, #tpu.memory_space<semaphore_mem>>)
      %dma_wait3A = arith.constant 0 : i32
      %dma_wait3A_51 = tpu.memref_slice %arg9[%add3A_15, %dma_wait3A] : memref<10240x128xf32, #tpu.memory_space<vmem_shared>> -> memref<128x128xf32, #tpu.memory_space<vmem_shared>>
      %dma_wait3A_52 = arith.constant 0 : i32
      %dma_wait3A_53 = tpu.memref_slice %arg9[%add3A_15, %dma_wait3A_52] : memref<10240x128xf32, #tpu.memory_space<vmem_shared>> -> memref<128x128xf32, #tpu.memory_space<vmem_shared>>
      tpu.wait_dma2 semaphore(%run_scoped3A : memref<!tpu.dma_semaphore, #tpu.memory_space<semaphore_mem>>) src(%arg8 : memref<128x128xf32, #tpu.memory_space<vmem>>) dst(%dma_wait3A_53 : memref<128x128xf32, #tpu.memory_space<vmem_shared>>)
      tpu.yield
    }) : () -> ()
    %add3A_16 = arith.constant 384 : i32
    %add3A_17 = arith.addi %mul3A_9, %add3A_16 : i32
    "tpu.region"() ({
      %run_scoped3A = tpu.sem_alloc : memref<!tpu.dma_semaphore, #tpu.memory_space<semaphore_mem>>
      %dma_start3A = arith.constant 0 : i32
      %dma_start3A_48 = tpu.memref_slice %arg9[%add3A_17, %dma_start3A] : memref<10240x128xf32, #tpu.memory_space<vmem_shared>> -> memref<128x128xf32, #tpu.memory_space<vmem_shared>>
      %dma_start3A_49 = arith.constant 0 : i32
      %dma_start3A_50 = tpu.memref_slice %arg9[%add3A_17, %dma_start3A_49] : memref<10240x128xf32, #tpu.memory_space<vmem_shared>> -> memref<128x128xf32, #tpu.memory_space<vmem_shared>>
      tpu.enqueue_dma source(%arg8 : memref<128x128xf32, #tpu.memory_space<vmem>>) target(%dma_start3A_50 : memref<128x128xf32, #tpu.memory_space<vmem_shared>>) target_semaphore(%run_scoped3A : memref<!tpu.dma_semaphore, #tpu.memory_space<semaphore_mem>>)
      %dma_wait3A = arith.constant 0 : i32
      %dma_wait3A_51 = tpu.memref_slice %arg9[%add3A_17, %dma_wait3A] : memref<10240x128xf32, #tpu.memory_space<vmem_shared>> -> memref<128x128xf32, #tpu.memory_space<vmem_shared>>
      %dma_wait3A_52 = arith.constant 0 : i32
      %dma_wait3A_53 = tpu.memref_slice %arg9[%add3A_17, %dma_wait3A_52] : memref<10240x128xf32, #tpu.memory_space<vmem_shared>> -> memref<128x128xf32, #tpu.memory_space<vmem_shared>>
      tpu.wait_dma2 semaphore(%run_scoped3A : memref<!tpu.dma_semaphore, #tpu.memory_space<semaphore_mem>>) src(%arg8 : memref<128x128xf32, #tpu.memory_space<vmem>>) dst(%dma_wait3A_53 : memref<128x128xf32, #tpu.memory_space<vmem_shared>>)
      tpu.yield
    }) : () -> ()
    %add3A_18 = arith.constant 512 : i32
    %add3A_19 = arith.addi %mul3A_9, %add3A_18 : i32
    "tpu.region"() ({
      %run_scoped3A = tpu.sem_alloc : memref<!tpu.dma_semaphore, #tpu.memory_space<semaphore_mem>>
      %dma_start3A = arith.constant 0 : i32
      %dma_start3A_48 = tpu.memref_slice %arg9[%add3A_19, %dma_start3A] : memref<10240x128xf32, #tpu.memory_space<vmem_shared>> -> memref<128x128xf32, #tpu.memory_space<vmem_shared>>
      %dma_start3A_49 = arith.constant 0 : i32
      %dma_start3A_50 = tpu.memref_slice %arg9[%add3A_19, %dma_start3A_49] : memref<10240x128xf32, #tpu.memory_space<vmem_shared>> -> memref<128x128xf32, #tpu.memory_space<vmem_shared>>
      tpu.enqueue_dma source(%arg8 : memref<128x128xf32, #tpu.memory_space<vmem>>) target(%dma_start3A_50 : memref<128x128xf32, #tpu.memory_space<vmem_shared>>) target_semaphore(%run_scoped3A : memref<!tpu.dma_semaphore, #tpu.memory_space<semaphore_mem>>)
      %dma_wait3A = arith.constant 0 : i32
      %dma_wait3A_51 = tpu.memref_slice %arg9[%add3A_19, %dma_wait3A] : memref<10240x128xf32, #tpu.memory_space<vmem_shared>> -> memref<128x128xf32, #tpu.memory_space<vmem_shared>>
      %dma_wait3A_52 = arith.constant 0 : i32
      %dma_wait3A_53 = tpu.memref_slice %arg9[%add3A_19, %dma_wait3A_52] : memref<10240x128xf32, #tpu.memory_space<vmem_shared>> -> memref<128x128xf32, #tpu.memory_space<vmem_shared>>
      tpu.wait_dma2 semaphore(%run_scoped3A : memref<!tpu.dma_semaphore, #tpu.memory_space<semaphore_mem>>) src(%arg8 : memref<128x128xf32, #tpu.memory_space<vmem>>) dst(%dma_wait3A_53 : memref<128x128xf32, #tpu.memory_space<vmem_shared>>)
      tpu.yield
    }) : () -> ()
    %barrier3A = arith.constant 0 : index
    tpu.barrier barrier_id(%barrier3A)
    "tpu.region"() ({
      %run_scoped3A = tpu.sem_alloc : memref<!tpu.dma_semaphore, #tpu.memory_space<semaphore_mem>>
      %dma_start3A = arith.constant 0 : i32
      %dma_start3A_48 = arith.constant 0 : i32
      %dma_start3A_49 = tpu.memref_slice %arg3[%add3A, %dma_start3A, %dma_start3A_48] : memref<32x79x128xi32, #tpu.memory_space<hbm>> -> memref<1x79x128xi32, #tpu.memory_space<hbm>>
      %dma_start3A_50 = tpu.memref_squeeze %dma_start3A_49 : memref<1x79x128xi32, #tpu.memory_space<hbm>> -> memref<79x128xi32, #tpu.memory_space<hbm>>
      %dma_start3A_51 = arith.constant 0 : i32
      %dma_start3A_52 = arith.constant 0 : i32
      %dma_start3A_53 = tpu.memref_slice %arg3[%add3A, %dma_start3A_51, %dma_start3A_52] : memref<32x79x128xi32, #tpu.memory_space<hbm>> -> memref<1x79x128xi32, #tpu.memory_space<hbm>>
      %dma_start3A_54 = tpu.memref_squeeze %dma_start3A_53 : memref<1x79x128xi32, #tpu.memory_space<hbm>> -> memref<79x128xi32, #tpu.memory_space<hbm>>
      tpu.enqueue_dma source(%dma_start3A_54 : memref<79x128xi32, #tpu.memory_space<hbm>>) target(%arg6 : memref<79x128xi32, #tpu.memory_space<vmem>>) target_semaphore(%run_scoped3A : memref<!tpu.dma_semaphore, #tpu.memory_space<semaphore_mem>>)
      %dma_wait3A = arith.constant 0 : i32
      %dma_wait3A_55 = arith.constant 0 : i32
      %dma_wait3A_56 = tpu.memref_slice %arg3[%add3A, %dma_wait3A, %dma_wait3A_55] : memref<32x79x128xi32, #tpu.memory_space<hbm>> -> memref<1x79x128xi32, #tpu.memory_space<hbm>>
      %dma_wait3A_57 = tpu.memref_squeeze %dma_wait3A_56 : memref<1x79x128xi32, #tpu.memory_space<hbm>> -> memref<79x128xi32, #tpu.memory_space<hbm>>
      %dma_wait3A_58 = arith.constant 0 : i32
      %dma_wait3A_59 = arith.constant 0 : i32
      %dma_wait3A_60 = tpu.memref_slice %arg3[%add3A, %dma_wait3A_58, %dma_wait3A_59] : memref<32x79x128xi32, #tpu.memory_space<hbm>> -> memref<1x79x128xi32, #tpu.memory_space<hbm>>
      %dma_wait3A_61 = tpu.memref_squeeze %dma_wait3A_60 : memref<1x79x128xi32, #tpu.memory_space<hbm>> -> memref<79x128xi32, #tpu.memory_space<hbm>>
      tpu.wait_dma2 semaphore(%run_scoped3A : memref<!tpu.dma_semaphore, #tpu.memory_space<semaphore_mem>>) src(%dma_wait3A_61 : memref<79x128xi32, #tpu.memory_space<hbm>>) dst(%arg6 : memref<79x128xi32, #tpu.memory_space<vmem>>)
      tpu.yield
    }) : () -> ()
    "tpu.region"() ({
      %run_scoped3A = tpu.sem_alloc : memref<!tpu.dma_semaphore, #tpu.memory_space<semaphore_mem>>
      %dma_start3A = arith.constant 0 : i32
      %dma_start3A_48 = arith.constant 0 : i32
      %dma_start3A_49 = tpu.memref_slice %arg4[%add3A, %dma_start3A, %dma_start3A_48] : memref<32x79x128xi32, #tpu.memory_space<hbm>> -> memref<1x79x128xi32, #tpu.memory_space<hbm>>
      %dma_start3A_50 = tpu.memref_squeeze %dma_start3A_49 : memref<1x79x128xi32, #tpu.memory_space<hbm>> -> memref<79x128xi32, #tpu.memory_space<hbm>>
      %dma_start3A_51 = arith.constant 0 : i32
      %dma_start3A_52 = arith.constant 0 : i32
      %dma_start3A_53 = tpu.memref_slice %arg4[%add3A, %dma_start3A_51, %dma_start3A_52] : memref<32x79x128xi32, #tpu.memory_space<hbm>> -> memref<1x79x128xi32, #tpu.memory_space<hbm>>
      %dma_start3A_54 = tpu.memref_squeeze %dma_start3A_53 : memref<1x79x128xi32, #tpu.memory_space<hbm>> -> memref<79x128xi32, #tpu.memory_space<hbm>>
      tpu.enqueue_dma source(%dma_start3A_54 : memref<79x128xi32, #tpu.memory_space<hbm>>) target(%arg7 : memref<79x128xi32, #tpu.memory_space<vmem>>) target_semaphore(%run_scoped3A : memref<!tpu.dma_semaphore, #tpu.memory_space<semaphore_mem>>)
      %dma_wait3A = arith.constant 0 : i32
      %dma_wait3A_55 = arith.constant 0 : i32
      %dma_wait3A_56 = tpu.memref_slice %arg4[%add3A, %dma_wait3A, %dma_wait3A_55] : memref<32x79x128xi32, #tpu.memory_space<hbm>> -> memref<1x79x128xi32, #tpu.memory_space<hbm>>
      %dma_wait3A_57 = tpu.memref_squeeze %dma_wait3A_56 : memref<1x79x128xi32, #tpu.memory_space<hbm>> -> memref<79x128xi32, #tpu.memory_space<hbm>>
      %dma_wait3A_58 = arith.constant 0 : i32
      %dma_wait3A_59 = arith.constant 0 : i32
      %dma_wait3A_60 = tpu.memref_slice %arg4[%add3A, %dma_wait3A_58, %dma_wait3A_59] : memref<32x79x128xi32, #tpu.memory_space<hbm>> -> memref<1x79x128xi32, #tpu.memory_space<hbm>>
      %dma_wait3A_61 = tpu.memref_squeeze %dma_wait3A_60 : memref<1x79x128xi32, #tpu.memory_space<hbm>> -> memref<79x128xi32, #tpu.memory_space<hbm>>
      tpu.wait_dma2 semaphore(%run_scoped3A : memref<!tpu.dma_semaphore, #tpu.memory_space<semaphore_mem>>) src(%dma_wait3A_61 : memref<79x128xi32, #tpu.memory_space<hbm>>) dst(%arg7 : memref<79x128xi32, #tpu.memory_space<vmem>>)
      tpu.yield
    }) : () -> ()
    %scan3A_20 = arith.constant 0 : i32
    %scan3A_21 = arith.constant 0 : i32
    %scan3A_22 = arith.constant 79 : i32
    %scan3A_23 = arith.addi %scan3A_21, %scan3A_22 : i32
    %scan3A_24 = arith.constant 1 : i32
    %scan3A_25 = scf.for %scan3A_48 = %scan3A_21 to %scan3A_23 step %scan3A_24 iter_args(%scan3A_49 = %scan3A_20) -> (i32)  : i32 {
      %dma_start3A = arith.constant 0 : i32
      %dma_start3A_50 = tpu.memref_slice %arg6[%scan3A_48, %dma_start3A] : memref<79x128xi32, #tpu.memory_space<vmem>> -> memref<1x128xi32, #tpu.memory_space<vmem>>
      %dma_start3A_51 = tpu.memref_squeeze %dma_start3A_50 : memref<1x128xi32, #tpu.memory_space<vmem>> -> memref<128xi32, #tpu.memory_space<vmem>>
      %dma_start3A_52 = arith.constant 0 : i32
      %dma_start3A_53 = arith.constant 0 : i32
      %dma_start3A_54 = tpu.memref_slice %arg2[%dma_start3A_52, %dma_start3A_53] : memref<10240x128xf32, #tpu.memory_space<hbm>> -> memref<10240x128xf32, #tpu.memory_space<hbm>>
      tpu.enqueue_indirect_dma source(%dma_start3A_54 : memref<10240x128xf32, #tpu.memory_space<hbm>>) target(%arg8 : memref<128x128xf32, #tpu.memory_space<vmem>>) offsets(%dma_start3A_51 : memref<128xi32, #tpu.memory_space<vmem>>) semaphore(%arg10 : memref<!tpu.dma_semaphore, #tpu.memory_space<semaphore_mem>>)
      %dma_wait3A = arith.constant 0 : i32
      %dma_wait3A_55 = tpu.memref_slice %arg6[%scan3A_48, %dma_wait3A] : memref<79x128xi32, #tpu.memory_space<vmem>> -> memref<1x128xi32, #tpu.memory_space<vmem>>
      %dma_wait3A_56 = tpu.memref_squeeze %dma_wait3A_55 : memref<1x128xi32, #tpu.memory_space<vmem>> -> memref<128xi32, #tpu.memory_space<vmem>>
      %dma_wait3A_57 = arith.constant 0 : i32
      %dma_wait3A_58 = arith.constant 0 : i32
      %dma_wait3A_59 = tpu.memref_slice %arg2[%dma_wait3A_57, %dma_wait3A_58] : memref<10240x128xf32, #tpu.memory_space<hbm>> -> memref<10240x128xf32, #tpu.memory_space<hbm>>
      tpu.wait_indirect_dma semaphore(%arg10 : memref<!tpu.dma_semaphore, #tpu.memory_space<semaphore_mem>>) src(%dma_wait3A_59 : memref<10240x128xf32, #tpu.memory_space<hbm>>) dst(%arg8 : memref<128x128xf32, #tpu.memory_space<vmem>>)
      "tpu.region"() ({
        %run_scoped3A = tpu.sem_alloc : memref<!tpu.dma_semaphore, #tpu.memory_space<semaphore_mem>>
        %dma_start3A_61 = arith.constant 0 : i32
        %dma_start3A_62 = tpu.memref_slice %arg7[%scan3A_48, %dma_start3A_61] : memref<79x128xi32, #tpu.memory_space<vmem>> -> memref<1x128xi32, #tpu.memory_space<vmem>>
        %dma_start3A_63 = tpu.memref_squeeze %dma_start3A_62 : memref<1x128xi32, #tpu.memory_space<vmem>> -> memref<128xi32, #tpu.memory_space<vmem>>
        %dma_start3A_64 = arith.constant 0 : i32
        %dma_start3A_65 = arith.constant 0 : i32
        %dma_start3A_66 = tpu.memref_slice %arg9[%dma_start3A_64, %dma_start3A_65] : memref<10240x128xf32, #tpu.memory_space<vmem_shared>> -> memref<10240x128xf32, #tpu.memory_space<vmem_shared>>
        tpu.enqueue_indirect_dma source(%arg8 : memref<128x128xf32, #tpu.memory_space<vmem>>) target(%dma_start3A_66 : memref<10240x128xf32, #tpu.memory_space<vmem_shared>>) offsets(%dma_start3A_63 : memref<128xi32, #tpu.memory_space<vmem>>) semaphore(%run_scoped3A : memref<!tpu.dma_semaphore, #tpu.memory_space<semaphore_mem>>) {add = true}
        %dma_wait3A_67 = arith.constant 0 : i32
        %dma_wait3A_68 = tpu.memref_slice %arg7[%scan3A_48, %dma_wait3A_67] : memref<79x128xi32, #tpu.memory_space<vmem>> -> memref<1x128xi32, #tpu.memory_space<vmem>>
        %dma_wait3A_69 = tpu.memref_squeeze %dma_wait3A_68 : memref<1x128xi32, #tpu.memory_space<vmem>> -> memref<128xi32, #tpu.memory_space<vmem>>
        %dma_wait3A_70 = arith.constant 0 : i32
        %dma_wait3A_71 = arith.constant 0 : i32
        %dma_wait3A_72 = tpu.memref_slice %arg9[%dma_wait3A_70, %dma_wait3A_71] : memref<10240x128xf32, #tpu.memory_space<vmem_shared>> -> memref<10240x128xf32, #tpu.memory_space<vmem_shared>>
        tpu.wait_indirect_dma semaphore(%run_scoped3A : memref<!tpu.dma_semaphore, #tpu.memory_space<semaphore_mem>>) src(%arg8 : memref<128x128xf32, #tpu.memory_space<vmem>>) dst(%dma_wait3A_72 : memref<10240x128xf32, #tpu.memory_space<vmem_shared>>)
        tpu.yield
      }) : () -> ()
      %scan3A_60 = arith.constant 0 : i32
      scf.yield %scan3A_60 : i32
    }
    %scan3A_26 = arith.constant 79 : i32
    %barrier3A_27 = arith.constant 0 : index
    tpu.barrier barrier_id(%barrier3A_27)
    %add3A_28 = arith.constant 0 : i32
    %add3A_29 = arith.addi %mul3A_9, %add3A_28 : i32
    %add3A_30 = arith.constant 0 : i32
    %add3A_31 = arith.addi %mul3A_9, %add3A_30 : i32
    "tpu.region"() ({
      %run_scoped3A = tpu.sem_alloc : memref<!tpu.dma_semaphore, #tpu.memory_space<semaphore_mem>>
      %dma_start3A = arith.constant 0 : i32
      %dma_start3A_48 = tpu.memref_slice %arg5[%arg0, %add3A_31, %dma_start3A] : memref<2x10240x128xf32, #tpu.memory_space<hbm>> -> memref<1x128x128xf32, #tpu.memory_space<hbm>>
      %dma_start3A_49 = tpu.memref_squeeze %dma_start3A_48 : memref<1x128x128xf32, #tpu.memory_space<hbm>> -> memref<128x128xf32, #tpu.memory_space<hbm>>
      %dma_start3A_50 = arith.constant 0 : i32
      %dma_start3A_51 = tpu.memref_slice %arg9[%add3A_29, %dma_start3A_50] : memref<10240x128xf32, #tpu.memory_space<vmem_shared>> -> memref<128x128xf32, #tpu.memory_space<vmem_shared>>
      tpu.enqueue_dma source(%dma_start3A_51 : memref<128x128xf32, #tpu.memory_space<vmem_shared>>) target(%dma_start3A_49 : memref<128x128xf32, #tpu.memory_space<hbm>>) target_semaphore(%run_scoped3A : memref<!tpu.dma_semaphore, #tpu.memory_space<semaphore_mem>>)
      %dma_wait3A = arith.constant 0 : i32
      %dma_wait3A_52 = tpu.memref_slice %arg5[%arg0, %add3A_31, %dma_wait3A] : memref<2x10240x128xf32, #tpu.memory_space<hbm>> -> memref<1x128x128xf32, #tpu.memory_space<hbm>>
      %dma_wait3A_53 = tpu.memref_squeeze %dma_wait3A_52 : memref<1x128x128xf32, #tpu.memory_space<hbm>> -> memref<128x128xf32, #tpu.memory_space<hbm>>
      %dma_wait3A_54 = arith.constant 0 : i32
      %dma_wait3A_55 = tpu.memref_slice %arg9[%add3A_29, %dma_wait3A_54] : memref<10240x128xf32, #tpu.memory_space<vmem_shared>> -> memref<128x128xf32, #tpu.memory_space<vmem_shared>>
      tpu.wait_dma2 semaphore(%run_scoped3A : memref<!tpu.dma_semaphore, #tpu.memory_space<semaphore_mem>>) src(%dma_wait3A_55 : memref<128x128xf32, #tpu.memory_space<vmem_shared>>) dst(%dma_wait3A_53 : memref<128x128xf32, #tpu.memory_space<hbm>>)
      tpu.yield
    }) : () -> ()
    %add3A_32 = arith.constant 128 : i32
    %add3A_33 = arith.addi %mul3A_9, %add3A_32 : i32
    %add3A_34 = arith.constant 128 : i32
    %add3A_35 = arith.addi %mul3A_9, %add3A_34 : i32
    "tpu.region"() ({
      %run_scoped3A = tpu.sem_alloc : memref<!tpu.dma_semaphore, #tpu.memory_space<semaphore_mem>>
      %dma_start3A = arith.constant 0 : i32
      %dma_start3A_48 = tpu.memref_slice %arg5[%arg0, %add3A_35, %dma_start3A] : memref<2x10240x128xf32, #tpu.memory_space<hbm>> -> memref<1x128x128xf32, #tpu.memory_space<hbm>>
      %dma_start3A_49 = tpu.memref_squeeze %dma_start3A_48 : memref<1x128x128xf32, #tpu.memory_space<hbm>> -> memref<128x128xf32, #tpu.memory_space<hbm>>
      %dma_start3A_50 = arith.constant 0 : i32
      %dma_start3A_51 = tpu.memref_slice %arg9[%add3A_33, %dma_start3A_50] : memref<10240x128xf32, #tpu.memory_space<vmem_shared>> -> memref<128x128xf32, #tpu.memory_space<vmem_shared>>
      tpu.enqueue_dma source(%dma_start3A_51 : memref<128x128xf32, #tpu.memory_space<vmem_shared>>) target(%dma_start3A_49 : memref<128x128xf32, #tpu.memory_space<hbm>>) target_semaphore(%run_scoped3A : memref<!tpu.dma_semaphore, #tpu.memory_space<semaphore_mem>>)
      %dma_wait3A = arith.constant 0 : i32
      %dma_wait3A_52 = tpu.memref_slice %arg5[%arg0, %add3A_35, %dma_wait3A] : memref<2x10240x128xf32, #tpu.memory_space<hbm>> -> memref<1x128x128xf32, #tpu.memory_space<hbm>>
      %dma_wait3A_53 = tpu.memref_squeeze %dma_wait3A_52 : memref<1x128x128xf32, #tpu.memory_space<hbm>> -> memref<128x128xf32, #tpu.memory_space<hbm>>
      %dma_wait3A_54 = arith.constant 0 : i32
      %dma_wait3A_55 = tpu.memref_slice %arg9[%add3A_33, %dma_wait3A_54] : memref<10240x128xf32, #tpu.memory_space<vmem_shared>> -> memref<128x128xf32, #tpu.memory_space<vmem_shared>>
      tpu.wait_dma2 semaphore(%run_scoped3A : memref<!tpu.dma_semaphore, #tpu.memory_space<semaphore_mem>>) src(%dma_wait3A_55 : memref<128x128xf32, #tpu.memory_space<vmem_shared>>) dst(%dma_wait3A_53 : memref<128x128xf32, #tpu.memory_space<hbm>>)
      tpu.yield
    }) : () -> ()
    %add3A_36 = arith.constant 256 : i32
    %add3A_37 = arith.addi %mul3A_9, %add3A_36 : i32
    %add3A_38 = arith.constant 256 : i32
    %add3A_39 = arith.addi %mul3A_9, %add3A_38 : i32
    "tpu.region"() ({
      %run_scoped3A = tpu.sem_alloc : memref<!tpu.dma_semaphore, #tpu.memory_space<semaphore_mem>>
      %dma_start3A = arith.constant 0 : i32
      %dma_start3A_48 = tpu.memref_slice %arg5[%arg0, %add3A_39, %dma_start3A] : memref<2x10240x128xf32, #tpu.memory_space<hbm>> -> memref<1x128x128xf32, #tpu.memory_space<hbm>>
      %dma_start3A_49 = tpu.memref_squeeze %dma_start3A_48 : memref<1x128x128xf32, #tpu.memory_space<hbm>> -> memref<128x128xf32, #tpu.memory_space<hbm>>
      %dma_start3A_50 = arith.constant 0 : i32
      %dma_start3A_51 = tpu.memref_slice %arg9[%add3A_37, %dma_start3A_50] : memref<10240x128xf32, #tpu.memory_space<vmem_shared>> -> memref<128x128xf32, #tpu.memory_space<vmem_shared>>
      tpu.enqueue_dma source(%dma_start3A_51 : memref<128x128xf32, #tpu.memory_space<vmem_shared>>) target(%dma_start3A_49 : memref<128x128xf32, #tpu.memory_space<hbm>>) target_semaphore(%run_scoped3A : memref<!tpu.dma_semaphore, #tpu.memory_space<semaphore_mem>>)
      %dma_wait3A = arith.constant 0 : i32
      %dma_wait3A_52 = tpu.memref_slice %arg5[%arg0, %add3A_39, %dma_wait3A] : memref<2x10240x128xf32, #tpu.memory_space<hbm>> -> memref<1x128x128xf32, #tpu.memory_space<hbm>>
      %dma_wait3A_53 = tpu.memref_squeeze %dma_wait3A_52 : memref<1x128x128xf32, #tpu.memory_space<hbm>> -> memref<128x128xf32, #tpu.memory_space<hbm>>
      %dma_wait3A_54 = arith.constant 0 : i32
      %dma_wait3A_55 = tpu.memref_slice %arg9[%add3A_37, %dma_wait3A_54] : memref<10240x128xf32, #tpu.memory_space<vmem_shared>> -> memref<128x128xf32, #tpu.memory_space<vmem_shared>>
      tpu.wait_dma2 semaphore(%run_scoped3A : memref<!tpu.dma_semaphore, #tpu.memory_space<semaphore_mem>>) src(%dma_wait3A_55 : memref<128x128xf32, #tpu.memory_space<vmem_shared>>) dst(%dma_wait3A_53 : memref<128x128xf32, #tpu.memory_space<hbm>>)
      tpu.yield
    }) : () -> ()
    %add3A_40 = arith.constant 384 : i32
    %add3A_41 = arith.addi %mul3A_9, %add3A_40 : i32
    %add3A_42 = arith.constant 384 : i32
    %add3A_43 = arith.addi %mul3A_9, %add3A_42 : i32
    "tpu.region"() ({
      %run_scoped3A = tpu.sem_alloc : memref<!tpu.dma_semaphore, #tpu.memory_space<semaphore_mem>>
      %dma_start3A = arith.constant 0 : i32
      %dma_start3A_48 = tpu.memref_slice %arg5[%arg0, %add3A_43, %dma_start3A] : memref<2x10240x128xf32, #tpu.memory_space<hbm>> -> memref<1x128x128xf32, #tpu.memory_space<hbm>>
      %dma_start3A_49 = tpu.memref_squeeze %dma_start3A_48 : memref<1x128x128xf32, #tpu.memory_space<hbm>> -> memref<128x128xf32, #tpu.memory_space<hbm>>
      %dma_start3A_50 = arith.constant 0 : i32
      %dma_start3A_51 = tpu.memref_slice %arg9[%add3A_41, %dma_start3A_50] : memref<10240x128xf32, #tpu.memory_space<vmem_shared>> -> memref<128x128xf32, #tpu.memory_space<vmem_shared>>
      tpu.enqueue_dma source(%dma_start3A_51 : memref<128x128xf32, #tpu.memory_space<vmem_shared>>) target(%dma_start3A_49 : memref<128x128xf32, #tpu.memory_space<hbm>>) target_semaphore(%run_scoped3A : memref<!tpu.dma_semaphore, #tpu.memory_space<semaphore_mem>>)
      %dma_wait3A = arith.constant 0 : i32
      %dma_wait3A_52 = tpu.memref_slice %arg5[%arg0, %add3A_43, %dma_wait3A] : memref<2x10240x128xf32, #tpu.memory_space<hbm>> -> memref<1x128x128xf32, #tpu.memory_space<hbm>>
      %dma_wait3A_53 = tpu.memref_squeeze %dma_wait3A_52 : memref<1x128x128xf32, #tpu.memory_space<hbm>> -> memref<128x128xf32, #tpu.memory_space<hbm>>
      %dma_wait3A_54 = arith.constant 0 : i32
      %dma_wait3A_55 = tpu.memref_slice %arg9[%add3A_41, %dma_wait3A_54] : memref<10240x128xf32, #tpu.memory_space<vmem_shared>> -> memref<128x128xf32, #tpu.memory_space<vmem_shared>>
      tpu.wait_dma2 semaphore(%run_scoped3A : memref<!tpu.dma_semaphore, #tpu.memory_space<semaphore_mem>>) src(%dma_wait3A_55 : memref<128x128xf32, #tpu.memory_space<vmem_shared>>) dst(%dma_wait3A_53 : memref<128x128xf32, #tpu.memory_space<hbm>>)
      tpu.yield
    }) : () -> ()
    %add3A_44 = arith.constant 512 : i32
    %add3A_45 = arith.addi %mul3A_9, %add3A_44 : i32
    %add3A_46 = arith.constant 512 : i32
    %add3A_47 = arith.addi %mul3A_9, %add3A_46 : i32
    "tpu.region"() ({
      %run_scoped3A = tpu.sem_alloc : memref<!tpu.dma_semaphore, #tpu.memory_space<semaphore_mem>>
      %dma_start3A = arith.constant 0 : i32
      %dma_start3A_48 = tpu.memref_slice %arg5[%arg0, %add3A_47, %dma_start3A] : memref<2x10240x128xf32, #tpu.memory_space<hbm>> -> memref<1x128x128xf32, #tpu.memory_space<hbm>>
      %dma_start3A_49 = tpu.memref_squeeze %dma_start3A_48 : memref<1x128x128xf32, #tpu.memory_space<hbm>> -> memref<128x128xf32, #tpu.memory_space<hbm>>
      %dma_start3A_50 = arith.constant 0 : i32
      %dma_start3A_51 = tpu.memref_slice %arg9[%add3A_45, %dma_start3A_50] : memref<10240x128xf32, #tpu.memory_space<vmem_shared>> -> memref<128x128xf32, #tpu.memory_space<vmem_shared>>
      tpu.enqueue_dma source(%dma_start3A_51 : memref<128x128xf32, #tpu.memory_space<vmem_shared>>) target(%dma_start3A_49 : memref<128x128xf32, #tpu.memory_space<hbm>>) target_semaphore(%run_scoped3A : memref<!tpu.dma_semaphore, #tpu.memory_space<semaphore_mem>>)
      %dma_wait3A = arith.constant 0 : i32
      %dma_wait3A_52 = tpu.memref_slice %arg5[%arg0, %add3A_47, %dma_wait3A] : memref<2x10240x128xf32, #tpu.memory_space<hbm>> -> memref<1x128x128xf32, #tpu.memory_space<hbm>>
      %dma_wait3A_53 = tpu.memref_squeeze %dma_wait3A_52 : memref<1x128x128xf32, #tpu.memory_space<hbm>> -> memref<128x128xf32, #tpu.memory_space<hbm>>
      %dma_wait3A_54 = arith.constant 0 : i32
      %dma_wait3A_55 = tpu.memref_slice %arg9[%add3A_45, %dma_wait3A_54] : memref<10240x128xf32, #tpu.memory_space<vmem_shared>> -> memref<128x128xf32, #tpu.memory_space<vmem_shared>>
      tpu.wait_dma2 semaphore(%run_scoped3A : memref<!tpu.dma_semaphore, #tpu.memory_space<semaphore_mem>>) src(%dma_wait3A_55 : memref<128x128xf32, #tpu.memory_space<vmem_shared>>) dst(%dma_wait3A_53 : memref<128x128xf32, #tpu.memory_space<hbm>>)
      tpu.yield
    }) : () -> ()
    return
  }
}

module attributes {stable_mosaic.version = 14 : i64} {
  func.func @_layer_body(%arg0: i32, %arg1: memref<2x512x128xf32, #tpu.memory_space<vmem>>, %arg2: memref<2x512x128xf32, #tpu.memory_space<vmem>>, %arg3: memref<512x128xf32, #tpu.memory_space<vmem>>, %arg4: memref<128x128xf32, #tpu.memory_space<vmem>>, %arg5: memref<128x128xf32, #tpu.memory_space<vmem>>, %arg6: memref<1x128xf32, #tpu.memory_space<vmem>>, %arg7: memref<1x128xf32, #tpu.memory_space<vmem>>, %arg8: memref<1x128xf32, #tpu.memory_space<vmem>>, %arg9: memref<512x128xf32, #tpu.memory_space<vmem>>) attributes {dimension_semantics = [#tpu.dimension_semantics<arbitrary>], iteration_bounds = array<i64: 20>, scalar_prefetch = 0 : i64, scratch_operands = 0 : i64, tpu.core_type = #tpu.core_type<tc>, window_params = [{transform_indices = @transform_0, window_bounds = array<i64: 2, 512, 128>}, {transform_indices = @transform_1, window_bounds = array<i64: 2, 512, 128>}, {transform_indices = @transform_2, window_bounds = array<i64: 512, 128>}, {pipeline_mode = #tpu.pipeline_mode<synchronous>, transform_indices = @transform_3, window_bounds = array<i64: 128, 128>}, {pipeline_mode = #tpu.pipeline_mode<synchronous>, transform_indices = @transform_4, window_bounds = array<i64: 128, 128>}, {pipeline_mode = #tpu.pipeline_mode<synchronous>, transform_indices = @transform_5, window_bounds = array<i64: 1, 128>}, {pipeline_mode = #tpu.pipeline_mode<synchronous>, transform_indices = @transform_6, window_bounds = array<i64: 1, 128>}, {pipeline_mode = #tpu.pipeline_mode<synchronous>, transform_indices = @transform_7, window_bounds = array<i64: 1, 128>}, {transform_indices = @transform_8, window_bounds = array<i64: 512, 128>}]} {
    %get3A = arith.constant 0 : index
    %get3A_0 = arith.constant 0 : index
    %get3A_1 = arith.constant 0 : index
    %get3A_2 = vector.load %arg1[%get3A, %get3A_0, %get3A_1] : memref<2x512x128xf32, #tpu.memory_space<vmem>>, vector<1x512x128xf32>
    %get3A_3 = vector.shape_cast %get3A_2 : vector<1x512x128xf32> to vector<512x128xf32>
    %get3A_4 = arith.constant 1 : index
    %get3A_5 = arith.constant 0 : index
    %get3A_6 = arith.constant 0 : index
    %get3A_7 = vector.load %arg1[%get3A_4, %get3A_5, %get3A_6] : memref<2x512x128xf32, #tpu.memory_space<vmem>>, vector<1x512x128xf32>
    %get3A_8 = vector.shape_cast %get3A_7 : vector<1x512x128xf32> to vector<512x128xf32>
    %add3A = arith.addf %get3A_3, %get3A_8 : vector<512x128xf32>
    %get3A_9 = arith.constant 0 : index
    %get3A_10 = arith.constant 0 : index
    %get3A_11 = arith.constant 0 : index
    %get3A_12 = vector.load %arg2[%get3A_9, %get3A_10, %get3A_11] : memref<2x512x128xf32, #tpu.memory_space<vmem>>, vector<1x512x1xf32>
    %get3A_13 = vector.shape_cast %get3A_12 : vector<1x512x1xf32> to vector<512x1xf32>
    %get3A_14 = arith.constant 1 : index
    %get3A_15 = arith.constant 0 : index
    %get3A_16 = arith.constant 0 : index
    %get3A_17 = vector.load %arg2[%get3A_14, %get3A_15, %get3A_16] : memref<2x512x128xf32, #tpu.memory_space<vmem>>, vector<1x512x1xf32>
    %get3A_18 = vector.shape_cast %get3A_17 : vector<1x512x1xf32> to vector<512x1xf32>
    %add3A_19 = arith.addf %get3A_13, %get3A_18 : vector<512x1xf32>
    %max3A = arith.constant 1.000000e+00 : f32
    %max3A_20 = vector.broadcast %max3A : f32 to vector<512x1xf32>
    %max3A_21 = arith.maximumf %add3A_19, %max3A_20 : vector<512x1xf32>
    %div3A = arith.constant 1.000000e+00 : f32
    %div3A_22 = vector.broadcast %div3A : f32 to vector<512x1xf32>
    %div3A_23 = arith.divf %div3A_22, %max3A_21 : vector<512x1xf32>
    %mul3A = vector.broadcast %div3A_23 : vector<512x1xf32> to vector<512x128xf32>
    %mul3A_24 = arith.mulf %add3A, %mul3A : vector<512x128xf32>
    %get3A_25 = arith.constant 0 : index
    %get3A_26 = arith.constant 0 : index
    %get3A_27 = vector.load %arg4[%get3A_25, %get3A_26] : memref<128x128xf32, #tpu.memory_space<vmem>>, vector<128x128xf32>
    %dot_general3A = arith.constant dense<0.000000e+00> : vector<512x128xf32>
    %dot_general3A_28 = tpu.matmul %mul3A_24, %get3A_27, %dot_general3A {dimension_numbers = #tpu.dot_dimension_numbers<[1], [0], [0], [1], [0, 0, 1, 1], [], []>, transpose_lhs_hint = false} : vector<512x128xf32>, vector<128x128xf32>, vector<512x128xf32> -> vector<512x128xf32>
    %get3A_29 = arith.constant 0 : index
    %get3A_30 = arith.constant 0 : index
    %get3A_31 = vector.load %arg3[%get3A_29, %get3A_30] : memref<512x128xf32, #tpu.memory_space<vmem>>, vector<512x128xf32>
    %get3A_32 = arith.constant 0 : index
    %get3A_33 = arith.constant 0 : index
    %get3A_34 = vector.load %arg5[%get3A_32, %get3A_33] : memref<128x128xf32, #tpu.memory_space<vmem>>, vector<128x128xf32>
    %dot_general3A_35 = arith.constant dense<0.000000e+00> : vector<512x128xf32>
    %dot_general3A_36 = tpu.matmul %get3A_31, %get3A_34, %dot_general3A_35 {dimension_numbers = #tpu.dot_dimension_numbers<[1], [0], [0], [1], [0, 0, 1, 1], [], []>, transpose_lhs_hint = false} : vector<512x128xf32>, vector<128x128xf32>, vector<512x128xf32> -> vector<512x128xf32>
    %add3A_37 = arith.addf %dot_general3A_28, %dot_general3A_36 : vector<512x128xf32>
    %get3A_38 = arith.constant 0 : index
    %get3A_39 = arith.constant 0 : index
    %get3A_40 = vector.load %arg6[%get3A_38, %get3A_39] : memref<1x128xf32, #tpu.memory_space<vmem>>, vector<1x128xf32>
    %add3A_41 = vector.broadcast %get3A_40 : vector<1x128xf32> to vector<512x128xf32>
    %add3A_42 = arith.addf %add3A_37, %add3A_41 : vector<512x128xf32>
    %get3A_43 = arith.constant 0 : index
    %get3A_44 = arith.constant 0 : index
    %get3A_45 = vector.load %arg7[%get3A_43, %get3A_44] : memref<1x128xf32, #tpu.memory_space<vmem>>, vector<1x128xf32>
    %mul3A_46 = arith.constant 0.999994993 : f32
    %mul3A_47 = vector.broadcast %mul3A_46 : f32 to vector<1x128xf32>
    %mul3A_48 = arith.mulf %get3A_45, %mul3A_47 : vector<1x128xf32>
    %mul3A_49 = vector.broadcast %mul3A_48 : vector<1x128xf32> to vector<512x128xf32>
    %mul3A_50 = arith.mulf %add3A_42, %mul3A_49 : vector<512x128xf32>
    %get3A_51 = arith.constant 0 : index
    %get3A_52 = arith.constant 0 : index
    %get3A_53 = vector.load %arg8[%get3A_51, %get3A_52] : memref<1x128xf32, #tpu.memory_space<vmem>>, vector<1x128xf32>
    %add3A_54 = vector.broadcast %get3A_53 : vector<1x128xf32> to vector<512x128xf32>
    %add3A_55 = arith.addf %mul3A_50, %add3A_54 : vector<512x128xf32>
    %max3A_56 = arith.constant 0.000000e+00 : f32
    %max3A_57 = vector.broadcast %max3A_56 : f32 to vector<512x128xf32>
    %max3A_58 = arith.maximumf %add3A_55, %max3A_57 : vector<512x128xf32>
    %swap3A = arith.constant 0 : index
    %swap3A_59 = arith.constant 0 : index
    %swap3A_60 = vector.load %arg9[%swap3A, %swap3A_59] : memref<512x128xf32, #tpu.memory_space<vmem>>, vector<512x128xf32>
    tpu.vector_store %arg9[%swap3A, %swap3A_59], %max3A_58 {strides = array<i32>} : memref<512x128xf32, #tpu.memory_space<vmem>>, vector<512x128xf32>,
    return
  }
  func.func @transform_0(%arg0: i32) -> (i32, i32, i32) {
    %c0_i32 = arith.constant 0 : i32
    %c0_i32_0 = arith.constant 0 : i32
    %c0_i32_1 = arith.constant 0 : i32
    return %c0_i32, %arg0, %c0_i32_0 : i32, i32, i32
  }
  func.func @transform_1(%arg0: i32) -> (i32, i32, i32) {
    %c0_i32 = arith.constant 0 : i32
    %c0_i32_0 = arith.constant 0 : i32
    %c0_i32_1 = arith.constant 0 : i32
    return %c0_i32, %arg0, %c0_i32_0 : i32, i32, i32
  }
  func.func @transform_2(%arg0: i32) -> (i32, i32) {
    %c0_i32 = arith.constant 0 : i32
    %c0_i32_0 = arith.constant 0 : i32
    return %arg0, %c0_i32 : i32, i32
  }
  func.func @transform_3(%arg0: i32) -> (i32, i32) {
    %c0_i32 = arith.constant 0 : i32
    %c0_i32_0 = arith.constant 0 : i32
    %c0_i32_1 = arith.constant 0 : i32
    return %c0_i32, %c0_i32_0 : i32, i32
  }
  func.func @transform_4(%arg0: i32) -> (i32, i32) {
    %c0_i32 = arith.constant 0 : i32
    %c0_i32_0 = arith.constant 0 : i32
    %c0_i32_1 = arith.constant 0 : i32
    return %c0_i32, %c0_i32_0 : i32, i32
  }
  func.func @transform_5(%arg0: i32) -> (i32, i32) {
    %c0_i32 = arith.constant 0 : i32
    %c0_i32_0 = arith.constant 0 : i32
    %c0_i32_1 = arith.constant 0 : i32
    return %c0_i32, %c0_i32_0 : i32, i32
  }
  func.func @transform_6(%arg0: i32) -> (i32, i32) {
    %c0_i32 = arith.constant 0 : i32
    %c0_i32_0 = arith.constant 0 : i32
    %c0_i32_1 = arith.constant 0 : i32
    return %c0_i32, %c0_i32_0 : i32, i32
  }
  func.func @transform_7(%arg0: i32) -> (i32, i32) {
    %c0_i32 = arith.constant 0 : i32
    %c0_i32_0 = arith.constant 0 : i32
    %c0_i32_1 = arith.constant 0 : i32
    return %c0_i32, %c0_i32_0 : i32, i32
  }
  func.func @transform_8(%arg0: i32) -> (i32, i32) {
    %c0_i32 = arith.constant 0 : i32
    %c0_i32_0 = arith.constant 0 : i32
    return %arg0, %c0_i32 : i32, i32
  }
}

module attributes {stable_mosaic.version = 14 : i64} {
  func.func @_pool_body(%arg0: i32, %arg1: memref<512x128xf32, #tpu.memory_space<vmem>>, %arg2: memref<512x1xi32, #tpu.memory_space<vmem>>, %arg3: memref<128x128xf32, #tpu.memory_space<vmem>>, %arg4: memref<1x128xf32, #tpu.memory_space<vmem>>, %arg5: memref<128x128xf32, #tpu.memory_space<vmem>>, %arg6: memref<1x128xf32, #tpu.memory_space<vmem>>, %arg7: memref<64x128xf32, #tpu.memory_space<vmem>>, %arg8: memref<64x128xf32, #tpu.memory_space<vmem>>, %arg9: memref<64x128xf32, #tpu.memory_space<vmem>>) attributes {dimension_semantics = [#tpu.dimension_semantics<arbitrary>], iteration_bounds = array<i64: 20>, scalar_prefetch = 0 : i64, scratch_operands = 2 : i64, tpu.core_type = #tpu.core_type<tc>, window_params = [{transform_indices = @transform_0, window_bounds = array<i64: 512, 128>}, {transform_indices = @transform_1, window_bounds = array<i64: 512, 1>}, {pipeline_mode = #tpu.pipeline_mode<synchronous>, transform_indices = @transform_2, window_bounds = array<i64: 128, 128>}, {pipeline_mode = #tpu.pipeline_mode<synchronous>, transform_indices = @transform_3, window_bounds = array<i64: 1, 128>}, {pipeline_mode = #tpu.pipeline_mode<synchronous>, transform_indices = @transform_4, window_bounds = array<i64: 128, 128>}, {pipeline_mode = #tpu.pipeline_mode<synchronous>, transform_indices = @transform_5, window_bounds = array<i64: 1, 128>}, {pipeline_mode = #tpu.pipeline_mode<synchronous>, transform_indices = @transform_6, window_bounds = array<i64: 64, 128>}]} {
    %eq3A = arith.constant 0 : i32
    %eq3A_0 = arith.cmpi eq, %arg0, %eq3A : i32
    %convert_element_type3A = arith.extui %eq3A_0 : i1 to i32
    %cond3A = arith.constant 0 : i32
    %cond3A_1 = arith.cmpi ne, %convert_element_type3A, %cond3A : i32
    scf.if %cond3A_1 {
      %broadcast_in_dim3A_32 = arith.constant 0.000000e+00 : f32
      %broadcast_in_dim3A_33 = vector.broadcast %broadcast_in_dim3A_32 : f32 to vector<64x128xf32>
      %swap3A_34 = arith.constant 0 : index
      %swap3A_35 = arith.constant 0 : index
      %swap3A_36 = vector.load %arg8[%swap3A_34, %swap3A_35] : memref<64x128xf32, #tpu.memory_space<vmem>>, vector<64x128xf32>
      tpu.vector_store %arg8[%swap3A_34, %swap3A_35], %broadcast_in_dim3A_33 {strides = array<i32>} : memref<64x128xf32, #tpu.memory_space<vmem>>, vector<64x128xf32>,
      %broadcast_in_dim3A_37 = arith.constant 0.000000e+00 : f32
      %broadcast_in_dim3A_38 = vector.broadcast %broadcast_in_dim3A_37 : f32 to vector<64x128xf32>
      %swap3A_39 = arith.constant 0 : index
      %swap3A_40 = arith.constant 0 : index
      %swap3A_41 = vector.load %arg9[%swap3A_39, %swap3A_40] : memref<64x128xf32, #tpu.memory_space<vmem>>, vector<64x128xf32>
      tpu.vector_store %arg9[%swap3A_39, %swap3A_40], %broadcast_in_dim3A_38 {strides = array<i32>} : memref<64x128xf32, #tpu.memory_space<vmem>>, vector<64x128xf32>,
    } else {
    }
    %get3A = arith.constant 0 : index
    %get3A_2 = arith.constant 0 : index
    %get3A_3 = vector.load %arg2[%get3A, %get3A_2] : memref<512x1xi32, #tpu.memory_space<vmem>>, vector<512x1xi32>
    %iota3A = tpu.iota {dimensions = array<i32: 1>} : vector<512x64xi32>
    %eq3A_4 = vector.broadcast %get3A_3 : vector<512x1xi32> to vector<512x64xi32>
    %eq3A_5 = arith.cmpi eq, %eq3A_4, %iota3A : vector<512x64xi32>
    %convert_element_type3A_6 = arith.extui %eq3A_5 : vector<512x64xi1> to vector<512x64xi32>
    %convert_element_type3A_7 = arith.sitofp %convert_element_type3A_6 : vector<512x64xi32> to vector<512x64xf32>
    %get3A_8 = arith.constant 0 : index
    %get3A_9 = arith.constant 0 : index
    %get3A_10 = vector.load %arg8[%get3A_8, %get3A_9] : memref<64x128xf32, #tpu.memory_space<vmem>>, vector<64x128xf32>
    %get3A_11 = arith.constant 0 : index
    %get3A_12 = arith.constant 0 : index
    %get3A_13 = vector.load %arg1[%get3A_11, %get3A_12] : memref<512x128xf32, #tpu.memory_space<vmem>>, vector<512x128xf32>
    %dot_general3A = arith.constant dense<0.000000e+00> : vector<64x128xf32>
    %dot_general3A_14 = tpu.matmul %convert_element_type3A_7, %get3A_13, %dot_general3A {dimension_numbers = #tpu.dot_dimension_numbers<[0], [0], [1], [1], [0, 1, 1, 1], [], []>, transpose_lhs_hint = false} : vector<512x64xf32>, vector<512x128xf32>, vector<64x128xf32> -> vector<64x128xf32>
    %add3A = arith.addf %get3A_10, %dot_general3A_14 : vector<64x128xf32>
    %swap3A = arith.constant 0 : index
    %swap3A_15 = arith.constant 0 : index
    %swap3A_16 = vector.load %arg8[%swap3A, %swap3A_15] : memref<64x128xf32, #tpu.memory_space<vmem>>, vector<64x128xf32>
    tpu.vector_store %arg8[%swap3A, %swap3A_15], %add3A {strides = array<i32>} : memref<64x128xf32, #tpu.memory_space<vmem>>, vector<64x128xf32>,
    %get3A_17 = arith.constant 0 : index
    %get3A_18 = arith.constant 0 : index
    %get3A_19 = vector.load %arg9[%get3A_17, %get3A_18] : memref<64x128xf32, #tpu.memory_space<vmem>>, vector<64x128xf32>
    %broadcast_in_dim3A = arith.constant 1.000000e+00 : f32
    %broadcast_in_dim3A_20 = vector.broadcast %broadcast_in_dim3A : f32 to vector<512x128xf32>
    %dot_general3A_21 = arith.constant dense<0.000000e+00> : vector<64x128xf32>
    %dot_general3A_22 = tpu.matmul %convert_element_type3A_7, %broadcast_in_dim3A_20, %dot_general3A_21 {dimension_numbers = #tpu.dot_dimension_numbers<[0], [0], [1], [1], [0, 1, 1, 1], [], []>, transpose_lhs_hint = false} : vector<512x64xf32>, vector<512x128xf32>, vector<64x128xf32> -> vector<64x128xf32>
    %add3A_23 = arith.addf %get3A_19, %dot_general3A_22 : vector<64x128xf32>
    %swap3A_24 = arith.constant 0 : index
    %swap3A_25 = arith.constant 0 : index
    %swap3A_26 = vector.load %arg9[%swap3A_24, %swap3A_25] : memref<64x128xf32, #tpu.memory_space<vmem>>, vector<64x128xf32>
    tpu.vector_store %arg9[%swap3A_24, %swap3A_25], %add3A_23 {strides = array<i32>} : memref<64x128xf32, #tpu.memory_space<vmem>>, vector<64x128xf32>,
    %eq3A_27 = arith.constant 19 : i32
    %eq3A_28 = arith.cmpi eq, %arg0, %eq3A_27 : i32
    %convert_element_type3A_29 = arith.extui %eq3A_28 : i1 to i32
    %cond3A_30 = arith.constant 0 : i32
    %cond3A_31 = arith.cmpi ne, %convert_element_type3A_29, %cond3A_30 : i32
    scf.if %cond3A_31 {
      %get3A_32 = arith.constant 0 : index
      %get3A_33 = arith.constant 0 : index
      %get3A_34 = vector.load %arg8[%get3A_32, %get3A_33] : memref<64x128xf32, #tpu.memory_space<vmem>>, vector<64x128xf32>
      %get3A_35 = arith.constant 0 : index
      %get3A_36 = arith.constant 0 : index
      %get3A_37 = vector.load %arg9[%get3A_35, %get3A_36] : memref<64x128xf32, #tpu.memory_space<vmem>>, vector<64x128xf32>
      %max3A = arith.constant 1.000000e+00 : f32
      %max3A_38 = vector.broadcast %max3A : f32 to vector<64x128xf32>
      %max3A_39 = arith.maximumf %get3A_37, %max3A_38 : vector<64x128xf32>
      %div3A = arith.divf %get3A_34, %max3A_39 : vector<64x128xf32>
      %get3A_40 = arith.constant 0 : index
      %get3A_41 = arith.constant 0 : index
      %get3A_42 = vector.load %arg3[%get3A_40, %get3A_41] : memref<128x128xf32, #tpu.memory_space<vmem>>, vector<128x128xf32>
      %dot_general3A_43 = arith.constant dense<0.000000e+00> : vector<64x128xf32>
      %dot_general3A_44 = tpu.matmul %div3A, %get3A_42, %dot_general3A_43 {dimension_numbers = #tpu.dot_dimension_numbers<[1], [0], [0], [1], [0, 0, 1, 1], [], []>, transpose_lhs_hint = false} : vector<64x128xf32>, vector<128x128xf32>, vector<64x128xf32> -> vector<64x128xf32>
      %get3A_45 = arith.constant 0 : index
      %get3A_46 = arith.constant 0 : index
      %get3A_47 = vector.load %arg4[%get3A_45, %get3A_46] : memref<1x128xf32, #tpu.memory_space<vmem>>, vector<1x128xf32>
      %add3A_48 = vector.broadcast %get3A_47 : vector<1x128xf32> to vector<64x128xf32>
      %add3A_49 = arith.addf %dot_general3A_44, %add3A_48 : vector<64x128xf32>
      %max3A_50 = arith.constant 0.000000e+00 : f32
      %max3A_51 = vector.broadcast %max3A_50 : f32 to vector<64x128xf32>
      %max3A_52 = arith.maximumf %add3A_49, %max3A_51 : vector<64x128xf32>
      %get3A_53 = arith.constant 0 : index
      %get3A_54 = arith.constant 0 : index
      %get3A_55 = vector.load %arg5[%get3A_53, %get3A_54] : memref<128x128xf32, #tpu.memory_space<vmem>>, vector<128x128xf32>
      %dot_general3A_56 = arith.constant dense<0.000000e+00> : vector<64x128xf32>
      %dot_general3A_57 = tpu.matmul %max3A_52, %get3A_55, %dot_general3A_56 {dimension_numbers = #tpu.dot_dimension_numbers<[1], [0], [0], [1], [0, 0, 1, 1], [], []>, transpose_lhs_hint = false} : vector<64x128xf32>, vector<128x128xf32>, vector<64x128xf32> -> vector<64x128xf32>
      %get3A_58 = arith.constant 0 : index
      %get3A_59 = arith.constant 0 : index
      %get3A_60 = vector.load %arg6[%get3A_58, %get3A_59] : memref<1x128xf32, #tpu.memory_space<vmem>>, vector<1x128xf32>
      %add3A_61 = vector.broadcast %get3A_60 : vector<1x128xf32> to vector<64x128xf32>
      %add3A_62 = arith.addf %dot_general3A_57, %add3A_61 : vector<64x128xf32>
      %mul3A = arith.mulf %add3A_62, %add3A_62 : vector<64x128xf32>
      %reduce_sum3A = arith.constant dense<0.000000e+00> : vector<64xf32>
      %reduce_sum3A_63 = vector.multi_reduction <add>, %mul3A, %reduce_sum3A [1] : vector<64x128xf32> to vector<64xf32>
      %broadcast_in_dim3A_64 = vector.shape_cast %reduce_sum3A_63 : vector<64xf32> to vector<64x1xf32>
      %sqrt3A = math.sqrt %broadcast_in_dim3A_64 : vector<64x1xf32>
      %max3A_65 = arith.constant 9.99999996E-13 : f32
      %max3A_66 = vector.broadcast %max3A_65 : f32 to vector<64x1xf32>
      %max3A_67 = arith.maximumf %sqrt3A, %max3A_66 : vector<64x1xf32>
      %div3A_68 = vector.broadcast %max3A_67 : vector<64x1xf32> to vector<64x128xf32>
      %div3A_69 = arith.divf %add3A_62, %div3A_68 : vector<64x128xf32>
      %swap3A_70 = arith.constant 0 : index
      %swap3A_71 = arith.constant 0 : index
      %swap3A_72 = vector.load %arg7[%swap3A_70, %swap3A_71] : memref<64x128xf32, #tpu.memory_space<vmem>>, vector<64x128xf32>
      tpu.vector_store %arg7[%swap3A_70, %swap3A_71], %div3A_69 {strides = array<i32>} : memref<64x128xf32, #tpu.memory_space<vmem>>, vector<64x128xf32>,
    } else {
    }
    return
  }
  func.func @transform_0(%arg0: i32) -> (i32, i32) {
    %c0_i32 = arith.constant 0 : i32
    %c0_i32_0 = arith.constant 0 : i32
    return %arg0, %c0_i32 : i32, i32
  }
  func.func @transform_1(%arg0: i32) -> (i32, i32) {
    %c0_i32 = arith.constant 0 : i32
    %c0_i32_0 = arith.constant 0 : i32
    return %arg0, %c0_i32 : i32, i32
  }
  func.func @transform_2(%arg0: i32) -> (i32, i32) {
    %c0_i32 = arith.constant 0 : i32
    %c0_i32_0 = arith.constant 0 : i32
    %c0_i32_1 = arith.constant 0 : i32
    return %c0_i32, %c0_i32_0 : i32, i32
  }
  func.func @transform_3(%arg0: i32) -> (i32, i32) {
    %c0_i32 = arith.constant 0 : i32
    %c0_i32_0 = arith.constant 0 : i32
    %c0_i32_1 = arith.constant 0 : i32
    return %c0_i32, %c0_i32_0 : i32, i32
  }
  func.func @transform_4(%arg0: i32) -> (i32, i32) {
    %c0_i32 = arith.constant 0 : i32
    %c0_i32_0 = arith.constant 0 : i32
    %c0_i32_1 = arith.constant 0 : i32
    return %c0_i32, %c0_i32_0 : i32, i32
  }
  func.func @transform_5(%arg0: i32) -> (i32, i32) {
    %c0_i32 = arith.constant 0 : i32
    %c0_i32_0 = arith.constant 0 : i32
    %c0_i32_1 = arith.constant 0 : i32
    return %c0_i32, %c0_i32_0 : i32, i32
  }
  func.func @transform_6(%arg0: i32) -> (i32, i32) {
    %c0_i32 = arith.constant 0 : i32
    %c0_i32_0 = arith.constant 0 : i32
    %c0_i32_1 = arith.constant 0 : i32
    return %c0_i32, %c0_i32_0 : i32, i32
  }
}

</mosaic_0001>

<sc_bundles>
// kernel: kernel.12.cloned.1.call-start
scs
__scs_entry_jumppad:
0x0: {  	(pc) =	sbr.rel $0x88, $3  }
0x1: {  	(tag) =	ssettag $0x0;
	lr =	simm.s32 $0x1  }
0x2: {  	[smem:$0x3F86] =	sst lr;
	_ =	strace $0xD0000000  }
0x3: {  	_ = 	snop  }
0x4: {  	_ = 	snop  }
0x5: {  	_ = 	snop  }
0x6: {  	_ = 	snop  }
0x7: {  	_ = 	snop  }
__scs_overlays_trampoline_lowered:
0x8: {  	[smem:$0x3F95] =	sst s0  }
0x9: {  	[smem:$0x3F96] =	sst s1  }
0xa: {  	[smem:$0x3F97] =	sst s2  }
0xb: {  	[smem:$0x3F98] =	sst s3  }
0xc: {  	[smem:$0x3F99] =	sst s4  }
0xd: {  	[smem:$0x3F9A] =	sst s5  }
0xe: {  	[smem:$0x3F9B] =	sst s6  }
0xf: {  	[smem:$0x3F9C] =	sst s7  }
0x10: {  	[smem:$0x3F9D] =	sst s8  }
0x11: {  	[smem:$0x3F9E] =	sst s9;
	s0 =	simm.s32 @!p0 $0x0  }
0x12: {  	s1 =	sld [smem:$0x3F84];
	s0 =	simm.s32 @p0 $0x1  }
0x13: {  	[smem:$0x3F9F] =	sst s0;
	s0 =	simm.s32 @!p1 $0x0  }
0x14: {  	s2 =	sld [smem:$0x3F83];
	s0 =	simm.s32 @p1 $0x1  }
0x15: {  	[smem:$0x3FA0] =	sst s0;
	s0 =	simm.s32 @!p2 $0x0  }
0x16: {  	s3 =	sld [smem:$0x3FDB];
	s0 =	simm.s32 @p2 $0x1  }
0x17: {  	s4 =	simm.s32 $0x1BF5;
	[smem:$0x3FA2] =	sst s0  }
0x18: {  	s0 =	sld [smem:$0x3F85];
	_ =	swait.ge [sflag:s4], $0x0  }
0x19: {  	s7 =	sld [smem:$0x3F86]  }
0x1a: {  	s8 =	sadd.s32 $0xFFFFE003, lr  }
0x1b: {  	s9 =	sadd.s32 $0xFFFFFEF7, lr;
	s5 =	simm.s32 $0xFFFFFFFF;
	p2 =	slt.u32 s8, $0xFFFFF086  }
0x1c: {  	p1 =	slt.u32 s9, $0xF7A;
	s5 =	simm.s32 @!p2 $0x0  }
0x1d: {  	s5 =	simm.s32 @p1 $0x1;
	p0 =	seq.s32 s7, s2  }
0x1e: {  	s7 =	smul.u32 @!p0 $0xF7A, s2;
	p2 =	seq.s32 @!p0 s5, $0x0  }
0x1f: {  	s9 =	smul.u32 $0xF7A, s1;
	s8 =	simm.s32 @!p0 $0x1BF5;
	p2 =	por !p2, p0  }
0x20: {  	[sflag:s8] =	ssyncset.s32 @!p0 $0xFFFFF086;
	s6 =	sadd.s32 @!p0 s3, s7;
	s7 =	simm.s32 @!p0 $0x108  }
0x21: {  	s3 =	sadd.s32 s3, s9;
	s6 =	sadd.s32 @!p0 $0x88, s6;
	s7 =	simm.s32 @p2 $0x1082  }
0x22: {  	[simem:s7], [sflag:s8] =	dma.local @!p0 [hbm:s6], $0xF7A  }
0x23: {  	s9 =	sor.u32 $0xD0000000, s2;
	s6 =	simm.s32 $0x108;
	_ =	swait.ge @!p0 [sflag:s8], $0x0  }
0x24: {  	s3 =	sadd.s32 $0x88, s3;
	s6 =	simm.s32 @!p1 $0x1082;
	[sflag:s4] =	ssyncset.s32 $0xFFFFF086  }
0x25: {  	[simem:s6], [sflag:s4] =	dma.local [hbm:s3], $0xF7A  }
0x26: {  	[smem:$0x3F86] =	sst s1;
	(tag) =	ssettag s2;
	_ =	strace s9  }
0x27: {  	s1 =	sld [smem:$0x3F96]  }
0x28: {  	s2 =	sld [smem:$0x3F97]  }
0x29: {  	s4 =	sld [smem:$0x3F99]  }
0x2a: {  	p0 =	seq.s32 s5, $0x0;
	s5 =	sld [smem:$0x3F9A]  }
0x2b: {  	s6 =	sld [smem:$0x3F9B]  }
0x2c: {  	s7 =	sld [smem:$0x3F9C]  }
0x2d: {  	s3 =	simm.s32 $0x108;
	s8 =	sld [smem:$0x3F9D]  }
0x2e: {  	s3 =	simm.s32 @!p0 $0x1082;
	s9 =	sld [smem:$0x3F9E]  }
0x2f: {  	lr =	sadd.s32 s0, s3;
	s0 =	sld [smem:$0x3F95]  }
0x30: {  	s3 =	sld [smem:$0x3F98]  }
0x31: {  	[smem:$0x3FA1] =	sst s10  }
0x32: {  	s10 =	sld [smem:$0x3F9F];
	_ =	sdelay $0x3  }
0x33: {  	p0 =	seq.s32 s10, $0x1;
	s10 =	sld [smem:$0x3FA1];
	_ =	sdelay $0x3  }
0x34: {  	[smem:$0x3FA1] =	sst s10  }
0x35: {  	s10 =	sld [smem:$0x3FA0];
	_ =	sdelay $0x3  }
0x36: {  	p1 =	seq.s32 s10, $0x1;
	s10 =	sld [smem:$0x3FA1];
	_ =	sdelay $0x3  }
0x37: {  	[smem:$0x3FA1] =	sst s10  }
0x38: {  	s10 =	sld [smem:$0x3FA2]  }
0x39: {  	_ = 	snop;
	(pc) =	sbr.ind lr, $3  }
0x3a: {  	_ = 	snop  }
0x3b: {  	_ = 	snop  }
0x3c: {  	p2 =	seq.s32 s10, $0x1;
	s10 =	sld [smem:$0x3FA1]  }
0x3d: {  	_ =	shalt  }
0x3e: {  	_ =	shalt  }
0x3f: {  	_ =	shalt  }
0x40: {  	_ =	shalt  }
0x41: {  	_ =	shalt  }
0x42: {  	_ =	shalt  }
0x43: {  	_ =	shalt  }
0x44: {  	_ =	shalt  }
0x45: {  	_ =	shalt  }
0x46: {  	_ =	shalt  }
0x47: {  	_ =	shalt  }
0x48: {  	_ =	shalt  }
0x49: {  	_ =	shalt  }
0x4a: {  	_ =	shalt  }
0x4b: {  	_ =	shalt  }
0x4c: {  	_ =	shalt  }
0x4d: {  	_ =	shalt  }
0x4e: {  	_ =	shalt  }
0x4f: {  	_ =	shalt  }
0x50: {  	_ =	shalt  }
0x51: {  	_ =	shalt  }
0x52: {  	_ =	shalt  }
0x53: {  	_ =	shalt  }
0x54: {  	_ =	shalt  }
0x55: {  	_ =	shalt  }
0x56: {  	_ =	shalt  }
0x57: {  	_ =	shalt  }
0x58: {  	_ =	shalt  }
0x59: {  	_ =	shalt  }
0x5a: {  	_ =	shalt  }
0x5b: {  	_ =	shalt  }
0x5c: {  	_ =	shalt  }
0x5d: {  	_ =	shalt  }
0x5e: {  	_ =	shalt  }
0x5f: {  	_ =	shalt  }
0x60: {  	_ =	shalt  }
0x61: {  	_ =	shalt  }
0x62: {  	_ =	shalt  }
0x63: {  	_ =	shalt  }
0x64: {  	_ =	shalt  }
0x65: {  	_ =	shalt  }
0x66: {  	_ =	shalt  }
0x67: {  	_ =	shalt  }
0x68: {  	_ =	shalt  }
0x69: {  	_ =	shalt  }
0x6a: {  	_ =	shalt  }
0x6b: {  	_ =	shalt  }
0x6c: {  	_ =	shalt  }
0x6d: {  	_ =	shalt  }
0x6e: {  	_ =	shalt  }
0x6f: {  	_ =	shalt  }
0x70: {  	_ =	shalt  }
0x71: {  	_ =	shalt  }
0x72: {  	_ =	shalt  }
0x73: {  	_ =	shalt  }
0x74: {  	_ =	shalt  }
0x75: {  	_ =	shalt  }
0x76: {  	_ =	shalt  }
0x77: {  	_ =	shalt  }
0x78: {  	_ =	shalt  }
0x79: {  	_ =	shalt  }
0x7a: {  	_ =	shalt  }
0x7b: {  	_ =	shalt  }
0x7c: {  	_ =	shalt  }
0x7d: {  	_ =	shalt  }
0x7e: {  	_ =	shalt  }
0x7f: {  	_ =	shalt  }
0x80: {  	_ =	shalt  }
0x81: {  	_ =	shalt  }
0x82: {  	_ =	shalt  }
0x83: {  	_ =	shalt  }
0x84: {  	_ =	shalt  }
0x85: {  	_ =	shalt  }
0x86: {  	_ =	shalt  }
0x87: {  	_ =	shalt  }
.Lfunc_end0:
.L_simem_size_0:
called_computation_lowered:
.L_overlay_start_0:
0x88: {  	s2 =	sld [smem:$0x3FD9]  }
0x89: {  	s3 =	sld [smem:$0x3FFE];
	_ =	sdelay $0x1  }
0x8a: {  	s1 =	srdreg.scid  }
0x8b: {  	s0 =	sand.u32 $0x1, s1  }
0x8c: {  	s16 =	sshll.u32 s0, $0xA;
	s2 =	sadd.s32 s3, s2  }
0x8d: {  	s2 =	sadd.s32 s2, s16  }
0x8e: {  	[smem:$0x3FAD] =	sst s2  }
0x8f: {  	_ = 	snop  }
0x90: {  	(tm) =	ssettm $0x1  }
0x91: {  	s17 =	sld [smem:$0x3FFB];
	_ =	sdelay $0x3  }
0x92: {  	_ =	strace s17  }
0x93: {  	s2 =	sld [smem:$0x3FFC];
	_ =	sdelay $0x3  }
0x94: {  	_ =	strace s2  }
0x95: {  	s2 =	sld [smem:$0x3FFD];
	_ =	sdelay $0x3  }
0x96: {  	_ =	strace s2  }
0x97: {  	_ =	strace $0x8FFFFFFF  }
0x98: {  	s18 =	sld [smem:$0x3FDB];
	_ =	sdelay $0x1  }
0x99: {  	s19 =	simm.s32 $_scs_section_size  }
0x9a: {  	s4 =	simm.s32 $_size__tile_overlayer_lowered;
	s5 =	simm.s32 $_tile_overlayer_lowered  }
0x9b: {  	s22 =	simm.s32 $0x1BFF;
	s21 =	sshll.u32 s5, $0x1;
	s2 =	sadd.s32 s19, s18  }
0x9c: {  	s6 =	simm.s32 $0x0;
	s20 =	sshll.u32 s4, $0x1;
	s4 =	sadd.s32 s21, s2  }
0x9d: {  	[timem:s6], [sflag:s22] =	dma.local [hbm:s4], s20  }
0x9e: {  	_ =	swait.ge [sflag:s22], s20  }
0x9f: {  	s3 =	ssub.s32 $0x0, s20;
	[sflag:s22] =	ssyncset.done $0x0  }
0xa0: {  	[sflag:s22] =	ssyncadd.s32 s3;
	_ =	sdelay $0x1  }
0xa1: {  	s23 =	simm.s32 $0x1B8B  }
0xa2: {  	_ =	swait.ge [sflag:s23], $0x1  }
0xa3: {  	[sflag:s23] =	ssyncset.done $0x0  }
0xa4: {  	s25 =	simm.s32 $0x1B8E;
	s24 =	sld [smem:$0x3FFE];
	[sflag:s23] =	ssyncadd.s32 $0xFFFFFFFF  }
0xa5: {  	s26 =	simm.s32 $execute0_lowered;
	[smem:$0x3FD2] =	sst s25  }
0xa6: {  	s4 =	sshll.u32 s26, $0x1;
	_ =	strace $0x80000046;
	[dreg:$0x1] =	wrdreg $0xFFFFFFFF  }
0xa7: {  	s28 =	simm.s32 $_size_execute0_lowered;
	s2 =	sadd.s32 s2, s4;
	[dreg:$0x0] =	wrdreg $0x0  }
0xa8: {  	s4 =	sshll.u32 s28, $0x1;
	[dreg:$0x2] =	wrdreg s2  }
0xa9: {  	[dreg:$0x3] =	wrdreg s4  }
0xaa: {  	[dreg:$0x4] =	wrdreg $0xC0  }
0xab: {  	_ =	task [dreg:s6], $0x5FFFF  }
0xac: {  	[dreg:$0x1] =	wrdreg $0xFFFFFFFF  }
0xad: {  	[dreg:$0x0] =	wrdreg $0x60  }
0xae: {  	[dreg:$0x2] =	wrdreg s24  }
0xaf: {  	[dreg:$0x3] =	wrdreg $0x68000  }
0xb0: {  	[dreg:$0x4] =	wrdreg $0x9  }
0xb1: {  	_ =	task.clear_ibuf [dreg:s6], $0x5FFFF;
	_ =	strace $0x90000046  }
0xb2: {  	s29 =	simm.s32 $0x9;
	_ =	strace $0x80000048  }
0xb3: {  	_ =	swait.ge [sflag:s29], $0x1  }
0xb4: {  	[sflag:s29] =	ssyncadd.s32 $0xFFFFFFFF  }
0xb5: {  	_ =	strace $0x90000048  }
0xb6: {  	_ =	sfence  }
0xb7: {  	s30 =	sld [smem:$0x0];
	_ =	sdelay $0x2  }
0xb8: {  	s31 =	sshll.u32 s1, $0xD;
	s1 =	sshrl.u32 s1, $0x2  }
0xb9: {  	s3 =	sand.u32 $0x4000, s31;
	s1 =	sadd.s32 s1, s30  }
0xba: {  	s0 =	sor.u32 s3, s0;
	s1 =	sshll.u32 s1, $0x11  }
0xbb: {  	s0 =	sor.u32 s1, s0  }
0xbc: {  	s0 =	sadd.s32 $0x8F2B, s0  }
0xbd: {  	[sflag:s0] =	ssyncadd.remote.s32 $0x1  }
0xbe: {  	_ =	sfence.sel $0xFFFF  }
0xbf: {  	[dreg:$0x0] =	wrdreg $0xFFFFFFFF;
	(pc) =	sbr.abs _section_cstart, $3  }
0xc0: {  	[dreg:$0x1] =	wrdreg $0xFFFFFFFF  }
0xc1: {  	_ =	task.clear_ibuf [dreg:s6], $0x2FFFF;
	_ =	strace $0x9FFFFFFF  }
0xc2: {  	(tm) =	ssettm $0x7FFFFFFF  }
0xc3: {  	_ =	shalt  }
tec
execute0_lowered:
.L_overlay_start_1:
0x0: {  	(tag) =	ssettag $0x1  }
0x1: {  	s1 =	srdreg.scid;
	s4 =	rddreg [dreg:$0x0]  }
0x2: {  	s0 =	stileid.u32;
	s2 =	rddreg [dreg:$0x1];
	s3 =	simm.s32 $0x0  }
0x3: {  	s6 =	sand.u32 $0x1, s1;
	s1 =	rddreg [dreg:$0x2];
	s7 =	smul.u32 $0x50000, s0  }
0x4: {  	s28 =	sshll.u32 s0, $0x1;
	[smem:$0x7FF] =	sst s3;
	s9 =	smul.u32 $0x14000, s0  }
0x5: {  	s14 =	sadd.s32 $0x42200, s4;
	s5 =	sor.u32 s6, s28;
	s16 =	smul.u32 $0x140000, s6  }
0x6: {  	_ =	strace $0x80000047;
	s29 =	ssub.s32 $0x2, s6;
	s5 =	smul.u32 $0x500, s5  }
0x7: {  	s30 =	sshrl.u32 s29, $0x1;
	s7 =	sshrl.u32 s7, $0x2;
	s11 =	sadd.s32 $0x4000, s9  }
0x8: {  	s12 =	sadd.s32 $0x8000, s9;
	s13 =	sadd.s32 $0xC000, s9;
	s17 =	sadd.s32 $0x10000, s9  }
0x9: {  	s15 =	ssub.s32 s29, s30;
	s6 =	sadd.s32 s12, s2;
	s8 =	sadd.s32 s17, s2  }
0xa: {  	s18 =	sadd.s32 s9, s16;
	s12 =	sadd.s32 s16, s12;
	s10 =	sadd.s32 s5, s4  }
0xb: {  	s4 =	sadd.s32 s7, s2;
	s5 =	sadd.s32 s11, s2;
	s7 =	sadd.s32 s13, s2  }
0xc: {  	s11 =	sadd.s32 s16, s11;
	s31 =	sshrl.u32 s18, $0x3;
	s12 =	sshrl.u32 s12, $0x3  }
0xd: {  	s13 =	sadd.s32 s16, s13;
	s16 =	sadd.s32 s16, s17;
	s15 =	smax.u32 s15, $0x1  }
0xe: {  	s17 =	simm.s32 $0x1;
	s18 =	simm.s32 $0x80;
	s9 =	sadd.s32 $0x10200, s10  }
0xf: {  	s11 =	sshrl.u32 s11, $0x3;
	s10 =	sadd.s32 s14, s31;
	s12 =	sadd.s32 s14, s12  }
0x10: {  	s13 =	sshrl.u32 s13, $0x3;
	s16 =	sshrl.u32 s16, $0x3;
	s11 =	sadd.s32 s14, s11  }
0x11: {  	v0 =	vimm.f32 $0.0e+00;
	v1 =	vimm.f32 $1.000000000e+00;
	s13 =	sadd.s32 s14, s13;
	s14 =	sadd.s32 s14, s16;
	s16 =	simm.s32 $0x2800  }
.LBB2_1:
0x12: {  	s19 =	simm.s32 $0x0;
	s20 =	simm.s32 $0x200  }
.LBB2_2:
0x13: {  	p0 =	sne.s32 s20, $0xFE00;
	[tilespmem:s19+$0x2870] =	vst v0  }
0x14: {  	[tilespmem:s19+$0x2800] =	vst v0  }
0x15: {  	[tilespmem:s19+$0x2810] =	vst v0  }
.Ltmp0:
0x16: {  	[tilespmem:s19+$0x2820] =	vst v0;
	(pc) =	sbr.rel @p0 .LBB2_2-.Ltmp0, $4  }
0x17: {  	[tilespmem:s19+$0x2830] =	vst v0  }
0x18: {  	[tilespmem:s19+$0x2840] =	vst v0  }
0x19: {  	[tilespmem:s19+$0x2850] =	vst v0  }
0x1a: {  	[tilespmem:s19+$0x2860] =	vst v0;
	s19 =	sshra.s32 s20, $0x2;
	s20 =	sadd.s32 $0x200, s20  }
0x1b: {  	[tilespmem:s19+$0x2870] =	vst v0  }
0x1c: {  	[tilespmem:s19+$0x2800] =	vst v0  }
0x1d: {  	[tilespmem:s19+$0x2810] =	vst v0  }
0x1e: {  	[tilespmem:s19+$0x2820] =	vst v0  }
0x1f: {  	[tilespmem:s19+$0x2830] =	vst v0  }
0x20: {  	[tilespmem:s19+$0x2840] =	vst v0  }
0x21: {  	[tilespmem:s19+$0x2850] =	vst v0  }
0x22: {  	[tilespmem:s19+$0x2860] =	vst v0  }
0x23: {  	[spmem:s4] =	stream.linear.scatter [tilespmem:s16], [sflag:$0x1], $0x4000, $0x38;
	[tilespmem:$0x1A800] =	vst v63  }
0x24: {  	_ =	swait.ge [sflag:s17], $0x4000  }
0x25: {  	[sflag:s17] =	ssyncset.done $0x0  }
0x26: {  	[sflag:s17] =	ssyncadd.s32 $0xFFFFC000  }
0x27: {  	[spmem:s5] =	stream.linear.scatter [tilespmem:s16], [sflag:$0x1], $0x4000, $0x38;
	[tilespmem:$0x1A800] =	vst v63  }
0x28: {  	_ =	swait.ge [sflag:s17], $0x4000  }
0x29: {  	[sflag:s17] =	ssyncset.done $0x0  }
0x2a: {  	[sflag:s17] =	ssyncadd.s32 $0xFFFFC000  }
0x2b: {  	[spmem:s6] =	stream.linear.scatter [tilespmem:s16], [sflag:$0x1], $0x4000, $0x38;
	[tilespmem:$0x1A800] =	vst v63  }
0x2c: {  	_ =	swait.ge [sflag:s17], $0x4000  }
0x2d: {  	[sflag:s17] =	ssyncset.done $0x0  }
0x2e: {  	[sflag:s17] =	ssyncadd.s32 $0xFFFFC000  }
0x2f: {  	[spmem:s7] =	stream.linear.scatter [tilespmem:s16], [sflag:$0x1], $0x4000, $0x38;
	[tilespmem:$0x1A800] =	vst v63  }
0x30: {  	_ =	swait.ge [sflag:s17], $0x4000  }
0x31: {  	[sflag:s17] =	ssyncset.done $0x0  }
0x32: {  	[sflag:s17] =	ssyncadd.s32 $0xFFFFC000  }
0x33: {  	[spmem:s8] =	stream.linear.scatter [tilespmem:s16], [sflag:$0x1], $0x4000, $0x38;
	[tilespmem:$0x1A800] =	vst v63  }
0x34: {  	_ =	swait.ge [sflag:s17], $0x4000  }
0x35: {  	[sflag:s17] =	ssyncset.done $0x0  }
0x36: {  	[sflag:s17] =	ssyncadd.s32 $0xFFFFC000  }
0x37: {  	s19 =	simm.s32 $0x0;
	s20 =	simm.s32 $0x200;
	[bflag:$0x0] =	sbarrier.arrive $0xFFFF  }
.LBB2_4:
0x38: {  	p0 =	sne.s32 s20, $0xFE00;
	[tilespmem:s19+$0x2870] =	vst v1  }
0x39: {  	[tilespmem:s19+$0x2800] =	vst v1  }
0x3a: {  	[tilespmem:s19+$0x2810] =	vst v1  }
.Ltmp1:
0x3b: {  	[tilespmem:s19+$0x2820] =	vst v1;
	(pc) =	sbr.rel @p0 .LBB2_4-.Ltmp1, $4  }
0x3c: {  	[tilespmem:s19+$0x2830] =	vst v1  }
0x3d: {  	[tilespmem:s19+$0x2840] =	vst v1  }
0x3e: {  	[tilespmem:s19+$0x2850] =	vst v1  }
0x3f: {  	[tilespmem:s19+$0x2860] =	vst v1;
	s19 =	sshra.s32 s20, $0x2;
	s20 =	sadd.s32 $0x200, s20  }
0x40: {  	[tilespmem:s19+$0x2870] =	vst v1  }
0x41: {  	[tilespmem:s19+$0x2800] =	vst v1  }
0x42: {  	[tilespmem:s19+$0x2810] =	vst v1  }
0x43: {  	[tilespmem:s19+$0x2820] =	vst v1  }
0x44: {  	[tilespmem:s19+$0x2830] =	vst v1  }
0x45: {  	[tilespmem:s19+$0x2840] =	vst v1  }
0x46: {  	[tilespmem:s19+$0x2850] =	vst v1  }
0x47: {  	[tilespmem:s19+$0x2860] =	vst v1;
	s30 =	simm.s32 $0x0  }
0x48: {  	[tilespmem:s30], [sflag:$0x1] =	stream.linear.gather [hbm4b:s9+s30], $0x2780, $0x38;
	[tilespmem:$0x1A800] =	vst v63  }
0x49: {  	_ =	swait.ge [sflag:s17], $0x2780  }
0x4a: {  	[sflag:s17] =	ssyncset.done $0x0  }
0x4b: {  	s31 =	simm.s32 $0x0;
	[sflag:s17] =	ssyncadd.s32 $0xFFFFD880  }
0x4c: {  	[spmem:s2] =	stream.indirect.scatter.add.f32 [tilespmem:s16], [sflag:$0x1], $0x80, s31, s18, $0xb8;
	[tilespmem:$0x1A800] =	vst v63  }
0x4d: {  	_ =	swait.ge [sflag:s17], $0x4000  }
0x4e: {  	s19 =	simm.s32 $0x200;
	[sflag:s17] =	ssyncset.done $0x0  }
.LBB2_6:
0x4f: {  	s20 =	sshra.s32 s19, $0x2;
	[sflag:s17] =	ssyncadd.s32 $0xFFFFC000;
	p0 =	sne.s32 s19, $0x9C00  }
0x50: {  	[spmem:s2] =	stream.indirect.scatter.add.f32 [tilespmem:s16], [sflag:$0x1], $0x80, s20, s18, $0xb8;
	[tilespmem:$0x1A800] =	vst v63  }
.Ltmp2:
0x51: {  	_ = 	snop;
	(pc) =	sbr.rel @p0 .LBB2_6-.Ltmp2, $4  }
0x52: {  	_ = 	snop  }
0x53: {  	s19 =	sadd.s32 $0x200, s19  }
0x54: {  	_ =	swait.ge [sflag:s17], $0x4000  }
0x55: {  	[sflag:s17] =	ssyncset.done $0x0  }
0x56: {  	[sflag:s17] =	ssyncadd.s32 $0xFFFFC000;
	s19 =	sshll.u32 s0, $0x6  }
0x57: {  	s20 =	sshrl.u32 s4, $0x3;
	[bflag:$0x0] =	sbarrier.arrive $0xFFFF;
	s19 =	sor.u32 $0x1C01, s19  }
0x58: {  	[hbm:s10], [sflag:s19] =	dma.local [spmem:s20], $0x800  }
0x59: {  	_ =	swait.ge [sflag:s17], $0x800  }
0x5a: {  	[sflag:s17] =	ssyncset.done $0x0  }
0x5b: {  	s28 =	sshrl.u32 s5, $0x3;
	[sflag:s17] =	ssyncadd.s32 $0xFFFFF800  }
0x5c: {  	[hbm:s11], [sflag:s19] =	dma.local [spmem:s28], $0x800  }
0x5d: {  	_ =	swait.ge [sflag:s17], $0x800  }
0x5e: {  	[sflag:s17] =	ssyncset.done $0x0  }
0x5f: {  	s29 =	sshrl.u32 s6, $0x3;
	[sflag:s17] =	ssyncadd.s32 $0xFFFFF800  }
0x60: {  	[hbm:s12], [sflag:s19] =	dma.local [spmem:s29], $0x800  }
0x61: {  	_ =	swait.ge [sflag:s17], $0x800  }
0x62: {  	[sflag:s17] =	ssyncset.done $0x0  }
0x63: {  	s30 =	sshrl.u32 s7, $0x3;
	[sflag:s17] =	ssyncadd.s32 $0xFFFFF800  }
0x64: {  	[hbm:s13], [sflag:s19] =	dma.local [spmem:s30], $0x800  }
0x65: {  	s3 =	sadd.s32 $0x1, s3;
	_ =	swait.ge [sflag:s17], $0x800  }
0x66: {  	p0 =	sne.s32 s3, s15;
	[sflag:s17] =	ssyncset.done $0x0  }
.Ltmp3:
0x67: {  	s31 =	sshrl.u32 s8, $0x3;
	[sflag:s17] =	ssyncadd.s32 $0xFFFFF800;
	(pc) =	sbr.rel @p0 .LBB2_1-.Ltmp3, $4  }
0x68: {  	[hbm:s14], [sflag:s19] =	dma.local [spmem:s31], $0x800  }
0x69: {  	_ =	swait.ge [sflag:s17], $0x800  }
0x6a: {  	[sflag:s17] =	ssyncset.done $0x0  }
0x6b: {  	[sflag:s17] =	ssyncadd.s32 $0xFFFFF800  }
0x6c: {  	_ =	sfence.sel $0x180000  }
0x6d: {  	[bflag:$0x0] =	sbarrier.arrive $0xFFFF  }
0x6e: {  	p0 =	sne.s32 s0, $0x0;
	_ =	strace $0x90000047  }
0x6f: {  	s0 =	sadd.s32 @!p0 $0x100000, s1;
	[bflag:$0x2] =	sbarrier.arrive $0xFFFF  }
0x70: {  	[sflag:s0] =	ssyncadd.tile.s32 @!p0 $0x1;
	_ =	shalt  }
.Lfunc_end2:
_tile_overlayer_lowered:
.L_overlay_start_2:
0x71: {  	(tag) =	ssettag $0x2  }
0x72: {  	s0 =	rddreg [dreg:$0x0];
	s2 =	stileid.u32  }
0x73: {  	s1 =	rddreg [dreg:$0x1];
	p0 =	sne.s32 s2, $0x0  }
0x74: {  	s3 =	rddreg [dreg:$0x2];
	[bflag:$0x3] =	sbarrier.arrive $0xFFFF;
	s2 =	simm.s32 @!p0 $0x1C01  }
0x75: {  	[timem:s3], [sflag:s2] =	dma.local @!p0 [hbm:s0], s1  }
0x76: {  	s0 =	simm.s32 @!p0 $0x1  }
0x77: {  	_ =	swait.ge @!p0 [sflag:s0], s1  }
0x78: {  	s1 =	ssub.s32 @!p0 $0x0, s1;
	[sflag:s0] =	ssyncset.done @!p0 $0x0  }
0x79: {  	[sflag:s0] =	ssyncadd.s32 @!p0 s1  }
0x7a: {  	[bflag:$0x3] =	sbarrier.arrive $0xFFFF  }
0x7b: {  	_ =	shalt  }

// kernel: kernel.15.cloned.1.call-start
scs
__scs_entry_jumppad:
0x0: {  	(pc) =	sbr.rel $0x88, $3  }
0x1: {  	(tag) =	ssettag $0x0;
	lr =	simm.s32 $0x1  }
0x2: {  	[smem:$0x3F86] =	sst lr;
	_ =	strace $0xD0000000  }
0x3: {  	_ = 	snop  }
0x4: {  	_ = 	snop  }
0x5: {  	_ = 	snop  }
0x6: {  	_ = 	snop  }
0x7: {  	_ = 	snop  }
__scs_overlays_trampoline_lowered:
0x8: {  	[smem:$0x3F95] =	sst s0  }
0x9: {  	[smem:$0x3F96] =	sst s1  }
0xa: {  	[smem:$0x3F97] =	sst s2  }
0xb: {  	[smem:$0x3F98] =	sst s3  }
0xc: {  	[smem:$0x3F99] =	sst s4  }
0xd: {  	[smem:$0x3F9A] =	sst s5  }
0xe: {  	[smem:$0x3F9B] =	sst s6  }
0xf: {  	[smem:$0x3F9C] =	sst s7  }
0x10: {  	[smem:$0x3F9D] =	sst s8  }
0x11: {  	[smem:$0x3F9E] =	sst s9;
	s0 =	simm.s32 @!p0 $0x0  }
0x12: {  	s1 =	sld [smem:$0x3F84];
	s0 =	simm.s32 @p0 $0x1  }
0x13: {  	[smem:$0x3F9F] =	sst s0;
	s0 =	simm.s32 @!p1 $0x0  }
0x14: {  	s2 =	sld [smem:$0x3F83];
	s0 =	simm.s32 @p1 $0x1  }
0x15: {  	[smem:$0x3FA0] =	sst s0;
	s0 =	simm.s32 @!p2 $0x0  }
0x16: {  	s3 =	sld [smem:$0x3FDB];
	s0 =	simm.s32 @p2 $0x1  }
0x17: {  	s4 =	simm.s32 $0x1BF5;
	[smem:$0x3FA2] =	sst s0  }
0x18: {  	s0 =	sld [smem:$0x3F85];
	_ =	swait.ge [sflag:s4], $0x0  }
0x19: {  	s7 =	sld [smem:$0x3F86]  }
0x1a: {  	s8 =	sadd.s32 $0xFFFFE003, lr  }
0x1b: {  	s9 =	sadd.s32 $0xFFFFFEF7, lr;
	s5 =	simm.s32 $0xFFFFFFFF;
	p2 =	slt.u32 s8, $0xFFFFF086  }
0x1c: {  	p1 =	slt.u32 s9, $0xF7A;
	s5 =	simm.s32 @!p2 $0x0  }
0x1d: {  	s5 =	simm.s32 @p1 $0x1;
	p0 =	seq.s32 s7, s2  }
0x1e: {  	s7 =	smul.u32 @!p0 $0xF7A, s2;
	p2 =	seq.s32 @!p0 s5, $0x0  }
0x1f: {  	s9 =	smul.u32 $0xF7A, s1;
	s8 =	simm.s32 @!p0 $0x1BF5;
	p2 =	por !p2, p0  }
0x20: {  	[sflag:s8] =	ssyncset.s32 @!p0 $0xFFFFF086;
	s6 =	sadd.s32 @!p0 s3, s7;
	s7 =	simm.s32 @!p0 $0x108  }
0x21: {  	s3 =	sadd.s32 s3, s9;
	s6 =	sadd.s32 @!p0 $0x88, s6;
	s7 =	simm.s32 @p2 $0x1082  }
0x22: {  	[simem:s7], [sflag:s8] =	dma.local @!p0 [hbm:s6], $0xF7A  }
0x23: {  	s9 =	sor.u32 $0xD0000000, s2;
	s6 =	simm.s32 $0x108;
	_ =	swait.ge @!p0 [sflag:s8], $0x0  }
0x24: {  	s3 =	sadd.s32 $0x88, s3;
	s6 =	simm.s32 @!p1 $0x1082;
	[sflag:s4] =	ssyncset.s32 $0xFFFFF086  }
0x25: {  	[simem:s6], [sflag:s4] =	dma.local [hbm:s3], $0xF7A  }
0x26: {  	[smem:$0x3F86] =	sst s1;
	(tag) =	ssettag s2;
	_ =	strace s9  }
0x27: {  	s1 =	sld [smem:$0x3F96]  }
0x28: {  	s2 =	sld [smem:$0x3F97]  }
0x29: {  	s4 =	sld [smem:$0x3F99]  }
0x2a: {  	p0 =	seq.s32 s5, $0x0;
	s5 =	sld [smem:$0x3F9A]  }
0x2b: {  	s6 =	sld [smem:$0x3F9B]  }
0x2c: {  	s7 =	sld [smem:$0x3F9C]  }
0x2d: {  	s3 =	simm.s32 $0x108;
	s8 =	sld [smem:$0x3F9D]  }
0x2e: {  	s3 =	simm.s32 @!p0 $0x1082;
	s9 =	sld [smem:$0x3F9E]  }
0x2f: {  	lr =	sadd.s32 s0, s3;
	s0 =	sld [smem:$0x3F95]  }
0x30: {  	s3 =	sld [smem:$0x3F98]  }
0x31: {  	[smem:$0x3FA1] =	sst s10  }
0x32: {  	s10 =	sld [smem:$0x3F9F];
	_ =	sdelay $0x3  }
0x33: {  	p0 =	seq.s32 s10, $0x1;
	s10 =	sld [smem:$0x3FA1];
	_ =	sdelay $0x3  }
0x34: {  	[smem:$0x3FA1] =	sst s10  }
0x35: {  	s10 =	sld [smem:$0x3FA0];
	_ =	sdelay $0x3  }
0x36: {  	p1 =	seq.s32 s10, $0x1;
	s10 =	sld [smem:$0x3FA1];
	_ =	sdelay $0x3  }
0x37: {  	[smem:$0x3FA1] =	sst s10  }
0x38: {  	s10 =	sld [smem:$0x3FA2]  }
0x39: {  	_ = 	snop;
	(pc) =	sbr.ind lr, $3  }
0x3a: {  	_ = 	snop  }
0x3b: {  	_ = 	snop  }
0x3c: {  	p2 =	seq.s32 s10, $0x1;
	s10 =	sld [smem:$0x3FA1]  }
0x3d: {  	_ =	shalt  }
0x3e: {  	_ =	shalt  }
0x3f: {  	_ =	shalt  }
0x40: {  	_ =	shalt  }
0x41: {  	_ =	shalt  }
0x42: {  	_ =	shalt  }
0x43: {  	_ =	shalt  }
0x44: {  	_ =	shalt  }
0x45: {  	_ =	shalt  }
0x46: {  	_ =	shalt  }
0x47: {  	_ =	shalt  }
0x48: {  	_ =	shalt  }
0x49: {  	_ =	shalt  }
0x4a: {  	_ =	shalt  }
0x4b: {  	_ =	shalt  }
0x4c: {  	_ =	shalt  }
0x4d: {  	_ =	shalt  }
0x4e: {  	_ =	shalt  }
0x4f: {  	_ =	shalt  }
0x50: {  	_ =	shalt  }
0x51: {  	_ =	shalt  }
0x52: {  	_ =	shalt  }
0x53: {  	_ =	shalt  }
0x54: {  	_ =	shalt  }
0x55: {  	_ =	shalt  }
0x56: {  	_ =	shalt  }
0x57: {  	_ =	shalt  }
0x58: {  	_ =	shalt  }
0x59: {  	_ =	shalt  }
0x5a: {  	_ =	shalt  }
0x5b: {  	_ =	shalt  }
0x5c: {  	_ =	shalt  }
0x5d: {  	_ =	shalt  }
0x5e: {  	_ =	shalt  }
0x5f: {  	_ =	shalt  }
0x60: {  	_ =	shalt  }
0x61: {  	_ =	shalt  }
0x62: {  	_ =	shalt  }
0x63: {  	_ =	shalt  }
0x64: {  	_ =	shalt  }
0x65: {  	_ =	shalt  }
0x66: {  	_ =	shalt  }
0x67: {  	_ =	shalt  }
0x68: {  	_ =	shalt  }
0x69: {  	_ =	shalt  }
0x6a: {  	_ =	shalt  }
0x6b: {  	_ =	shalt  }
0x6c: {  	_ =	shalt  }
0x6d: {  	_ =	shalt  }
0x6e: {  	_ =	shalt  }
0x6f: {  	_ =	shalt  }
0x70: {  	_ =	shalt  }
0x71: {  	_ =	shalt  }
0x72: {  	_ =	shalt  }
0x73: {  	_ =	shalt  }
0x74: {  	_ =	shalt  }
0x75: {  	_ =	shalt  }
0x76: {  	_ =	shalt  }
0x77: {  	_ =	shalt  }
0x78: {  	_ =	shalt  }
0x79: {  	_ =	shalt  }
0x7a: {  	_ =	shalt  }
0x7b: {  	_ =	shalt  }
0x7c: {  	_ =	shalt  }
0x7d: {  	_ =	shalt  }
0x7e: {  	_ =	shalt  }
0x7f: {  	_ =	shalt  }
0x80: {  	_ =	shalt  }
0x81: {  	_ =	shalt  }
0x82: {  	_ =	shalt  }
0x83: {  	_ =	shalt  }
0x84: {  	_ =	shalt  }
0x85: {  	_ =	shalt  }
0x86: {  	_ =	shalt  }
0x87: {  	_ =	shalt  }
.Lfunc_end0:
.L_simem_size_0:
called_computation.1_lowered:
.L_overlay_start_0:
0x88: {  	s2 =	sld [smem:$0x3FD9]  }
0x89: {  	s3 =	sld [smem:$0x3FFE];
	_ =	sdelay $0x1  }
0x8a: {  	s1 =	srdreg.scid  }
0x8b: {  	s0 =	sand.u32 $0x1, s1  }
0x8c: {  	s17 =	sshll.u32 s0, $0xA;
	s2 =	sadd.s32 s3, s2  }
0x8d: {  	s2 =	sadd.s32 s2, s17  }
0x8e: {  	[smem:$0x3FAD] =	sst s2  }
0x8f: {  	_ = 	snop  }
0x90: {  	(tm) =	ssettm $0x1  }
0x91: {  	s18 =	sld [smem:$0x3FFB];
	_ =	sdelay $0x3  }
0x92: {  	_ =	strace s18  }
0x93: {  	s2 =	sld [smem:$0x3FFC];
	_ =	sdelay $0x3  }
0x94: {  	_ =	strace s2  }
0x95: {  	s2 =	sld [smem:$0x3FFD];
	_ =	sdelay $0x3  }
0x96: {  	_ =	strace s2  }
0x97: {  	_ =	strace $0x8FFFFFFF  }
0x98: {  	s19 =	sld [smem:$0x3FDB];
	_ =	sdelay $0x1  }
0x99: {  	s20 =	simm.s32 $_scs_section_size  }
0x9a: {  	s4 =	simm.s32 $_size__tile_overlayer_lowered;
	s5 =	simm.s32 $_tile_overlayer_lowered  }
0x9b: {  	s6 =	simm.s32 $0x1BFF;
	s21 =	sshll.u32 s5, $0x1;
	s3 =	sadd.s32 s20, s19  }
0x9c: {  	s22 =	simm.s32 $0x0;
	s4 =	sshll.u32 s4, $0x1;
	s5 =	sadd.s32 s21, s3  }
0x9d: {  	[timem:s22], [sflag:s6] =	dma.local [hbm:s5], s4  }
0x9e: {  	_ =	swait.ge [sflag:s6], s4  }
0x9f: {  	s4 =	ssub.s32 $0x0, s4;
	[sflag:s6] =	ssyncset.done $0x0  }
0xa0: {  	[sflag:s6] =	ssyncadd.s32 s4;
	_ =	sdelay $0x1  }
0xa1: {  	s23 =	simm.s32 $0x1B8B  }
0xa2: {  	_ =	swait.ge [sflag:s23], $0x1  }
0xa3: {  	[sflag:s23] =	ssyncset.done $0x0  }
0xa4: {  	[sflag:s23] =	ssyncadd.s32 $0xFFFFFFFF  }
0xa5: {  	s4 =	sld [smem:$0x0]  }
0xa6: {  	s5 =	sand.u32 $0xFFFFFFFE, s1  }
0xa7: {  	p0 =	sne.s32 s1, s5  }
0xa8: {  	s5 =	sshll.u32 @p0 s5, $0xE  }
0xa9: {  	s5 =	sadd.s32 @p0 $0x11B8D, s5;
	s6 =	sshll.u32 @p0 s4, $0x11  }
0xaa: {  	s5 =	sor.u32 @p0 s6, s5  }
0xab: {  	[sflag:s5] =	ssyncadd.remote.s32 @p0 $0x1;
	_ =	sdelay $0x1  }
0xac: {  	s5 =	simm.s32 @p0 $0x1B8D  }
0xad: {  	_ =	swait.eq @p0 [sflag:s5], $0x1  }
0xae: {  	[sflag:s5] =	ssyncadd.s32 @p0 $0xFFFFFFFF  }
0xaf: {  	s6 =	sshll.u32 @!p0 s1, $0xE  }
0xb0: {  	s6 =	sor.u32 @!p0 $0x4000, s6;
	s5 =	simm.s32 @!p0 $0x1B8D  }
0xb1: {  	s4 =	sshll.u32 @!p0 s4, $0x11;
	s6 =	sadd.s32 @!p0 $0x11B8D, s6;
	_ =	swait.eq @!p0 [sflag:s5], $0x1  }
0xb2: {  	s4 =	sor.u32 @!p0 s4, s6;
	[sflag:s5] =	ssyncadd.s32 @!p0 $0xFFFFFFFF  }
0xb3: {  	s25 =	simm.s32 $0x1B8E;
	s24 =	sld [smem:$0x3FFE];
	[sflag:s4] =	ssyncadd.remote.s32 @!p0 $0x1  }
0xb4: {  	s26 =	simm.s32 $execute0_lowered;
	[smem:$0x3FD2] =	sst s25  }
0xb5: {  	s5 =	sshll.u32 s26, $0x1;
	_ =	strace $0x80000049;
	[dreg:$0x1] =	wrdreg $0xFFFFFFFF  }
0xb6: {  	s28 =	simm.s32 $_size_execute0_lowered;
	s3 =	sadd.s32 s3, s5;
	[dreg:$0x0] =	wrdreg $0x0  }
0xb7: {  	s5 =	sshll.u32 s28, $0x1;
	[dreg:$0x2] =	wrdreg s3  }
0xb8: {  	[dreg:$0x3] =	wrdreg s5  }
0xb9: {  	[dreg:$0x4] =	wrdreg $0xC0  }
0xba: {  	_ =	task [dreg:s22], $0x5FFFF  }
0xbb: {  	[dreg:$0x1] =	wrdreg $0xFFFFFFFF  }
0xbc: {  	[dreg:$0x0] =	wrdreg $0x60  }
0xbd: {  	[dreg:$0x2] =	wrdreg s24  }
0xbe: {  	[dreg:$0x3] =	wrdreg $0x90000  }
0xbf: {  	[dreg:$0x4] =	wrdreg $0xA  }
0xc0: {  	_ =	task.clear_ibuf [dreg:s22], $0x5FFFF;
	_ =	strace $0x90000049  }
0xc1: {  	s29 =	simm.s32 $0xA;
	_ =	strace $0x8000004B  }
0xc2: {  	_ =	swait.ge [sflag:s29], $0x1  }
0xc3: {  	[sflag:s29] =	ssyncadd.s32 $0xFFFFFFFF  }
0xc4: {  	_ =	strace $0x9000004B  }
0xc5: {  	_ =	sfence  }
0xc6: {  	s30 =	sld [smem:$0x0];
	_ =	sdelay $0x2  }
0xc7: {  	s31 =	sshll.u32 s1, $0xD;
	s1 =	sshrl.u32 s1, $0x2  }
0xc8: {  	s4 =	sand.u32 $0x4000, s31;
	s1 =	sadd.s32 s1, s30  }
0xc9: {  	s0 =	sor.u32 s4, s0;
	s1 =	sshll.u32 s1, $0x11  }
0xca: {  	s0 =	sor.u32 s1, s0  }
0xcb: {  	s0 =	sadd.s32 $0x8F2B, s0  }
0xcc: {  	[sflag:s0] =	ssyncadd.remote.s32 $0x1  }
0xcd: {  	_ =	sfence.sel $0xFFFF  }
0xce: {  	[dreg:$0x0] =	wrdreg $0xFFFFFFFF;
	(pc) =	sbr.abs _section_cstart, $3  }
0xcf: {  	[dreg:$0x1] =	wrdreg $0xFFFFFFFF  }
0xd0: {  	_ =	task.clear_ibuf [dreg:s22], $0x2FFFF;
	_ =	strace $0x9FFFFFFF  }
0xd1: {  	(tm) =	ssettm $0x7FFFFFFF  }
tec
execute0_lowered:
.L_overlay_start_1:
0x0: {  	(tag) =	ssettag $0x1  }
0x1: {  	s1 =	srdreg.scid  }
0x2: {  	s0 =	stileid.u32;
	s5 =	rddreg [dreg:$0x0]  }
0x3: {  	s2 =	rddreg [dreg:$0x1];
	s3 =	simm.s32 $0x0;
	s21 =	simm.s32 $0x80  }
0x4: {  	s22 =	simm.s32 $0x1;
	s7 =	sand.u32 $0x1, s1;
	s1 =	rddreg [dreg:$0x2]  }
0x5: {  	s29 =	sshll.u32 s0, $0x1;
	[smem:$0x7FF] =	sst s3;
	s8 =	smul.u32 $0x50000, s0  }
0x6: {  	s10 =	smul.u32 $0x14000, s0;
	s16 =	sadd.s32 $0x92200, s5;
	s4 =	sor.u32 s7, s29  }
0x7: {  	_ =	strace $0x8000004A;
	s30 =	ssub.s32 $0x2, s7;
	s18 =	smul.u32 $0x140000, s7  }
0x8: {  	s6 =	smul.u32 $0x500, s4;
	s4 =	sadd.s32 $0x1A200, s5;
	s31 =	sshrl.u32 s30, $0x1  }
0x9: {  	s8 =	sshrl.u32 s8, $0x2;
	s12 =	sadd.s32 $0x4000, s10;
	s14 =	sadd.s32 $0x8000, s10  }
0xa: {  	s15 =	sadd.s32 $0xC000, s10;
	s19 =	sadd.s32 $0x10000, s10;
	s17 =	ssub.s32 s30, s31  }
0xb: {  	s7 =	sadd.s32 s14, s2;
	s9 =	sadd.s32 s19, s2;
	s13 =	sadd.s32 s10, s18  }
0xc: {  	s14 =	sadd.s32 s18, s14;
	s11 =	sadd.s32 s6, s5;
	s5 =	sadd.s32 s8, s2  }
0xd: {  	s6 =	sadd.s32 s12, s2;
	s8 =	sadd.s32 s15, s2;
	s12 =	sadd.s32 s18, s12  }
0xe: {  	s13 =	sshrl.u32 s13, $0x3;
	s15 =	sadd.s32 s18, s15;
	s18 =	sadd.s32 s18, s19  }
0xf: {  	s14 =	sshrl.u32 s14, $0x3;
	s17 =	smax.u32 s17, $0x1;
	s19 =	simm.s32 $0x2  }
0x10: {  	s10 =	sadd.s32 $0x6200, s11;
	s20 =	sshrl.u32 s12, $0x3;
	s11 =	sadd.s32 $0x10200, s11  }
0x11: {  	s12 =	sadd.s32 s16, s13;
	s15 =	sshrl.u32 s15, $0x3;
	s18 =	sshrl.u32 s18, $0x3  }
0x12: {  	s14 =	sadd.s32 s16, s14;
	s13 =	sadd.s32 s16, s20;
	s15 =	sadd.s32 s16, s15  }
0x13: {  	v0 =	vimm.f32 $0.0e+00;
	s16 =	sadd.s32 s16, s18;
	s18 =	simm.s32 $0x5000;
	s20 =	simm.s32 $0x2800  }
.LBB2_1:
0x14: {  	s23 =	simm.s32 $0x0;
	s24 =	simm.s32 $0x200  }
.LBB2_2:
0x15: {  	p0 =	sne.s32 s24, $0xFE00;
	[tilespmem:s23+$0x5070] =	vst v0  }
0x16: {  	[tilespmem:s23+$0x5000] =	vst v0  }
0x17: {  	[tilespmem:s23+$0x5010] =	vst v0  }
.Ltmp0:
0x18: {  	[tilespmem:s23+$0x5020] =	vst v0;
	(pc) =	sbr.rel @p0 .LBB2_2-.Ltmp0, $4  }
0x19: {  	[tilespmem:s23+$0x5030] =	vst v0  }
0x1a: {  	[tilespmem:s23+$0x5040] =	vst v0  }
0x1b: {  	[tilespmem:s23+$0x5050] =	vst v0  }
0x1c: {  	[tilespmem:s23+$0x5060] =	vst v0;
	s23 =	sshra.s32 s24, $0x2;
	s24 =	sadd.s32 $0x200, s24  }
0x1d: {  	[tilespmem:s23+$0x5070] =	vst v0  }
0x1e: {  	[tilespmem:s23+$0x5000] =	vst v0  }
0x1f: {  	[tilespmem:s23+$0x5010] =	vst v0  }
0x20: {  	[tilespmem:s23+$0x5020] =	vst v0  }
0x21: {  	[tilespmem:s23+$0x5030] =	vst v0  }
0x22: {  	[tilespmem:s23+$0x5040] =	vst v0  }
0x23: {  	[tilespmem:s23+$0x5050] =	vst v0  }
0x24: {  	[tilespmem:s23+$0x5060] =	vst v0  }
0x25: {  	[spmem:s5] =	stream.linear.scatter [tilespmem:s18], [sflag:$0x2], $0x4000, $0x38;
	[tilespmem:$0x1D000] =	vst v63  }
0x26: {  	_ =	swait.ge [sflag:s19], $0x4000  }
0x27: {  	[sflag:s19] =	ssyncset.done $0x0  }
0x28: {  	[sflag:s19] =	ssyncadd.s32 $0xFFFFC000  }
0x29: {  	[spmem:s6] =	stream.linear.scatter [tilespmem:s18], [sflag:$0x2], $0x4000, $0x38;
	[tilespmem:$0x1D000] =	vst v63  }
0x2a: {  	_ =	swait.ge [sflag:s19], $0x4000  }
0x2b: {  	[sflag:s19] =	ssyncset.done $0x0  }
0x2c: {  	[sflag:s19] =	ssyncadd.s32 $0xFFFFC000  }
0x2d: {  	[spmem:s7] =	stream.linear.scatter [tilespmem:s18], [sflag:$0x2], $0x4000, $0x38;
	[tilespmem:$0x1D000] =	vst v63  }
0x2e: {  	_ =	swait.ge [sflag:s19], $0x4000  }
0x2f: {  	[sflag:s19] =	ssyncset.done $0x0  }
0x30: {  	[sflag:s19] =	ssyncadd.s32 $0xFFFFC000  }
0x31: {  	[spmem:s8] =	stream.linear.scatter [tilespmem:s18], [sflag:$0x2], $0x4000, $0x38;
	[tilespmem:$0x1D000] =	vst v63  }
0x32: {  	_ =	swait.ge [sflag:s19], $0x4000  }
0x33: {  	[sflag:s19] =	ssyncset.done $0x0  }
0x34: {  	[sflag:s19] =	ssyncadd.s32 $0xFFFFC000  }
0x35: {  	[spmem:s9] =	stream.linear.scatter [tilespmem:s18], [sflag:$0x2], $0x4000, $0x38;
	[tilespmem:$0x1D000] =	vst v63  }
0x36: {  	_ =	swait.ge [sflag:s19], $0x4000  }
0x37: {  	[sflag:s19] =	ssyncset.done $0x0  }
0x38: {  	[sflag:s19] =	ssyncadd.s32 $0xFFFFC000  }
0x39: {  	s29 =	simm.s32 $0x0;
	[bflag:$0x0] =	sbarrier.arrive $0xFFFF  }
0x3a: {  	[tilespmem:s29], [sflag:$0x2] =	stream.linear.gather [hbm4b:s10+s29], $0x2780, $0x38;
	[tilespmem:$0x1D000] =	vst v63  }
0x3b: {  	_ =	swait.ge [sflag:s19], $0x2780  }
0x3c: {  	[sflag:s19] =	ssyncset.done $0x0  }
0x3d: {  	[sflag:s19] =	ssyncadd.s32 $0xFFFFD880  }
0x3e: {  	[tilespmem:s20], [sflag:$0x2] =	stream.linear.gather [hbm4b:s11+s29], $0x2780, $0x38;
	[tilespmem:$0x1D000] =	vst v63  }
0x3f: {  	_ =	swait.ge [sflag:s19], $0x2780  }
0x40: {  	[sflag:s19] =	ssyncset.done $0x0  }
0x41: {  	s30 =	simm.s32 $0x0;
	[sflag:s19] =	ssyncadd.s32 $0xFFFFD880  }
0x42: {  	[tilespmem:s18], [sflag:$0x1] =	stream.indirect.gather [hbm4b:s4+s21], $0x80, s30, s21, $0xb8;
	[tilespmem:$0x1D000] =	vst v63  }
0x43: {  	_ =	swait.ge [sflag:s22], $0x4000  }
0x44: {  	[sflag:s22] =	ssyncset.done $0x0  }
0x45: {  	s31 =	simm.s32 $0x2800;
	[sflag:s22] =	ssyncadd.s32 $0xFFFFC000  }
0x46: {  	[spmem:s2] =	stream.indirect.scatter.add.f32 [tilespmem:s18], [sflag:$0x2], $0x80, s31, s21, $0xb8;
	[tilespmem:$0x1D000] =	vst v63  }
0x47: {  	_ =	swait.ge [sflag:s19], $0x4000  }
0x48: {  	s23 =	simm.s32 $0x200;
	s24 =	simm.s32 $0x400;
	[sflag:s19] =	ssyncset.done $0x0  }
.LBB2_4:
0x49: {  	s25 =	sshra.s32 s23, $0x2  }
0x4a: {  	[sflag:s19] =	ssyncadd.s32 $0xFFFFC000;
	s23 =	smov.u32 s24;
	s26 =	sadd.s32 $0x200, s24  }
0x4b: {  	[tilespmem:s18], [sflag:$0x1] =	stream.indirect.gather [hbm4b:s4+s21], $0x80, s25, s21, $0xb8;
	[tilespmem:$0x1D000] =	vst v63  }
0x4c: {  	p0 =	sne.s32 s24, $0x9C00;
	_ =	swait.ge [sflag:s22], $0x4000  }
.Ltmp1:
0x4d: {  	[sflag:s22] =	ssyncset.done $0x0;
	(pc) =	sbr.rel @p0 .LBB2_4-.Ltmp1, $4  }
0x4e: {  	s24 =	sadd.s32 $0x2800, s25;
	[sflag:s22] =	ssyncadd.s32 $0xFFFFC000  }
0x4f: {  	[spmem:s2] =	stream.indirect.scatter.add.f32 [tilespmem:s18], [sflag:$0x2], $0x80, s24, s21, $0xb8;
	[tilespmem:$0x1D000] =	vst v63  }
0x50: {  	_ =	swait.ge [sflag:s19], $0x4000  }
0x51: {  	s24 =	smov.u32 s26;
	[sflag:s19] =	ssyncset.done $0x0  }
0x52: {  	s23 =	sshra.s32 s23, $0x2;
	[sflag:s19] =	ssyncadd.s32 $0xFFFFC000  }
0x53: {  	[tilespmem:s18], [sflag:$0x1] =	stream.indirect.gather [hbm4b:s4+s21], $0x80, s23, s21, $0xb8;
	[tilespmem:$0x1D000] =	vst v63  }
0x54: {  	_ =	swait.ge [sflag:s22], $0x4000  }
0x55: {  	[sflag:s22] =	ssyncset.done $0x0  }
0x56: {  	s23 =	sadd.s32 $0x2800, s23;
	[sflag:s22] =	ssyncadd.s32 $0xFFFFC000  }
0x57: {  	[spmem:s2] =	stream.indirect.scatter.add.f32 [tilespmem:s18], [sflag:$0x2], $0x80, s23, s21, $0xb8;
	[tilespmem:$0x1D000] =	vst v63  }
0x58: {  	_ =	swait.ge [sflag:s19], $0x4000  }
0x59: {  	[sflag:s19] =	ssyncset.done $0x0  }
0x5a: {  	s26 =	sshll.u32 s0, $0x6;
	[sflag:s19] =	ssyncadd.s32 $0xFFFFC000  }
0x5b: {  	s24 =	sshrl.u32 s5, $0x3;
	s23 =	sor.u32 $0x1C02, s26;
	[bflag:$0x0] =	sbarrier.arrive $0xFFFF  }
0x5c: {  	[hbm:s12], [sflag:s23] =	dma.local [spmem:s24], $0x800  }
0x5d: {  	_ =	swait.ge [sflag:s19], $0x800  }
0x5e: {  	[sflag:s19] =	ssyncset.done $0x0  }
0x5f: {  	s28 =	sshrl.u32 s6, $0x3;
	[sflag:s19] =	ssyncadd.s32 $0xFFFFF800  }
0x60: {  	[hbm:s13], [sflag:s23] =	dma.local [spmem:s28], $0x800  }
0x61: {  	_ =	swait.ge [sflag:s19], $0x800  }
0x62: {  	[sflag:s19] =	ssyncset.done $0x0  }
0x63: {  	s29 =	sshrl.u32 s7, $0x3;
	[sflag:s19] =	ssyncadd.s32 $0xFFFFF800  }
0x64: {  	[hbm:s14], [sflag:s23] =	dma.local [spmem:s29], $0x800  }
0x65: {  	_ =	swait.ge [sflag:s19], $0x800  }
0x66: {  	[sflag:s19] =	ssyncset.done $0x0  }
0x67: {  	s30 =	sshrl.u32 s8, $0x3;
	[sflag:s19] =	ssyncadd.s32 $0xFFFFF800  }
0x68: {  	[hbm:s15], [sflag:s23] =	dma.local [spmem:s30], $0x800  }
0x69: {  	s3 =	sadd.s32 $0x1, s3;
	_ =	swait.ge [sflag:s19], $0x800  }
0x6a: {  	p0 =	sne.s32 s3, s17;
	[sflag:s19] =	ssyncset.done $0x0  }
.Ltmp2:
0x6b: {  	s31 =	sshrl.u32 s9, $0x3;
	[sflag:s19] =	ssyncadd.s32 $0xFFFFF800;
	(pc) =	sbr.rel @p0 .LBB2_1-.Ltmp2, $4  }
0x6c: {  	[hbm:s16], [sflag:s23] =	dma.local [spmem:s31], $0x800  }
0x6d: {  	_ =	swait.ge [sflag:s19], $0x800  }
0x6e: {  	[sflag:s19] =	ssyncset.done $0x0  }
0x6f: {  	[sflag:s19] =	ssyncadd.s32 $0xFFFFF800  }
0x70: {  	_ =	sfence.sel $0x180000  }
0x71: {  	[bflag:$0x0] =	sbarrier.arrive $0xFFFF  }
0x72: {  	p0 =	sne.s32 s0, $0x0;
	_ =	strace $0x9000004A  }
0x73: {  	s0 =	sadd.s32 @!p0 $0x100000, s1;
	[bflag:$0x2] =	sbarrier.arrive $0xFFFF  }
0x74: {  	[sflag:s0] =	ssyncadd.tile.s32 @!p0 $0x1;
	_ =	shalt  }
.Lfunc_end2:
_tile_overlayer_lowered:
.L_overlay_start_2:
0x75: {  	(tag) =	ssettag $0x2  }
0x76: {  	s0 =	rddreg [dreg:$0x0];
	s2 =	stileid.u32  }
0x77: {  	s1 =	rddreg [dreg:$0x1];
	p0 =	sne.s32 s2, $0x0  }
0x78: {  	s3 =	rddreg [dreg:$0x2];
	[bflag:$0x3] =	sbarrier.arrive $0xFFFF;
	s2 =	simm.s32 @!p0 $0x1C02  }
0x79: {  	[timem:s3], [sflag:s2] =	dma.local @!p0 [hbm:s0], s1  }
0x7a: {  	s0 =	simm.s32 @!p0 $0x2  }
0x7b: {  	_ =	swait.ge @!p0 [sflag:s0], s1  }
0x7c: {  	s1 =	ssub.s32 @!p0 $0x0, s1;
	[sflag:s0] =	ssyncset.done @!p0 $0x0  }
0x7d: {  	[sflag:s0] =	ssyncadd.s32 @!p0 s1  }
0x7e: {  	[bflag:$0x3] =	sbarrier.arrive $0xFFFF  }
0x7f: {  	_ =	shalt  }

// kernel: kernel.18.cloned.1.call-start
scs
__scs_entry_jumppad:
0x0: {  	(pc) =	sbr.rel $0x88, $3  }
0x1: {  	(tag) =	ssettag $0x0;
	lr =	simm.s32 $0x1  }
0x2: {  	[smem:$0x3F86] =	sst lr;
	_ =	strace $0xD0000000  }
0x3: {  	_ = 	snop  }
0x4: {  	_ = 	snop  }
0x5: {  	_ = 	snop  }
0x6: {  	_ = 	snop  }
0x7: {  	_ = 	snop  }
__scs_overlays_trampoline_lowered:
0x8: {  	[smem:$0x3F95] =	sst s0  }
0x9: {  	[smem:$0x3F96] =	sst s1  }
0xa: {  	[smem:$0x3F97] =	sst s2  }
0xb: {  	[smem:$0x3F98] =	sst s3  }
0xc: {  	[smem:$0x3F99] =	sst s4  }
0xd: {  	[smem:$0x3F9A] =	sst s5  }
0xe: {  	[smem:$0x3F9B] =	sst s6  }
0xf: {  	[smem:$0x3F9C] =	sst s7  }
0x10: {  	[smem:$0x3F9D] =	sst s8  }
0x11: {  	[smem:$0x3F9E] =	sst s9;
	s0 =	simm.s32 @!p0 $0x0  }
0x12: {  	s1 =	sld [smem:$0x3F84];
	s0 =	simm.s32 @p0 $0x1  }
0x13: {  	[smem:$0x3F9F] =	sst s0;
	s0 =	simm.s32 @!p1 $0x0  }
0x14: {  	s2 =	sld [smem:$0x3F83];
	s0 =	simm.s32 @p1 $0x1  }
0x15: {  	[smem:$0x3FA0] =	sst s0;
	s0 =	simm.s32 @!p2 $0x0  }
0x16: {  	s3 =	sld [smem:$0x3FDB];
	s0 =	simm.s32 @p2 $0x1  }
0x17: {  	s4 =	simm.s32 $0x1BF5;
	[smem:$0x3FA2] =	sst s0  }
0x18: {  	s0 =	sld [smem:$0x3F85];
	_ =	swait.ge [sflag:s4], $0x0  }
0x19: {  	s7 =	sld [smem:$0x3F86]  }
0x1a: {  	s8 =	sadd.s32 $0xFFFFE003, lr  }
0x1b: {  	s9 =	sadd.s32 $0xFFFFFEF7, lr;
	s5 =	simm.s32 $0xFFFFFFFF;
	p2 =	slt.u32 s8, $0xFFFFF086  }
0x1c: {  	p1 =	slt.u32 s9, $0xF7A;
	s5 =	simm.s32 @!p2 $0x0  }
0x1d: {  	s5 =	simm.s32 @p1 $0x1;
	p0 =	seq.s32 s7, s2  }
0x1e: {  	s7 =	smul.u32 @!p0 $0xF7A, s2;
	p2 =	seq.s32 @!p0 s5, $0x0  }
0x1f: {  	s9 =	smul.u32 $0xF7A, s1;
	s8 =	simm.s32 @!p0 $0x1BF5;
	p2 =	por !p2, p0  }
0x20: {  	[sflag:s8] =	ssyncset.s32 @!p0 $0xFFFFF086;
	s6 =	sadd.s32 @!p0 s3, s7;
	s7 =	simm.s32 @!p0 $0x108  }
0x21: {  	s3 =	sadd.s32 s3, s9;
	s6 =	sadd.s32 @!p0 $0x88, s6;
	s7 =	simm.s32 @p2 $0x1082  }
0x22: {  	[simem:s7], [sflag:s8] =	dma.local @!p0 [hbm:s6], $0xF7A  }
0x23: {  	s9 =	sor.u32 $0xD0000000, s2;
	s6 =	simm.s32 $0x108;
	_ =	swait.ge @!p0 [sflag:s8], $0x0  }
0x24: {  	s3 =	sadd.s32 $0x88, s3;
	s6 =	simm.s32 @!p1 $0x1082;
	[sflag:s4] =	ssyncset.s32 $0xFFFFF086  }
0x25: {  	[simem:s6], [sflag:s4] =	dma.local [hbm:s3], $0xF7A  }
0x26: {  	[smem:$0x3F86] =	sst s1;
	(tag) =	ssettag s2;
	_ =	strace s9  }
0x27: {  	s1 =	sld [smem:$0x3F96]  }
0x28: {  	s2 =	sld [smem:$0x3F97]  }
0x29: {  	s4 =	sld [smem:$0x3F99]  }
0x2a: {  	p0 =	seq.s32 s5, $0x0;
	s5 =	sld [smem:$0x3F9A]  }
0x2b: {  	s6 =	sld [smem:$0x3F9B]  }
0x2c: {  	s7 =	sld [smem:$0x3F9C]  }
0x2d: {  	s3 =	simm.s32 $0x108;
	s8 =	sld [smem:$0x3F9D]  }
0x2e: {  	s3 =	simm.s32 @!p0 $0x1082;
	s9 =	sld [smem:$0x3F9E]  }
0x2f: {  	lr =	sadd.s32 s0, s3;
	s0 =	sld [smem:$0x3F95]  }
0x30: {  	s3 =	sld [smem:$0x3F98]  }
0x31: {  	[smem:$0x3FA1] =	sst s10  }
0x32: {  	s10 =	sld [smem:$0x3F9F];
	_ =	sdelay $0x3  }
0x33: {  	p0 =	seq.s32 s10, $0x1;
	s10 =	sld [smem:$0x3FA1];
	_ =	sdelay $0x3  }
0x34: {  	[smem:$0x3FA1] =	sst s10  }
0x35: {  	s10 =	sld [smem:$0x3FA0];
	_ =	sdelay $0x3  }
0x36: {  	p1 =	seq.s32 s10, $0x1;
	s10 =	sld [smem:$0x3FA1];
	_ =	sdelay $0x3  }
0x37: {  	[smem:$0x3FA1] =	sst s10  }
0x38: {  	s10 =	sld [smem:$0x3FA2]  }
0x39: {  	_ = 	snop;
	(pc) =	sbr.ind lr, $3  }
0x3a: {  	_ = 	snop  }
0x3b: {  	_ = 	snop  }
0x3c: {  	p2 =	seq.s32 s10, $0x1;
	s10 =	sld [smem:$0x3FA1]  }
0x3d: {  	_ =	shalt  }
0x3e: {  	_ =	shalt  }
0x3f: {  	_ =	shalt  }
0x40: {  	_ =	shalt  }
0x41: {  	_ =	shalt  }
0x42: {  	_ =	shalt  }
0x43: {  	_ =	shalt  }
0x44: {  	_ =	shalt  }
0x45: {  	_ =	shalt  }
0x46: {  	_ =	shalt  }
0x47: {  	_ =	shalt  }
0x48: {  	_ =	shalt  }
0x49: {  	_ =	shalt  }
0x4a: {  	_ =	shalt  }
0x4b: {  	_ =	shalt  }
0x4c: {  	_ =	shalt  }
0x4d: {  	_ =	shalt  }
0x4e: {  	_ =	shalt  }
0x4f: {  	_ =	shalt  }
0x50: {  	_ =	shalt  }
0x51: {  	_ =	shalt  }
0x52: {  	_ =	shalt  }
0x53: {  	_ =	shalt  }
0x54: {  	_ =	shalt  }
0x55: {  	_ =	shalt  }
0x56: {  	_ =	shalt  }
0x57: {  	_ =	shalt  }
0x58: {  	_ =	shalt  }
0x59: {  	_ =	shalt  }
0x5a: {  	_ =	shalt  }
0x5b: {  	_ =	shalt  }
0x5c: {  	_ =	shalt  }
0x5d: {  	_ =	shalt  }
0x5e: {  	_ =	shalt  }
0x5f: {  	_ =	shalt  }
0x60: {  	_ =	shalt  }
0x61: {  	_ =	shalt  }
0x62: {  	_ =	shalt  }
0x63: {  	_ =	shalt  }
0x64: {  	_ =	shalt  }
0x65: {  	_ =	shalt  }
0x66: {  	_ =	shalt  }
0x67: {  	_ =	shalt  }
0x68: {  	_ =	shalt  }
0x69: {  	_ =	shalt  }
0x6a: {  	_ =	shalt  }
0x6b: {  	_ =	shalt  }
0x6c: {  	_ =	shalt  }
0x6d: {  	_ =	shalt  }
0x6e: {  	_ =	shalt  }
0x6f: {  	_ =	shalt  }
0x70: {  	_ =	shalt  }
0x71: {  	_ =	shalt  }
0x72: {  	_ =	shalt  }
0x73: {  	_ =	shalt  }
0x74: {  	_ =	shalt  }
0x75: {  	_ =	shalt  }
0x76: {  	_ =	shalt  }
0x77: {  	_ =	shalt  }
0x78: {  	_ =	shalt  }
0x79: {  	_ =	shalt  }
0x7a: {  	_ =	shalt  }
0x7b: {  	_ =	shalt  }
0x7c: {  	_ =	shalt  }
0x7d: {  	_ =	shalt  }
0x7e: {  	_ =	shalt  }
0x7f: {  	_ =	shalt  }
0x80: {  	_ =	shalt  }
0x81: {  	_ =	shalt  }
0x82: {  	_ =	shalt  }
0x83: {  	_ =	shalt  }
0x84: {  	_ =	shalt  }
0x85: {  	_ =	shalt  }
0x86: {  	_ =	shalt  }
0x87: {  	_ =	shalt  }
.Lfunc_end0:
.L_simem_size_0:
called_computation.2_lowered:
.L_overlay_start_0:
0x88: {  	s2 =	sld [smem:$0x3FD9]  }
0x89: {  	s3 =	sld [smem:$0x3FFE];
	_ =	sdelay $0x1  }
0x8a: {  	s1 =	srdreg.scid  }
0x8b: {  	s0 =	sand.u32 $0x1, s1  }
0x8c: {  	s16 =	sshll.u32 s0, $0xA;
	s2 =	sadd.s32 s3, s2  }
0x8d: {  	s2 =	sadd.s32 s2, s16  }
0x8e: {  	[smem:$0x3FAD] =	sst s2  }
0x8f: {  	_ = 	snop  }
0x90: {  	(tm) =	ssettm $0x1  }
0x91: {  	s17 =	sld [smem:$0x3FFB];
	_ =	sdelay $0x3  }
0x92: {  	_ =	strace s17  }
0x93: {  	s2 =	sld [smem:$0x3FFC];
	_ =	sdelay $0x3  }
0x94: {  	_ =	strace s2  }
0x95: {  	s2 =	sld [smem:$0x3FFD];
	_ =	sdelay $0x3  }
0x96: {  	_ =	strace s2  }
0x97: {  	_ =	strace $0x8FFFFFFF  }
0x98: {  	s18 =	sld [smem:$0x3FDB];
	_ =	sdelay $0x1  }
0x99: {  	s19 =	simm.s32 $_scs_section_size  }
0x9a: {  	s4 =	simm.s32 $_size__tile_overlayer_lowered;
	s5 =	simm.s32 $_tile_overlayer_lowered  }
0x9b: {  	s22 =	simm.s32 $0x1BFF;
	s21 =	sshll.u32 s5, $0x1;
	s2 =	sadd.s32 s19, s18  }
0x9c: {  	s6 =	simm.s32 $0x0;
	s20 =	sshll.u32 s4, $0x1;
	s4 =	sadd.s32 s21, s2  }
0x9d: {  	[timem:s6], [sflag:s22] =	dma.local [hbm:s4], s20  }
0x9e: {  	_ =	swait.ge [sflag:s22], s20  }
0x9f: {  	s3 =	ssub.s32 $0x0, s20;
	[sflag:s22] =	ssyncset.done $0x0  }
0xa0: {  	[sflag:s22] =	ssyncadd.s32 s3;
	_ =	sdelay $0x1  }
0xa1: {  	s23 =	simm.s32 $0x1B8B  }
0xa2: {  	_ =	swait.ge [sflag:s23], $0x1  }
0xa3: {  	[sflag:s23] =	ssyncset.done $0x0  }
0xa4: {  	s25 =	simm.s32 $0x1B8E;
	s24 =	sld [smem:$0x3FFE];
	[sflag:s23] =	ssyncadd.s32 $0xFFFFFFFF  }
0xa5: {  	s26 =	simm.s32 $execute0_lowered;
	[smem:$0x3FD2] =	sst s25  }
0xa6: {  	s4 =	sshll.u32 s26, $0x1;
	_ =	strace $0x8000004C;
	[dreg:$0x1] =	wrdreg $0xFFFFFFFF  }
0xa7: {  	s28 =	simm.s32 $_size_execute0_lowered;
	s2 =	sadd.s32 s2, s4;
	[dreg:$0x0] =	wrdreg $0x0  }
0xa8: {  	s4 =	sshll.u32 s28, $0x1;
	[dreg:$0x2] =	wrdreg s2  }
0xa9: {  	[dreg:$0x3] =	wrdreg s4  }
0xaa: {  	[dreg:$0x4] =	wrdreg $0xC0  }
0xab: {  	_ =	task [dreg:s6], $0x5FFFF  }
0xac: {  	[dreg:$0x1] =	wrdreg $0xFFFFFFFF  }
0xad: {  	[dreg:$0x0] =	wrdreg $0x60  }
0xae: {  	[dreg:$0x2] =	wrdreg s24  }
0xaf: {  	[dreg:$0x3] =	wrdreg $0x90000  }
0xb0: {  	[dreg:$0x4] =	wrdreg $0x9  }
0xb1: {  	_ =	task.clear_ibuf [dreg:s6], $0x5FFFF;
	_ =	strace $0x9000004C  }
0xb2: {  	s29 =	simm.s32 $0x9;
	_ =	strace $0x8000004E  }
0xb3: {  	_ =	swait.ge [sflag:s29], $0x1  }
0xb4: {  	[sflag:s29] =	ssyncadd.s32 $0xFFFFFFFF  }
0xb5: {  	_ =	strace $0x9000004E  }
0xb6: {  	_ =	sfence  }
0xb7: {  	s30 =	sld [smem:$0x0];
	_ =	sdelay $0x2  }
0xb8: {  	s31 =	sshll.u32 s1, $0xD;
	s1 =	sshrl.u32 s1, $0x2  }
0xb9: {  	s3 =	sand.u32 $0x4000, s31;
	s1 =	sadd.s32 s1, s30  }
0xba: {  	s0 =	sor.u32 s3, s0;
	s1 =	sshll.u32 s1, $0x11  }
0xbb: {  	s0 =	sor.u32 s1, s0  }
0xbc: {  	s0 =	sadd.s32 $0x8F2B, s0  }
0xbd: {  	[sflag:s0] =	ssyncadd.remote.s32 $0x1  }
0xbe: {  	_ =	sfence.sel $0xFFFF  }
0xbf: {  	[dreg:$0x0] =	wrdreg $0xFFFFFFFF;
	(pc) =	sbr.abs _section_cstart, $3  }
0xc0: {  	[dreg:$0x1] =	wrdreg $0xFFFFFFFF  }
0xc1: {  	_ =	task.clear_ibuf [dreg:s6], $0x2FFFF;
	_ =	strace $0x9FFFFFFF  }
0xc2: {  	(tm) =	ssettm $0x7FFFFFFF  }
0xc3: {  	_ =	shalt  }
tec
execute0_lowered:
.L_overlay_start_1:
0x0: {  	(tag) =	ssettag $0x1  }
0x1: {  	s1 =	srdreg.scid  }
0x2: {  	s0 =	stileid.u32;
	s5 =	rddreg [dreg:$0x0]  }
0x3: {  	s2 =	rddreg [dreg:$0x1];
	s3 =	simm.s32 $0x0;
	s21 =	simm.s32 $0x80  }
0x4: {  	s22 =	simm.s32 $0x1;
	s7 =	sand.u32 $0x1, s1;
	s1 =	rddreg [dreg:$0x2]  }
0x5: {  	s29 =	sshll.u32 s0, $0x1;
	[smem:$0x7FF] =	sst s3;
	s8 =	smul.u32 $0x50000, s0  }
0x6: {  	s10 =	smul.u32 $0x14000, s0;
	s16 =	sadd.s32 $0x92200, s5;
	s4 =	sor.u32 s7, s29  }
0x7: {  	_ =	strace $0x8000004D;
	s30 =	ssub.s32 $0x2, s7;
	s18 =	smul.u32 $0x140000, s7  }
0x8: {  	s6 =	smul.u32 $0x500, s4;
	s4 =	sadd.s32 $0x1A200, s5;
	s31 =	sshrl.u32 s30, $0x1  }
0x9: {  	s8 =	sshrl.u32 s8, $0x2;
	s12 =	sadd.s32 $0x4000, s10;
	s14 =	sadd.s32 $0x8000, s10  }
0xa: {  	s15 =	sadd.s32 $0xC000, s10;
	s19 =	sadd.s32 $0x10000, s10;
	s17 =	ssub.s32 s30, s31  }
0xb: {  	s7 =	sadd.s32 s14, s2;
	s9 =	sadd.s32 s19, s2;
	s13 =	sadd.s32 s10, s18  }
0xc: {  	s14 =	sadd.s32 s18, s14;
	s11 =	sadd.s32 s6, s5;
	s5 =	sadd.s32 s8, s2  }
0xd: {  	s6 =	sadd.s32 s12, s2;
	s8 =	sadd.s32 s15, s2;
	s12 =	sadd.s32 s18, s12  }
0xe: {  	s13 =	sshrl.u32 s13, $0x3;
	s15 =	sadd.s32 s18, s15;
	s18 =	sadd.s32 s18, s19  }
0xf: {  	s14 =	sshrl.u32 s14, $0x3;
	s17 =	smax.u32 s17, $0x1;
	s19 =	simm.s32 $0x2  }
0x10: {  	s10 =	sadd.s32 $0x6200, s11;
	s20 =	sshrl.u32 s12, $0x3;
	s11 =	sadd.s32 $0x10200, s11  }
0x11: {  	s12 =	sadd.s32 s16, s13;
	s15 =	sshrl.u32 s15, $0x3;
	s18 =	sshrl.u32 s18, $0x3  }
0x12: {  	s14 =	sadd.s32 s16, s14;
	s13 =	sadd.s32 s16, s20;
	s15 =	sadd.s32 s16, s15  }
0x13: {  	v0 =	vimm.f32 $0.0e+00;
	s16 =	sadd.s32 s16, s18;
	s18 =	simm.s32 $0x5000;
	s20 =	simm.s32 $0x2800  }
.LBB2_1:
0x14: {  	s23 =	simm.s32 $0x0;
	s24 =	simm.s32 $0x200  }
.LBB2_2:
0x15: {  	p0 =	sne.s32 s24, $0xFE00;
	[tilespmem:s23+$0x5070] =	vst v0  }
0x16: {  	[tilespmem:s23+$0x5000] =	vst v0  }
0x17: {  	[tilespmem:s23+$0x5010] =	vst v0  }
.Ltmp0:
0x18: {  	[tilespmem:s23+$0x5020] =	vst v0;
	(pc) =	sbr.rel @p0 .LBB2_2-.Ltmp0, $4  }
0x19: {  	[tilespmem:s23+$0x5030] =	vst v0  }
0x1a: {  	[tilespmem:s23+$0x5040] =	vst v0  }
0x1b: {  	[tilespmem:s23+$0x5050] =	vst v0  }
0x1c: {  	[tilespmem:s23+$0x5060] =	vst v0;
	s23 =	sshra.s32 s24, $0x2;
	s24 =	sadd.s32 $0x200, s24  }
0x1d: {  	[tilespmem:s23+$0x5070] =	vst v0  }
0x1e: {  	[tilespmem:s23+$0x5000] =	vst v0  }
0x1f: {  	[tilespmem:s23+$0x5010] =	vst v0  }
0x20: {  	[tilespmem:s23+$0x5020] =	vst v0  }
0x21: {  	[tilespmem:s23+$0x5030] =	vst v0  }
0x22: {  	[tilespmem:s23+$0x5040] =	vst v0  }
0x23: {  	[tilespmem:s23+$0x5050] =	vst v0  }
0x24: {  	[tilespmem:s23+$0x5060] =	vst v0  }
0x25: {  	[spmem:s5] =	stream.linear.scatter [tilespmem:s18], [sflag:$0x2], $0x4000, $0x38;
	[tilespmem:$0x1D000] =	vst v63  }
0x26: {  	_ =	swait.ge [sflag:s19], $0x4000  }
0x27: {  	[sflag:s19] =	ssyncset.done $0x0  }
0x28: {  	[sflag:s19] =	ssyncadd.s32 $0xFFFFC000  }
0x29: {  	[spmem:s6] =	stream.linear.scatter [tilespmem:s18], [sflag:$0x2], $0x4000, $0x38;
	[tilespmem:$0x1D000] =	vst v63  }
0x2a: {  	_ =	swait.ge [sflag:s19], $0x4000  }
0x2b: {  	[sflag:s19] =	ssyncset.done $0x0  }
0x2c: {  	[sflag:s19] =	ssyncadd.s32 $0xFFFFC000  }
0x2d: {  	[spmem:s7] =	stream.linear.scatter [tilespmem:s18], [sflag:$0x2], $0x4000, $0x38;
	[tilespmem:$0x1D000] =	vst v63  }
0x2e: {  	_ =	swait.ge [sflag:s19], $0x4000  }
0x2f: {  	[sflag:s19] =	ssyncset.done $0x0  }
0x30: {  	[sflag:s19] =	ssyncadd.s32 $0xFFFFC000  }
0x31: {  	[spmem:s8] =	stream.linear.scatter [tilespmem:s18], [sflag:$0x2], $0x4000, $0x38;
	[tilespmem:$0x1D000] =	vst v63  }
0x32: {  	_ =	swait.ge [sflag:s19], $0x4000  }
0x33: {  	[sflag:s19] =	ssyncset.done $0x0  }
0x34: {  	[sflag:s19] =	ssyncadd.s32 $0xFFFFC000  }
0x35: {  	[spmem:s9] =	stream.linear.scatter [tilespmem:s18], [sflag:$0x2], $0x4000, $0x38;
	[tilespmem:$0x1D000] =	vst v63  }
0x36: {  	_ =	swait.ge [sflag:s19], $0x4000  }
0x37: {  	[sflag:s19] =	ssyncset.done $0x0  }
0x38: {  	[sflag:s19] =	ssyncadd.s32 $0xFFFFC000  }
0x39: {  	s29 =	simm.s32 $0x0;
	[bflag:$0x0] =	sbarrier.arrive $0xFFFF  }
0x3a: {  	[tilespmem:s29], [sflag:$0x2] =	stream.linear.gather [hbm4b:s10+s29], $0x2780, $0x38;
	[tilespmem:$0x1D000] =	vst v63  }
0x3b: {  	_ =	swait.ge [sflag:s19], $0x2780  }
0x3c: {  	[sflag:s19] =	ssyncset.done $0x0  }
0x3d: {  	[sflag:s19] =	ssyncadd.s32 $0xFFFFD880  }
0x3e: {  	[tilespmem:s20], [sflag:$0x2] =	stream.linear.gather [hbm4b:s11+s29], $0x2780, $0x38;
	[tilespmem:$0x1D000] =	vst v63  }
0x3f: {  	_ =	swait.ge [sflag:s19], $0x2780  }
0x40: {  	[sflag:s19] =	ssyncset.done $0x0  }
0x41: {  	s30 =	simm.s32 $0x0;
	[sflag:s19] =	ssyncadd.s32 $0xFFFFD880  }
0x42: {  	[tilespmem:s18], [sflag:$0x1] =	stream.indirect.gather [hbm4b:s4+s21], $0x80, s30, s21, $0xb8;
	[tilespmem:$0x1D000] =	vst v63  }
0x43: {  	_ =	swait.ge [sflag:s22], $0x4000  }
0x44: {  	[sflag:s22] =	ssyncset.done $0x0  }
0x45: {  	s31 =	simm.s32 $0x2800;
	[sflag:s22] =	ssyncadd.s32 $0xFFFFC000  }
0x46: {  	[spmem:s2] =	stream.indirect.scatter.add.f32 [tilespmem:s18], [sflag:$0x2], $0x80, s31, s21, $0xb8;
	[tilespmem:$0x1D000] =	vst v63  }
0x47: {  	_ =	swait.ge [sflag:s19], $0x4000  }
0x48: {  	s23 =	simm.s32 $0x200;
	s24 =	simm.s32 $0x400;
	[sflag:s19] =	ssyncset.done $0x0  }
.LBB2_4:
0x49: {  	s25 =	sshra.s32 s23, $0x2  }
0x4a: {  	[sflag:s19] =	ssyncadd.s32 $0xFFFFC000;
	s23 =	smov.u32 s24;
	s26 =	sadd.s32 $0x200, s24  }
0x4b: {  	[tilespmem:s18], [sflag:$0x1] =	stream.indirect.gather [hbm4b:s4+s21], $0x80, s25, s21, $0xb8;
	[tilespmem:$0x1D000] =	vst v63  }
0x4c: {  	p0 =	sne.s32 s24, $0x9C00;
	_ =	swait.ge [sflag:s22], $0x4000  }
.Ltmp1:
0x4d: {  	[sflag:s22] =	ssyncset.done $0x0;
	(pc) =	sbr.rel @p0 .LBB2_4-.Ltmp1, $4  }
0x4e: {  	s24 =	sadd.s32 $0x2800, s25;
	[sflag:s22] =	ssyncadd.s32 $0xFFFFC000  }
0x4f: {  	[spmem:s2] =	stream.indirect.scatter.add.f32 [tilespmem:s18], [sflag:$0x2], $0x80, s24, s21, $0xb8;
	[tilespmem:$0x1D000] =	vst v63  }
0x50: {  	_ =	swait.ge [sflag:s19], $0x4000  }
0x51: {  	s24 =	smov.u32 s26;
	[sflag:s19] =	ssyncset.done $0x0  }
0x52: {  	s23 =	sshra.s32 s23, $0x2;
	[sflag:s19] =	ssyncadd.s32 $0xFFFFC000  }
0x53: {  	[tilespmem:s18], [sflag:$0x1] =	stream.indirect.gather [hbm4b:s4+s21], $0x80, s23, s21, $0xb8;
	[tilespmem:$0x1D000] =	vst v63  }
0x54: {  	_ =	swait.ge [sflag:s22], $0x4000  }
0x55: {  	[sflag:s22] =	ssyncset.done $0x0  }
0x56: {  	s23 =	sadd.s32 $0x2800, s23;
	[sflag:s22] =	ssyncadd.s32 $0xFFFFC000  }
0x57: {  	[spmem:s2] =	stream.indirect.scatter.add.f32 [tilespmem:s18], [sflag:$0x2], $0x80, s23, s21, $0xb8;
	[tilespmem:$0x1D000] =	vst v63  }
0x58: {  	_ =	swait.ge [sflag:s19], $0x4000  }
0x59: {  	[sflag:s19] =	ssyncset.done $0x0  }
0x5a: {  	s26 =	sshll.u32 s0, $0x6;
	[sflag:s19] =	ssyncadd.s32 $0xFFFFC000  }
0x5b: {  	s24 =	sshrl.u32 s5, $0x3;
	s23 =	sor.u32 $0x1C02, s26;
	[bflag:$0x0] =	sbarrier.arrive $0xFFFF  }
0x5c: {  	[hbm:s12], [sflag:s23] =	dma.local [spmem:s24], $0x800  }
0x5d: {  	_ =	swait.ge [sflag:s19], $0x800  }
0x5e: {  	[sflag:s19] =	ssyncset.done $0x0  }
0x5f: {  	s28 =	sshrl.u32 s6, $0x3;
	[sflag:s19] =	ssyncadd.s32 $0xFFFFF800  }
0x60: {  	[hbm:s13], [sflag:s23] =	dma.local [spmem:s28], $0x800  }
0x61: {  	_ =	swait.ge [sflag:s19], $0x800  }
0x62: {  	[sflag:s19] =	ssyncset.done $0x0  }
0x63: {  	s29 =	sshrl.u32 s7, $0x3;
	[sflag:s19] =	ssyncadd.s32 $0xFFFFF800  }
0x64: {  	[hbm:s14], [sflag:s23] =	dma.local [spmem:s29], $0x800  }
0x65: {  	_ =	swait.ge [sflag:s19], $0x800  }
0x66: {  	[sflag:s19] =	ssyncset.done $0x0  }
0x67: {  	s30 =	sshrl.u32 s8, $0x3;
	[sflag:s19] =	ssyncadd.s32 $0xFFFFF800  }
0x68: {  	[hbm:s15], [sflag:s23] =	dma.local [spmem:s30], $0x800  }
0x69: {  	s3 =	sadd.s32 $0x1, s3;
	_ =	swait.ge [sflag:s19], $0x800  }
0x6a: {  	p0 =	sne.s32 s3, s17;
	[sflag:s19] =	ssyncset.done $0x0  }
.Ltmp2:
0x6b: {  	s31 =	sshrl.u32 s9, $0x3;
	[sflag:s19] =	ssyncadd.s32 $0xFFFFF800;
	(pc) =	sbr.rel @p0 .LBB2_1-.Ltmp2, $4  }
0x6c: {  	[hbm:s16], [sflag:s23] =	dma.local [spmem:s31], $0x800  }
0x6d: {  	_ =	swait.ge [sflag:s19], $0x800  }
0x6e: {  	[sflag:s19] =	ssyncset.done $0x0  }
0x6f: {  	[sflag:s19] =	ssyncadd.s32 $0xFFFFF800  }
0x70: {  	_ =	sfence.sel $0x180000  }
0x71: {  	[bflag:$0x0] =	sbarrier.arrive $0xFFFF  }
0x72: {  	p0 =	sne.s32 s0, $0x0;
	_ =	strace $0x9000004D  }
0x73: {  	s0 =	sadd.s32 @!p0 $0x100000, s1;
	[bflag:$0x2] =	sbarrier.arrive $0xFFFF  }
0x74: {  	[sflag:s0] =	ssyncadd.tile.s32 @!p0 $0x1;
	_ =	shalt  }
.Lfunc_end2:
_tile_overlayer_lowered:
.L_overlay_start_2:
0x75: {  	(tag) =	ssettag $0x2  }
0x76: {  	s0 =	rddreg [dreg:$0x0];
	s2 =	stileid.u32  }
0x77: {  	s1 =	rddreg [dreg:$0x1];
	p0 =	sne.s32 s2, $0x0  }
0x78: {  	s3 =	rddreg [dreg:$0x2];
	[bflag:$0x3] =	sbarrier.arrive $0xFFFF;
	s2 =	simm.s32 @!p0 $0x1C02  }
0x79: {  	[timem:s3], [sflag:s2] =	dma.local @!p0 [hbm:s0], s1  }
0x7a: {  	s0 =	simm.s32 @!p0 $0x2  }
0x7b: {  	_ =	swait.ge @!p0 [sflag:s0], s1  }
0x7c: {  	s1 =	ssub.s32 @!p0 $0x0, s1;
	[sflag:s0] =	ssyncset.done @!p0 $0x0  }
0x7d: {  	[sflag:s0] =	ssyncadd.s32 @!p0 s1  }
0x7e: {  	[bflag:$0x3] =	sbarrier.arrive $0xFFFF  }
0x7f: {  	_ =	shalt  }

// kernel: kernel.21.cloned.1.call-start
scs
__scs_entry_jumppad:
0x0: {  	(pc) =	sbr.rel $0x88, $3  }
0x1: {  	(tag) =	ssettag $0x0;
	lr =	simm.s32 $0x1  }
0x2: {  	[smem:$0x3F86] =	sst lr;
	_ =	strace $0xD0000000  }
0x3: {  	_ = 	snop  }
0x4: {  	_ = 	snop  }
0x5: {  	_ = 	snop  }
0x6: {  	_ = 	snop  }
0x7: {  	_ = 	snop  }
__scs_overlays_trampoline_lowered:
0x8: {  	[smem:$0x3F95] =	sst s0  }
0x9: {  	[smem:$0x3F96] =	sst s1  }
0xa: {  	[smem:$0x3F97] =	sst s2  }
0xb: {  	[smem:$0x3F98] =	sst s3  }
0xc: {  	[smem:$0x3F99] =	sst s4  }
0xd: {  	[smem:$0x3F9A] =	sst s5  }
0xe: {  	[smem:$0x3F9B] =	sst s6  }
0xf: {  	[smem:$0x3F9C] =	sst s7  }
0x10: {  	[smem:$0x3F9D] =	sst s8  }
0x11: {  	[smem:$0x3F9E] =	sst s9;
	s0 =	simm.s32 @!p0 $0x0  }
0x12: {  	s1 =	sld [smem:$0x3F84];
	s0 =	simm.s32 @p0 $0x1  }
0x13: {  	[smem:$0x3F9F] =	sst s0;
	s0 =	simm.s32 @!p1 $0x0  }
0x14: {  	s2 =	sld [smem:$0x3F83];
	s0 =	simm.s32 @p1 $0x1  }
0x15: {  	[smem:$0x3FA0] =	sst s0;
	s0 =	simm.s32 @!p2 $0x0  }
0x16: {  	s3 =	sld [smem:$0x3FDB];
	s0 =	simm.s32 @p2 $0x1  }
0x17: {  	s4 =	simm.s32 $0x1BF5;
	[smem:$0x3FA2] =	sst s0  }
0x18: {  	s0 =	sld [smem:$0x3F85];
	_ =	swait.ge [sflag:s4], $0x0  }
0x19: {  	s7 =	sld [smem:$0x3F86]  }
0x1a: {  	s8 =	sadd.s32 $0xFFFFE003, lr  }
0x1b: {  	s9 =	sadd.s32 $0xFFFFFEF7, lr;
	s5 =	simm.s32 $0xFFFFFFFF;
	p2 =	slt.u32 s8, $0xFFFFF086  }
0x1c: {  	p1 =	slt.u32 s9, $0xF7A;
	s5 =	simm.s32 @!p2 $0x0  }
0x1d: {  	s5 =	simm.s32 @p1 $0x1;
	p0 =	seq.s32 s7, s2  }
0x1e: {  	s7 =	smul.u32 @!p0 $0xF7A, s2;
	p2 =	seq.s32 @!p0 s5, $0x0  }
0x1f: {  	s9 =	smul.u32 $0xF7A, s1;
	s8 =	simm.s32 @!p0 $0x1BF5;
	p2 =	por !p2, p0  }
0x20: {  	[sflag:s8] =	ssyncset.s32 @!p0 $0xFFFFF086;
	s6 =	sadd.s32 @!p0 s3, s7;
	s7 =	simm.s32 @!p0 $0x108  }
0x21: {  	s3 =	sadd.s32 s3, s9;
	s6 =	sadd.s32 @!p0 $0x88, s6;
	s7 =	simm.s32 @p2 $0x1082  }
0x22: {  	[simem:s7], [sflag:s8] =	dma.local @!p0 [hbm:s6], $0xF7A  }
0x23: {  	s9 =	sor.u32 $0xD0000000, s2;
	s6 =	simm.s32 $0x108;
	_ =	swait.ge @!p0 [sflag:s8], $0x0  }
0x24: {  	s3 =	sadd.s32 $0x88, s3;
	s6 =	simm.s32 @!p1 $0x1082;
	[sflag:s4] =	ssyncset.s32 $0xFFFFF086  }
0x25: {  	[simem:s6], [sflag:s4] =	dma.local [hbm:s3], $0xF7A  }
0x26: {  	[smem:$0x3F86] =	sst s1;
	(tag) =	ssettag s2;
	_ =	strace s9  }
0x27: {  	s1 =	sld [smem:$0x3F96]  }
0x28: {  	s2 =	sld [smem:$0x3F97]  }
0x29: {  	s4 =	sld [smem:$0x3F99]  }
0x2a: {  	p0 =	seq.s32 s5, $0x0;
	s5 =	sld [smem:$0x3F9A]  }
0x2b: {  	s6 =	sld [smem:$0x3F9B]  }
0x2c: {  	s7 =	sld [smem:$0x3F9C]  }
0x2d: {  	s3 =	simm.s32 $0x108;
	s8 =	sld [smem:$0x3F9D]  }
0x2e: {  	s3 =	simm.s32 @!p0 $0x1082;
	s9 =	sld [smem:$0x3F9E]  }
0x2f: {  	lr =	sadd.s32 s0, s3;
	s0 =	sld [smem:$0x3F95]  }
0x30: {  	s3 =	sld [smem:$0x3F98]  }
0x31: {  	[smem:$0x3FA1] =	sst s10  }
0x32: {  	s10 =	sld [smem:$0x3F9F];
	_ =	sdelay $0x3  }
0x33: {  	p0 =	seq.s32 s10, $0x1;
	s10 =	sld [smem:$0x3FA1];
	_ =	sdelay $0x3  }
0x34: {  	[smem:$0x3FA1] =	sst s10  }
0x35: {  	s10 =	sld [smem:$0x3FA0];
	_ =	sdelay $0x3  }
0x36: {  	p1 =	seq.s32 s10, $0x1;
	s10 =	sld [smem:$0x3FA1];
	_ =	sdelay $0x3  }
0x37: {  	[smem:$0x3FA1] =	sst s10  }
0x38: {  	s10 =	sld [smem:$0x3FA2]  }
0x39: {  	_ = 	snop;
	(pc) =	sbr.ind lr, $3  }
0x3a: {  	_ = 	snop  }
0x3b: {  	_ = 	snop  }
0x3c: {  	p2 =	seq.s32 s10, $0x1;
	s10 =	sld [smem:$0x3FA1]  }
0x3d: {  	_ =	shalt  }
0x3e: {  	_ =	shalt  }
0x3f: {  	_ =	shalt  }
0x40: {  	_ =	shalt  }
0x41: {  	_ =	shalt  }
0x42: {  	_ =	shalt  }
0x43: {  	_ =	shalt  }
0x44: {  	_ =	shalt  }
0x45: {  	_ =	shalt  }
0x46: {  	_ =	shalt  }
0x47: {  	_ =	shalt  }
0x48: {  	_ =	shalt  }
0x49: {  	_ =	shalt  }
0x4a: {  	_ =	shalt  }
0x4b: {  	_ =	shalt  }
0x4c: {  	_ =	shalt  }
0x4d: {  	_ =	shalt  }
0x4e: {  	_ =	shalt  }
0x4f: {  	_ =	shalt  }
0x50: {  	_ =	shalt  }
0x51: {  	_ =	shalt  }
0x52: {  	_ =	shalt  }
0x53: {  	_ =	shalt  }
0x54: {  	_ =	shalt  }
0x55: {  	_ =	shalt  }
0x56: {  	_ =	shalt  }
0x57: {  	_ =	shalt  }
0x58: {  	_ =	shalt  }
0x59: {  	_ =	shalt  }
0x5a: {  	_ =	shalt  }
0x5b: {  	_ =	shalt  }
0x5c: {  	_ =	shalt  }
0x5d: {  	_ =	shalt  }
0x5e: {  	_ =	shalt  }
0x5f: {  	_ =	shalt  }
0x60: {  	_ =	shalt  }
0x61: {  	_ =	shalt  }
0x62: {  	_ =	shalt  }
0x63: {  	_ =	shalt  }
0x64: {  	_ =	shalt  }
0x65: {  	_ =	shalt  }
0x66: {  	_ =	shalt  }
0x67: {  	_ =	shalt  }
0x68: {  	_ =	shalt  }
0x69: {  	_ =	shalt  }
0x6a: {  	_ =	shalt  }
0x6b: {  	_ =	shalt  }
0x6c: {  	_ =	shalt  }
0x6d: {  	_ =	shalt  }
0x6e: {  	_ =	shalt  }
0x6f: {  	_ =	shalt  }
0x70: {  	_ =	shalt  }
0x71: {  	_ =	shalt  }
0x72: {  	_ =	shalt  }
0x73: {  	_ =	shalt  }
0x74: {  	_ =	shalt  }
0x75: {  	_ =	shalt  }
0x76: {  	_ =	shalt  }
0x77: {  	_ =	shalt  }
0x78: {  	_ =	shalt  }
0x79: {  	_ =	shalt  }
0x7a: {  	_ =	shalt  }
0x7b: {  	_ =	shalt  }
0x7c: {  	_ =	shalt  }
0x7d: {  	_ =	shalt  }
0x7e: {  	_ =	shalt  }
0x7f: {  	_ =	shalt  }
0x80: {  	_ =	shalt  }
0x81: {  	_ =	shalt  }
0x82: {  	_ =	shalt  }
0x83: {  	_ =	shalt  }
0x84: {  	_ =	shalt  }
0x85: {  	_ =	shalt  }
0x86: {  	_ =	shalt  }
0x87: {  	_ =	shalt  }
.Lfunc_end0:
.L_simem_size_0:
called_computation.3_lowered:
.L_overlay_start_0:
0x88: {  	s2 =	sld [smem:$0x3FD9]  }
0x89: {  	s3 =	sld [smem:$0x3FFE];
	_ =	sdelay $0x1  }
0x8a: {  	s1 =	srdreg.scid  }
0x8b: {  	s0 =	sand.u32 $0x1, s1  }
0x8c: {  	s16 =	sshll.u32 s0, $0xA;
	s2 =	sadd.s32 s3, s2  }
0x8d: {  	s2 =	sadd.s32 s2, s16  }
0x8e: {  	[smem:$0x3FAD] =	sst s2  }
0x8f: {  	_ = 	snop  }
0x90: {  	(tm) =	ssettm $0x1  }
0x91: {  	s17 =	sld [smem:$0x3FFB];
	_ =	sdelay $0x3  }
0x92: {  	_ =	strace s17  }
0x93: {  	s2 =	sld [smem:$0x3FFC];
	_ =	sdelay $0x3  }
0x94: {  	_ =	strace s2  }
0x95: {  	s2 =	sld [smem:$0x3FFD];
	_ =	sdelay $0x3  }
0x96: {  	_ =	strace s2  }
0x97: {  	_ =	strace $0x8FFFFFFF  }
0x98: {  	s18 =	sld [smem:$0x3FDB];
	_ =	sdelay $0x1  }
0x99: {  	s19 =	simm.s32 $_scs_section_size  }
0x9a: {  	s4 =	simm.s32 $_size__tile_overlayer_lowered;
	s5 =	simm.s32 $_tile_overlayer_lowered  }
0x9b: {  	s22 =	simm.s32 $0x1BFF;
	s21 =	sshll.u32 s5, $0x1;
	s2 =	sadd.s32 s19, s18  }
0x9c: {  	s6 =	simm.s32 $0x0;
	s20 =	sshll.u32 s4, $0x1;
	s4 =	sadd.s32 s21, s2  }
0x9d: {  	[timem:s6], [sflag:s22] =	dma.local [hbm:s4], s20  }
0x9e: {  	_ =	swait.ge [sflag:s22], s20  }
0x9f: {  	s3 =	ssub.s32 $0x0, s20;
	[sflag:s22] =	ssyncset.done $0x0  }
0xa0: {  	[sflag:s22] =	ssyncadd.s32 s3;
	_ =	sdelay $0x1  }
0xa1: {  	s23 =	simm.s32 $0x1B8B  }
0xa2: {  	_ =	swait.ge [sflag:s23], $0x1  }
0xa3: {  	[sflag:s23] =	ssyncset.done $0x0  }
0xa4: {  	s25 =	simm.s32 $0x1B8E;
	s24 =	sld [smem:$0x3FFE];
	[sflag:s23] =	ssyncadd.s32 $0xFFFFFFFF  }
0xa5: {  	s26 =	simm.s32 $execute0_lowered;
	[smem:$0x3FD2] =	sst s25  }
0xa6: {  	s4 =	sshll.u32 s26, $0x1;
	_ =	strace $0x8000004F;
	[dreg:$0x1] =	wrdreg $0xFFFFFFFF  }
0xa7: {  	s28 =	simm.s32 $_size_execute0_lowered;
	s2 =	sadd.s32 s2, s4;
	[dreg:$0x0] =	wrdreg $0x0  }
0xa8: {  	s4 =	sshll.u32 s28, $0x1;
	[dreg:$0x2] =	wrdreg s2  }
0xa9: {  	[dreg:$0x3] =	wrdreg s4  }
0xaa: {  	[dreg:$0x4] =	wrdreg $0xC0  }
0xab: {  	_ =	task [dreg:s6], $0x5FFFF  }
0xac: {  	[dreg:$0x1] =	wrdreg $0xFFFFFFFF  }
0xad: {  	[dreg:$0x0] =	wrdreg $0x60  }
0xae: {  	[dreg:$0x2] =	wrdreg s24  }
0xaf: {  	[dreg:$0x3] =	wrdreg $0x90000  }
0xb0: {  	[dreg:$0x4] =	wrdreg $0x9  }
0xb1: {  	_ =	task.clear_ibuf [dreg:s6], $0x5FFFF;
	_ =	strace $0x9000004F  }
0xb2: {  	s29 =	simm.s32 $0x9;
	_ =	strace $0x80000051  }
0xb3: {  	_ =	swait.ge [sflag:s29], $0x1  }
0xb4: {  	[sflag:s29] =	ssyncadd.s32 $0xFFFFFFFF  }
0xb5: {  	_ =	strace $0x90000051  }
0xb6: {  	_ =	sfence  }
0xb7: {  	s30 =	sld [smem:$0x0];
	_ =	sdelay $0x2  }
0xb8: {  	s31 =	sshll.u32 s1, $0xD;
	s1 =	sshrl.u32 s1, $0x2  }
0xb9: {  	s3 =	sand.u32 $0x4000, s31;
	s1 =	sadd.s32 s1, s30  }
0xba: {  	s0 =	sor.u32 s3, s0;
	s1 =	sshll.u32 s1, $0x11  }
0xbb: {  	s0 =	sor.u32 s1, s0  }
0xbc: {  	s0 =	sadd.s32 $0x8F2B, s0  }
0xbd: {  	[sflag:s0] =	ssyncadd.remote.s32 $0x1  }
0xbe: {  	_ =	sfence.sel $0xFFFF  }
0xbf: {  	[dreg:$0x0] =	wrdreg $0xFFFFFFFF;
	(pc) =	sbr.abs _section_cstart, $3  }
0xc0: {  	[dreg:$0x1] =	wrdreg $0xFFFFFFFF  }
0xc1: {  	_ =	task.clear_ibuf [dreg:s6], $0x2FFFF;
	_ =	strace $0x9FFFFFFF  }
0xc2: {  	(tm) =	ssettm $0x7FFFFFFF  }
0xc3: {  	_ =	shalt  }
tec
execute0_lowered:
.L_overlay_start_1:
0x0: {  	(tag) =	ssettag $0x1  }
0x1: {  	s1 =	srdreg.scid  }
0x2: {  	s0 =	stileid.u32;
	s5 =	rddreg [dreg:$0x0]  }
0x3: {  	s2 =	rddreg [dreg:$0x1];
	s3 =	simm.s32 $0x0;
	s21 =	simm.s32 $0x80  }
0x4: {  	s22 =	simm.s32 $0x1;
	s7 =	sand.u32 $0x1, s1;
	s1 =	rddreg [dreg:$0x2]  }
0x5: {  	s29 =	sshll.u32 s0, $0x1;
	[smem:$0x7FF] =	sst s3;
	s8 =	smul.u32 $0x50000, s0  }
0x6: {  	s10 =	smul.u32 $0x14000, s0;
	s16 =	sadd.s32 $0x92200, s5;
	s4 =	sor.u32 s7, s29  }
0x7: {  	_ =	strace $0x80000050;
	s30 =	ssub.s32 $0x2, s7;
	s18 =	smul.u32 $0x140000, s7  }
0x8: {  	s6 =	smul.u32 $0x500, s4;
	s4 =	sadd.s32 $0x1A200, s5;
	s31 =	sshrl.u32 s30, $0x1  }
0x9: {  	s8 =	sshrl.u32 s8, $0x2;
	s12 =	sadd.s32 $0x4000, s10;
	s14 =	sadd.s32 $0x8000, s10  }
0xa: {  	s15 =	sadd.s32 $0xC000, s10;
	s19 =	sadd.s32 $0x10000, s10;
	s17 =	ssub.s32 s30, s31  }
0xb: {  	s7 =	sadd.s32 s14, s2;
	s9 =	sadd.s32 s19, s2;
	s13 =	sadd.s32 s10, s18  }
0xc: {  	s14 =	sadd.s32 s18, s14;
	s11 =	sadd.s32 s6, s5;
	s5 =	sadd.s32 s8, s2  }
0xd: {  	s6 =	sadd.s32 s12, s2;
	s8 =	sadd.s32 s15, s2;
	s12 =	sadd.s32 s18, s12  }
0xe: {  	s13 =	sshrl.u32 s13, $0x3;
	s15 =	sadd.s32 s18, s15;
	s18 =	sadd.s32 s18, s19  }
0xf: {  	s14 =	sshrl.u32 s14, $0x3;
	s17 =	smax.u32 s17, $0x1;
	s19 =	simm.s32 $0x2  }
0x10: {  	s10 =	sadd.s32 $0x6200, s11;
	s20 =	sshrl.u32 s12, $0x3;
	s11 =	sadd.s32 $0x10200, s11  }
0x11: {  	s12 =	sadd.s32 s16, s13;
	s15 =	sshrl.u32 s15, $0x3;
	s18 =	sshrl.u32 s18, $0x3  }
0x12: {  	s14 =	sadd.s32 s16, s14;
	s13 =	sadd.s32 s16, s20;
	s15 =	sadd.s32 s16, s15  }
0x13: {  	v0 =	vimm.f32 $0.0e+00;
	s16 =	sadd.s32 s16, s18;
	s18 =	simm.s32 $0x5000;
	s20 =	simm.s32 $0x2800  }
.LBB2_1:
0x14: {  	s23 =	simm.s32 $0x0;
	s24 =	simm.s32 $0x200  }
.LBB2_2:
0x15: {  	p0 =	sne.s32 s24, $0xFE00;
	[tilespmem:s23+$0x5070] =	vst v0  }
0x16: {  	[tilespmem:s23+$0x5000] =	vst v0  }
0x17: {  	[tilespmem:s23+$0x5010] =	vst v0  }
.Ltmp0:
0x18: {  	[tilespmem:s23+$0x5020] =	vst v0;
	(pc) =	sbr.rel @p0 .LBB2_2-.Ltmp0, $4  }
0x19: {  	[tilespmem:s23+$0x5030] =	vst v0  }
0x1a: {  	[tilespmem:s23+$0x5040] =	vst v0  }
0x1b: {  	[tilespmem:s23+$0x5050] =	vst v0  }
0x1c: {  	[tilespmem:s23+$0x5060] =	vst v0;
	s23 =	sshra.s32 s24, $0x2;
	s24 =	sadd.s32 $0x200, s24  }
0x1d: {  	[tilespmem:s23+$0x5070] =	vst v0  }
0x1e: {  	[tilespmem:s23+$0x5000] =	vst v0  }
0x1f: {  	[tilespmem:s23+$0x5010] =	vst v0  }
0x20: {  	[tilespmem:s23+$0x5020] =	vst v0  }
0x21: {  	[tilespmem:s23+$0x5030] =	vst v0  }
0x22: {  	[tilespmem:s23+$0x5040] =	vst v0  }
0x23: {  	[tilespmem:s23+$0x5050] =	vst v0  }
0x24: {  	[tilespmem:s23+$0x5060] =	vst v0  }
0x25: {  	[spmem:s5] =	stream.linear.scatter [tilespmem:s18], [sflag:$0x2], $0x4000, $0x38;
	[tilespmem:$0x1D000] =	vst v63  }
0x26: {  	_ =	swait.ge [sflag:s19], $0x4000  }
0x27: {  	[sflag:s19] =	ssyncset.done $0x0  }
0x28: {  	[sflag:s19] =	ssyncadd.s32 $0xFFFFC000  }
0x29: {  	[spmem:s6] =	stream.linear.scatter [tilespmem:s18], [sflag:$0x2], $0x4000, $0x38;
	[tilespmem:$0x1D000] =	vst v63  }
0x2a: {  	_ =	swait.ge [sflag:s19], $0x4000  }
0x2b: {  	[sflag:s19] =	ssyncset.done $0x0  }
0x2c: {  	[sflag:s19] =	ssyncadd.s32 $0xFFFFC000  }
0x2d: {  	[spmem:s7] =	stream.linear.scatter [tilespmem:s18], [sflag:$0x2], $0x4000, $0x38;
	[tilespmem:$0x1D000] =	vst v63  }
0x2e: {  	_ =	swait.ge [sflag:s19], $0x4000  }
0x2f: {  	[sflag:s19] =	ssyncset.done $0x0  }
0x30: {  	[sflag:s19] =	ssyncadd.s32 $0xFFFFC000  }
0x31: {  	[spmem:s8] =	stream.linear.scatter [tilespmem:s18], [sflag:$0x2], $0x4000, $0x38;
	[tilespmem:$0x1D000] =	vst v63  }
0x32: {  	_ =	swait.ge [sflag:s19], $0x4000  }
0x33: {  	[sflag:s19] =	ssyncset.done $0x0  }
0x34: {  	[sflag:s19] =	ssyncadd.s32 $0xFFFFC000  }
0x35: {  	[spmem:s9] =	stream.linear.scatter [tilespmem:s18], [sflag:$0x2], $0x4000, $0x38;
	[tilespmem:$0x1D000] =	vst v63  }
0x36: {  	_ =	swait.ge [sflag:s19], $0x4000  }
0x37: {  	[sflag:s19] =	ssyncset.done $0x0  }
0x38: {  	[sflag:s19] =	ssyncadd.s32 $0xFFFFC000  }
0x39: {  	s29 =	simm.s32 $0x0;
	[bflag:$0x0] =	sbarrier.arrive $0xFFFF  }
0x3a: {  	[tilespmem:s29], [sflag:$0x2] =	stream.linear.gather [hbm4b:s10+s29], $0x2780, $0x38;
	[tilespmem:$0x1D000] =	vst v63  }
0x3b: {  	_ =	swait.ge [sflag:s19], $0x2780  }
0x3c: {  	[sflag:s19] =	ssyncset.done $0x0  }
0x3d: {  	[sflag:s19] =	ssyncadd.s32 $0xFFFFD880  }
0x3e: {  	[tilespmem:s20], [sflag:$0x2] =	stream.linear.gather [hbm4b:s11+s29], $0x2780, $0x38;
	[tilespmem:$0x1D000] =	vst v63  }
0x3f: {  	_ =	swait.ge [sflag:s19], $0x2780  }
0x40: {  	[sflag:s19] =	ssyncset.done $0x0  }
0x41: {  	s30 =	simm.s32 $0x0;
	[sflag:s19] =	ssyncadd.s32 $0xFFFFD880  }
0x42: {  	[tilespmem:s18], [sflag:$0x1] =	stream.indirect.gather [hbm4b:s4+s21], $0x80, s30, s21, $0xb8;
	[tilespmem:$0x1D000] =	vst v63  }
0x43: {  	_ =	swait.ge [sflag:s22], $0x4000  }
0x44: {  	[sflag:s22] =	ssyncset.done $0x0  }
0x45: {  	s31 =	simm.s32 $0x2800;
	[sflag:s22] =	ssyncadd.s32 $0xFFFFC000  }
0x46: {  	[spmem:s2] =	stream.indirect.scatter.add.f32 [tilespmem:s18], [sflag:$0x2], $0x80, s31, s21, $0xb8;
	[tilespmem:$0x1D000] =	vst v63  }
0x47: {  	_ =	swait.ge [sflag:s19], $0x4000  }
0x48: {  	s23 =	simm.s32 $0x200;
	s24 =	simm.s32 $0x400;
	[sflag:s19] =	ssyncset.done $0x0  }
.LBB2_4:
0x49: {  	s25 =	sshra.s32 s23, $0x2  }
0x4a: {  	[sflag:s19] =	ssyncadd.s32 $0xFFFFC000;
	s23 =	smov.u32 s24;
	s26 =	sadd.s32 $0x200, s24  }
0x4b: {  	[tilespmem:s18], [sflag:$0x1] =	stream.indirect.gather [hbm4b:s4+s21], $0x80, s25, s21, $0xb8;
	[tilespmem:$0x1D000] =	vst v63  }
0x4c: {  	p0 =	sne.s32 s24, $0x9C00;
	_ =	swait.ge [sflag:s22], $0x4000  }
.Ltmp1:
0x4d: {  	[sflag:s22] =	ssyncset.done $0x0;
	(pc) =	sbr.rel @p0 .LBB2_4-.Ltmp1, $4  }
0x4e: {  	s24 =	sadd.s32 $0x2800, s25;
	[sflag:s22] =	ssyncadd.s32 $0xFFFFC000  }
0x4f: {  	[spmem:s2] =	stream.indirect.scatter.add.f32 [tilespmem:s18], [sflag:$0x2], $0x80, s24, s21, $0xb8;
	[tilespmem:$0x1D000] =	vst v63  }
0x50: {  	_ =	swait.ge [sflag:s19], $0x4000  }
0x51: {  	s24 =	smov.u32 s26;
	[sflag:s19] =	ssyncset.done $0x0  }
0x52: {  	s23 =	sshra.s32 s23, $0x2;
	[sflag:s19] =	ssyncadd.s32 $0xFFFFC000  }
0x53: {  	[tilespmem:s18], [sflag:$0x1] =	stream.indirect.gather [hbm4b:s4+s21], $0x80, s23, s21, $0xb8;
	[tilespmem:$0x1D000] =	vst v63  }
0x54: {  	_ =	swait.ge [sflag:s22], $0x4000  }
0x55: {  	[sflag:s22] =	ssyncset.done $0x0  }
0x56: {  	s23 =	sadd.s32 $0x2800, s23;
	[sflag:s22] =	ssyncadd.s32 $0xFFFFC000  }
0x57: {  	[spmem:s2] =	stream.indirect.scatter.add.f32 [tilespmem:s18], [sflag:$0x2], $0x80, s23, s21, $0xb8;
	[tilespmem:$0x1D000] =	vst v63  }
0x58: {  	_ =	swait.ge [sflag:s19], $0x4000  }
0x59: {  	[sflag:s19] =	ssyncset.done $0x0  }
0x5a: {  	s26 =	sshll.u32 s0, $0x6;
	[sflag:s19] =	ssyncadd.s32 $0xFFFFC000  }
0x5b: {  	s24 =	sshrl.u32 s5, $0x3;
	s23 =	sor.u32 $0x1C02, s26;
	[bflag:$0x0] =	sbarrier.arrive $0xFFFF  }
0x5c: {  	[hbm:s12], [sflag:s23] =	dma.local [spmem:s24], $0x800  }
0x5d: {  	_ =	swait.ge [sflag:s19], $0x800  }
0x5e: {  	[sflag:s19] =	ssyncset.done $0x0  }
0x5f: {  	s28 =	sshrl.u32 s6, $0x3;
	[sflag:s19] =	ssyncadd.s32 $0xFFFFF800  }
0x60: {  	[hbm:s13], [sflag:s23] =	dma.local [spmem:s28], $0x800  }
0x61: {  	_ =	swait.ge [sflag:s19], $0x800  }
0x62: {  	[sflag:s19] =	ssyncset.done $0x0  }
0x63: {  	s29 =	sshrl.u32 s7, $0x3;
	[sflag:s19] =	ssyncadd.s32 $0xFFFFF800  }
0x64: {  	[hbm:s14], [sflag:s23] =	dma.local [spmem:s29], $0x800  }
0x65: {  	_ =	swait.ge [sflag:s19], $0x800  }
0x66: {  	[sflag:s19] =	ssyncset.done $0x0  }
0x67: {  	s30 =	sshrl.u32 s8, $0x3;
	[sflag:s19] =	ssyncadd.s32 $0xFFFFF800  }
0x68: {  	[hbm:s15], [sflag:s23] =	dma.local [spmem:s30], $0x800  }
0x69: {  	s3 =	sadd.s32 $0x1, s3;
	_ =	swait.ge [sflag:s19], $0x800  }
0x6a: {  	p0 =	sne.s32 s3, s17;
	[sflag:s19] =	ssyncset.done $0x0  }
.Ltmp2:
0x6b: {  	s31 =	sshrl.u32 s9, $0x3;
	[sflag:s19] =	ssyncadd.s32 $0xFFFFF800;
	(pc) =	sbr.rel @p0 .LBB2_1-.Ltmp2, $4  }
0x6c: {  	[hbm:s16], [sflag:s23] =	dma.local [spmem:s31], $0x800  }
0x6d: {  	_ =	swait.ge [sflag:s19], $0x800  }
0x6e: {  	[sflag:s19] =	ssyncset.done $0x0  }
0x6f: {  	[sflag:s19] =	ssyncadd.s32 $0xFFFFF800  }
0x70: {  	_ =	sfence.sel $0x180000  }
0x71: {  	[bflag:$0x0] =	sbarrier.arrive $0xFFFF  }
0x72: {  	p0 =	sne.s32 s0, $0x0;
	_ =	strace $0x90000050  }
0x73: {  	s0 =	sadd.s32 @!p0 $0x100000, s1;
	[bflag:$0x2] =	sbarrier.arrive $0xFFFF  }
0x74: {  	[sflag:s0] =	ssyncadd.tile.s32 @!p0 $0x1;
	_ =	shalt  }
.Lfunc_end2:
_tile_overlayer_lowered:
.L_overlay_start_2:
0x75: {  	(tag) =	ssettag $0x2  }
0x76: {  	s0 =	rddreg [dreg:$0x0];
	s2 =	stileid.u32  }
0x77: {  	s1 =	rddreg [dreg:$0x1];
	p0 =	sne.s32 s2, $0x0  }
0x78: {  	s3 =	rddreg [dreg:$0x2];
	[bflag:$0x3] =	sbarrier.arrive $0xFFFF;
	s2 =	simm.s32 @!p0 $0x1C02  }
0x79: {  	[timem:s3], [sflag:s2] =	dma.local @!p0 [hbm:s0], s1  }
0x7a: {  	s0 =	simm.s32 @!p0 $0x2  }
0x7b: {  	_ =	swait.ge @!p0 [sflag:s0], s1  }
0x7c: {  	s1 =	ssub.s32 @!p0 $0x0, s1;
	[sflag:s0] =	ssyncset.done @!p0 $0x0  }
0x7d: {  	[sflag:s0] =	ssyncadd.s32 @!p0 s1  }
0x7e: {  	[bflag:$0x3] =	sbarrier.arrive $0xFFFF  }
0x7f: {  	_ =	shalt  }

// kernel: kernel.24.cloned.1.call-start
scs
__scs_entry_jumppad:
0x0: {  	(pc) =	sbr.rel $0x88, $3  }
0x1: {  	(tag) =	ssettag $0x0;
	lr =	simm.s32 $0x1  }
0x2: {  	[smem:$0x3F86] =	sst lr;
	_ =	strace $0xD0000000  }
0x3: {  	_ = 	snop  }
0x4: {  	_ = 	snop  }
0x5: {  	_ = 	snop  }
0x6: {  	_ = 	snop  }
0x7: {  	_ = 	snop  }
__scs_overlays_trampoline_lowered:
0x8: {  	[smem:$0x3F95] =	sst s0  }
0x9: {  	[smem:$0x3F96] =	sst s1  }
0xa: {  	[smem:$0x3F97] =	sst s2  }
0xb: {  	[smem:$0x3F98] =	sst s3  }
0xc: {  	[smem:$0x3F99] =	sst s4  }
0xd: {  	[smem:$0x3F9A] =	sst s5  }
0xe: {  	[smem:$0x3F9B] =	sst s6  }
0xf: {  	[smem:$0x3F9C] =	sst s7  }
0x10: {  	[smem:$0x3F9D] =	sst s8  }
0x11: {  	[smem:$0x3F9E] =	sst s9;
	s0 =	simm.s32 @!p0 $0x0  }
0x12: {  	s1 =	sld [smem:$0x3F84];
	s0 =	simm.s32 @p0 $0x1  }
0x13: {  	[smem:$0x3F9F] =	sst s0;
	s0 =	simm.s32 @!p1 $0x0  }
0x14: {  	s2 =	sld [smem:$0x3F83];
	s0 =	simm.s32 @p1 $0x1  }
0x15: {  	[smem:$0x3FA0] =	sst s0;
	s0 =	simm.s32 @!p2 $0x0  }
0x16: {  	s3 =	sld [smem:$0x3FDB];
	s0 =	simm.s32 @p2 $0x1  }
0x17: {  	s4 =	simm.s32 $0x1BF5;
	[smem:$0x3FA2] =	sst s0  }
0x18: {  	s0 =	sld [smem:$0x3F85];
	_ =	swait.ge [sflag:s4], $0x0  }
0x19: {  	s7 =	sld [smem:$0x3F86]  }
0x1a: {  	s8 =	sadd.s32 $0xFFFFE003, lr  }
0x1b: {  	s9 =	sadd.s32 $0xFFFFFEF7, lr;
	s5 =	simm.s32 $0xFFFFFFFF;
	p2 =	slt.u32 s8, $0xFFFFF086  }
0x1c: {  	p1 =	slt.u32 s9, $0xF7A;
	s5 =	simm.s32 @!p2 $0x0  }
0x1d: {  	s5 =	simm.s32 @p1 $0x1;
	p0 =	seq.s32 s7, s2  }
0x1e: {  	s7 =	smul.u32 @!p0 $0xF7A, s2;
	p2 =	seq.s32 @!p0 s5, $0x0  }
0x1f: {  	s9 =	smul.u32 $0xF7A, s1;
	s8 =	simm.s32 @!p0 $0x1BF5;
	p2 =	por !p2, p0  }
0x20: {  	[sflag:s8] =	ssyncset.s32 @!p0 $0xFFFFF086;
	s6 =	sadd.s32 @!p0 s3, s7;
	s7 =	simm.s32 @!p0 $0x108  }
0x21: {  	s3 =	sadd.s32 s3, s9;
	s6 =	sadd.s32 @!p0 $0x88, s6;
	s7 =	simm.s32 @p2 $0x1082  }
0x22: {  	[simem:s7], [sflag:s8] =	dma.local @!p0 [hbm:s6], $0xF7A  }
0x23: {  	s9 =	sor.u32 $0xD0000000, s2;
	s6 =	simm.s32 $0x108;
	_ =	swait.ge @!p0 [sflag:s8], $0x0  }
0x24: {  	s3 =	sadd.s32 $0x88, s3;
	s6 =	simm.s32 @!p1 $0x1082;
	[sflag:s4] =	ssyncset.s32 $0xFFFFF086  }
0x25: {  	[simem:s6], [sflag:s4] =	dma.local [hbm:s3], $0xF7A  }
0x26: {  	[smem:$0x3F86] =	sst s1;
	(tag) =	ssettag s2;
	_ =	strace s9  }
0x27: {  	s1 =	sld [smem:$0x3F96]  }
0x28: {  	s2 =	sld [smem:$0x3F97]  }
0x29: {  	s4 =	sld [smem:$0x3F99]  }
0x2a: {  	p0 =	seq.s32 s5, $0x0;
	s5 =	sld [smem:$0x3F9A]  }
0x2b: {  	s6 =	sld [smem:$0x3F9B]  }
0x2c: {  	s7 =	sld [smem:$0x3F9C]  }
0x2d: {  	s3 =	simm.s32 $0x108;
	s8 =	sld [smem:$0x3F9D]  }
0x2e: {  	s3 =	simm.s32 @!p0 $0x1082;
	s9 =	sld [smem:$0x3F9E]  }
0x2f: {  	lr =	sadd.s32 s0, s3;
	s0 =	sld [smem:$0x3F95]  }
0x30: {  	s3 =	sld [smem:$0x3F98]  }
0x31: {  	[smem:$0x3FA1] =	sst s10  }
0x32: {  	s10 =	sld [smem:$0x3F9F];
	_ =	sdelay $0x3  }
0x33: {  	p0 =	seq.s32 s10, $0x1;
	s10 =	sld [smem:$0x3FA1];
	_ =	sdelay $0x3  }
0x34: {  	[smem:$0x3FA1] =	sst s10  }
0x35: {  	s10 =	sld [smem:$0x3FA0];
	_ =	sdelay $0x3  }
0x36: {  	p1 =	seq.s32 s10, $0x1;
	s10 =	sld [smem:$0x3FA1];
	_ =	sdelay $0x3  }
0x37: {  	[smem:$0x3FA1] =	sst s10  }
0x38: {  	s10 =	sld [smem:$0x3FA2]  }
0x39: {  	_ = 	snop;
	(pc) =	sbr.ind lr, $3  }
0x3a: {  	_ = 	snop  }
0x3b: {  	_ = 	snop  }
0x3c: {  	p2 =	seq.s32 s10, $0x1;
	s10 =	sld [smem:$0x3FA1]  }
0x3d: {  	_ =	shalt  }
0x3e: {  	_ =	shalt  }
0x3f: {  	_ =	shalt  }
0x40: {  	_ =	shalt  }
0x41: {  	_ =	shalt  }
0x42: {  	_ =	shalt  }
0x43: {  	_ =	shalt  }
0x44: {  	_ =	shalt  }
0x45: {  	_ =	shalt  }
0x46: {  	_ =	shalt  }
0x47: {  	_ =	shalt  }
0x48: {  	_ =	shalt  }
0x49: {  	_ =	shalt  }
0x4a: {  	_ =	shalt  }
0x4b: {  	_ =	shalt  }
0x4c: {  	_ =	shalt  }
0x4d: {  	_ =	shalt  }
0x4e: {  	_ =	shalt  }
0x4f: {  	_ =	shalt  }
0x50: {  	_ =	shalt  }
0x51: {  	_ =	shalt  }
0x52: {  	_ =	shalt  }
0x53: {  	_ =	shalt  }
0x54: {  	_ =	shalt  }
0x55: {  	_ =	shalt  }
0x56: {  	_ =	shalt  }
0x57: {  	_ =	shalt  }
0x58: {  	_ =	shalt  }
0x59: {  	_ =	shalt  }
0x5a: {  	_ =	shalt  }
0x5b: {  	_ =	shalt  }
0x5c: {  	_ =	shalt  }
0x5d: {  	_ =	shalt  }
0x5e: {  	_ =	shalt  }
0x5f: {  	_ =	shalt  }
0x60: {  	_ =	shalt  }
0x61: {  	_ =	shalt  }
0x62: {  	_ =	shalt  }
0x63: {  	_ =	shalt  }
0x64: {  	_ =	shalt  }
0x65: {  	_ =	shalt  }
0x66: {  	_ =	shalt  }
0x67: {  	_ =	shalt  }
0x68: {  	_ =	shalt  }
0x69: {  	_ =	shalt  }
0x6a: {  	_ =	shalt  }
0x6b: {  	_ =	shalt  }
0x6c: {  	_ =	shalt  }
0x6d: {  	_ =	shalt  }
0x6e: {  	_ =	shalt  }
0x6f: {  	_ =	shalt  }
0x70: {  	_ =	shalt  }
0x71: {  	_ =	shalt  }
0x72: {  	_ =	shalt  }
0x73: {  	_ =	shalt  }
0x74: {  	_ =	shalt  }
0x75: {  	_ =	shalt  }
0x76: {  	_ =	shalt  }
0x77: {  	_ =	shalt  }
0x78: {  	_ =	shalt  }
0x79: {  	_ =	shalt  }
0x7a: {  	_ =	shalt  }
0x7b: {  	_ =	shalt  }
0x7c: {  	_ =	shalt  }
0x7d: {  	_ =	shalt  }
0x7e: {  	_ =	shalt  }
0x7f: {  	_ =	shalt  }
0x80: {  	_ =	shalt  }
0x81: {  	_ =	shalt  }
0x82: {  	_ =	shalt  }
0x83: {  	_ =	shalt  }
0x84: {  	_ =	shalt  }
0x85: {  	_ =	shalt  }
0x86: {  	_ =	shalt  }
0x87: {  	_ =	shalt  }
.Lfunc_end0:
.L_simem_size_0:
called_computation.4_lowered:
.L_overlay_start_0:
0x88: {  	s2 =	sld [smem:$0x3FD9]  }
0x89: {  	s3 =	sld [smem:$0x3FFE];
	_ =	sdelay $0x1  }
0x8a: {  	s1 =	srdreg.scid  }
0x8b: {  	s0 =	sand.u32 $0x1, s1  }
0x8c: {  	s16 =	sshll.u32 s0, $0xA;
	s2 =	sadd.s32 s3, s2  }
0x8d: {  	s2 =	sadd.s32 s2, s16  }
0x8e: {  	[smem:$0x3FAD] =	sst s2  }
0x8f: {  	_ = 	snop  }
0x90: {  	(tm) =	ssettm $0x1  }
0x91: {  	s17 =	sld [smem:$0x3FFB];
	_ =	sdelay $0x3  }
0x92: {  	_ =	strace s17  }
0x93: {  	s2 =	sld [smem:$0x3FFC];
	_ =	sdelay $0x3  }
0x94: {  	_ =	strace s2  }
0x95: {  	s2 =	sld [smem:$0x3FFD];
	_ =	sdelay $0x3  }
0x96: {  	_ =	strace s2  }
0x97: {  	_ =	strace $0x8FFFFFFF  }
0x98: {  	s18 =	sld [smem:$0x3FDB];
	_ =	sdelay $0x1  }
0x99: {  	s19 =	simm.s32 $_scs_section_size  }
0x9a: {  	s4 =	simm.s32 $_size__tile_overlayer_lowered;
	s5 =	simm.s32 $_tile_overlayer_lowered  }
0x9b: {  	s22 =	simm.s32 $0x1BFF;
	s21 =	sshll.u32 s5, $0x1;
	s2 =	sadd.s32 s19, s18  }
0x9c: {  	s6 =	simm.s32 $0x0;
	s20 =	sshll.u32 s4, $0x1;
	s4 =	sadd.s32 s21, s2  }
0x9d: {  	[timem:s6], [sflag:s22] =	dma.local [hbm:s4], s20  }
0x9e: {  	_ =	swait.ge [sflag:s22], s20  }
0x9f: {  	s3 =	ssub.s32 $0x0, s20;
	[sflag:s22] =	ssyncset.done $0x0  }
0xa0: {  	[sflag:s22] =	ssyncadd.s32 s3;
	_ =	sdelay $0x1  }
0xa1: {  	s23 =	simm.s32 $0x1B8B  }
0xa2: {  	_ =	swait.ge [sflag:s23], $0x1  }
0xa3: {  	[sflag:s23] =	ssyncset.done $0x0  }
0xa4: {  	s25 =	simm.s32 $0x1B8E;
	s24 =	sld [smem:$0x3FFE];
	[sflag:s23] =	ssyncadd.s32 $0xFFFFFFFF  }
0xa5: {  	s26 =	simm.s32 $execute0_lowered;
	[smem:$0x3FD2] =	sst s25  }
0xa6: {  	s4 =	sshll.u32 s26, $0x1;
	_ =	strace $0x80000052;
	[dreg:$0x1] =	wrdreg $0xFFFFFFFF  }
0xa7: {  	s28 =	simm.s32 $_size_execute0_lowered;
	s2 =	sadd.s32 s2, s4;
	[dreg:$0x0] =	wrdreg $0x0  }
0xa8: {  	s4 =	sshll.u32 s28, $0x1;
	[dreg:$0x2] =	wrdreg s2  }
0xa9: {  	[dreg:$0x3] =	wrdreg s4  }
0xaa: {  	[dreg:$0x4] =	wrdreg $0xC0  }
0xab: {  	_ =	task [dreg:s6], $0x5FFFF  }
0xac: {  	[dreg:$0x1] =	wrdreg $0xFFFFFFFF  }
0xad: {  	[dreg:$0x0] =	wrdreg $0x60  }
0xae: {  	[dreg:$0x2] =	wrdreg s24  }
0xaf: {  	[dreg:$0x3] =	wrdreg $0x90000  }
0xb0: {  	[dreg:$0x4] =	wrdreg $0x9  }
0xb1: {  	_ =	task.clear_ibuf [dreg:s6], $0x5FFFF;
	_ =	strace $0x90000052  }
0xb2: {  	s29 =	simm.s32 $0x9;
	_ =	strace $0x80000054  }
0xb3: {  	_ =	swait.ge [sflag:s29], $0x1  }
0xb4: {  	[sflag:s29] =	ssyncadd.s32 $0xFFFFFFFF  }
0xb5: {  	_ =	strace $0x90000054  }
0xb6: {  	_ =	sfence  }
0xb7: {  	s30 =	sld [smem:$0x0];
	_ =	sdelay $0x2  }
0xb8: {  	s31 =	sshll.u32 s1, $0xD;
	s1 =	sshrl.u32 s1, $0x2  }
0xb9: {  	s3 =	sand.u32 $0x4000, s31;
	s1 =	sadd.s32 s1, s30  }
0xba: {  	s0 =	sor.u32 s3, s0;
	s1 =	sshll.u32 s1, $0x11  }
0xbb: {  	s0 =	sor.u32 s1, s0  }
0xbc: {  	s0 =	sadd.s32 $0x8F2B, s0  }
0xbd: {  	[sflag:s0] =	ssyncadd.remote.s32 $0x1  }
0xbe: {  	_ =	sfence.sel $0xFFFF  }
0xbf: {  	[dreg:$0x0] =	wrdreg $0xFFFFFFFF;
	(pc) =	sbr.abs _section_cstart, $3  }
0xc0: {  	[dreg:$0x1] =	wrdreg $0xFFFFFFFF  }
0xc1: {  	_ =	task.clear_ibuf [dreg:s6], $0x2FFFF;
	_ =	strace $0x9FFFFFFF  }
0xc2: {  	(tm) =	ssettm $0x7FFFFFFF  }
0xc3: {  	_ =	shalt  }
tec
execute0_lowered:
.L_overlay_start_1:
0x0: {  	(tag) =	ssettag $0x1  }
0x1: {  	s1 =	srdreg.scid  }
0x2: {  	s0 =	stileid.u32;
	s5 =	rddreg [dreg:$0x0]  }
0x3: {  	s2 =	rddreg [dreg:$0x1];
	s3 =	simm.s32 $0x0;
	s21 =	simm.s32 $0x80  }
0x4: {  	s22 =	simm.s32 $0x1;
	s7 =	sand.u32 $0x1, s1;
	s1 =	rddreg [dreg:$0x2]  }
0x5: {  	s29 =	sshll.u32 s0, $0x1;
	[smem:$0x7FF] =	sst s3;
	s8 =	smul.u32 $0x50000, s0  }
0x6: {  	s10 =	smul.u32 $0x14000, s0;
	s16 =	sadd.s32 $0x92200, s5;
	s4 =	sor.u32 s7, s29  }
0x7: {  	_ =	strace $0x80000053;
	s30 =	ssub.s32 $0x2, s7;
	s18 =	smul.u32 $0x140000, s7  }
0x8: {  	s6 =	smul.u32 $0x500, s4;
	s4 =	sadd.s32 $0x1A200, s5;
	s31 =	sshrl.u32 s30, $0x1  }
0x9: {  	s8 =	sshrl.u32 s8, $0x2;
	s12 =	sadd.s32 $0x4000, s10;
	s14 =	sadd.s32 $0x8000, s10  }
0xa: {  	s15 =	sadd.s32 $0xC000, s10;
	s19 =	sadd.s32 $0x10000, s10;
	s17 =	ssub.s32 s30, s31  }
0xb: {  	s7 =	sadd.s32 s14, s2;
	s9 =	sadd.s32 s19, s2;
	s13 =	sadd.s32 s10, s18  }
0xc: {  	s14 =	sadd.s32 s18, s14;
	s11 =	sadd.s32 s6, s5;
	s5 =	sadd.s32 s8, s2  }
0xd: {  	s6 =	sadd.s32 s12, s2;
	s8 =	sadd.s32 s15, s2;
	s12 =	sadd.s32 s18, s12  }
0xe: {  	s13 =	sshrl.u32 s13, $0x3;
	s15 =	sadd.s32 s18, s15;
	s18 =	sadd.s32 s18, s19  }
0xf: {  	s14 =	sshrl.u32 s14, $0x3;
	s17 =	smax.u32 s17, $0x1;
	s19 =	simm.s32 $0x2  }
0x10: {  	s10 =	sadd.s32 $0x6200, s11;
	s20 =	sshrl.u32 s12, $0x3;
	s11 =	sadd.s32 $0x10200, s11  }
0x11: {  	s12 =	sadd.s32 s16, s13;
	s15 =	sshrl.u32 s15, $0x3;
	s18 =	sshrl.u32 s18, $0x3  }
0x12: {  	s14 =	sadd.s32 s16, s14;
	s13 =	sadd.s32 s16, s20;
	s15 =	sadd.s32 s16, s15  }
0x13: {  	v0 =	vimm.f32 $0.0e+00;
	s16 =	sadd.s32 s16, s18;
	s18 =	simm.s32 $0x5000;
	s20 =	simm.s32 $0x2800  }
.LBB2_1:
0x14: {  	s23 =	simm.s32 $0x0;
	s24 =	simm.s32 $0x200  }
.LBB2_2:
0x15: {  	p0 =	sne.s32 s24, $0xFE00;
	[tilespmem:s23+$0x5070] =	vst v0  }
0x16: {  	[tilespmem:s23+$0x5000] =	vst v0  }
0x17: {  	[tilespmem:s23+$0x5010] =	vst v0  }
.Ltmp0:
0x18: {  	[tilespmem:s23+$0x5020] =	vst v0;
	(pc) =	sbr.rel @p0 .LBB2_2-.Ltmp0, $4  }
0x19: {  	[tilespmem:s23+$0x5030] =	vst v0  }
0x1a: {  	[tilespmem:s23+$0x5040] =	vst v0  }
0x1b: {  	[tilespmem:s23+$0x5050] =	vst v0  }
0x1c: {  	[tilespmem:s23+$0x5060] =	vst v0;
	s23 =	sshra.s32 s24, $0x2;
	s24 =	sadd.s32 $0x200, s24  }
0x1d: {  	[tilespmem:s23+$0x5070] =	vst v0  }
0x1e: {  	[tilespmem:s23+$0x5000] =	vst v0  }
0x1f: {  	[tilespmem:s23+$0x5010] =	vst v0  }
0x20: {  	[tilespmem:s23+$0x5020] =	vst v0  }
0x21: {  	[tilespmem:s23+$0x5030] =	vst v0  }
0x22: {  	[tilespmem:s23+$0x5040] =	vst v0  }
0x23: {  	[tilespmem:s23+$0x5050] =	vst v0  }
0x24: {  	[tilespmem:s23+$0x5060] =	vst v0  }
0x25: {  	[spmem:s5] =	stream.linear.scatter [tilespmem:s18], [sflag:$0x2], $0x4000, $0x38;
	[tilespmem:$0x1D000] =	vst v63  }
0x26: {  	_ =	swait.ge [sflag:s19], $0x4000  }
0x27: {  	[sflag:s19] =	ssyncset.done $0x0  }
0x28: {  	[sflag:s19] =	ssyncadd.s32 $0xFFFFC000  }
0x29: {  	[spmem:s6] =	stream.linear.scatter [tilespmem:s18], [sflag:$0x2], $0x4000, $0x38;
	[tilespmem:$0x1D000] =	vst v63  }
0x2a: {  	_ =	swait.ge [sflag:s19], $0x4000  }
0x2b: {  	[sflag:s19] =	ssyncset.done $0x0  }
0x2c: {  	[sflag:s19] =	ssyncadd.s32 $0xFFFFC000  }
0x2d: {  	[spmem:s7] =	stream.linear.scatter [tilespmem:s18], [sflag:$0x2], $0x4000, $0x38;
	[tilespmem:$0x1D000] =	vst v63  }
0x2e: {  	_ =	swait.ge [sflag:s19], $0x4000  }
0x2f: {  	[sflag:s19] =	ssyncset.done $0x0  }
0x30: {  	[sflag:s19] =	ssyncadd.s32 $0xFFFFC000  }
0x31: {  	[spmem:s8] =	stream.linear.scatter [tilespmem:s18], [sflag:$0x2], $0x4000, $0x38;
	[tilespmem:$0x1D000] =	vst v63  }
0x32: {  	_ =	swait.ge [sflag:s19], $0x4000  }
0x33: {  	[sflag:s19] =	ssyncset.done $0x0  }
0x34: {  	[sflag:s19] =	ssyncadd.s32 $0xFFFFC000  }
0x35: {  	[spmem:s9] =	stream.linear.scatter [tilespmem:s18], [sflag:$0x2], $0x4000, $0x38;
	[tilespmem:$0x1D000] =	vst v63  }
0x36: {  	_ =	swait.ge [sflag:s19], $0x4000  }
0x37: {  	[sflag:s19] =	ssyncset.done $0x0  }
0x38: {  	[sflag:s19] =	ssyncadd.s32 $0xFFFFC000  }
0x39: {  	s29 =	simm.s32 $0x0;
	[bflag:$0x0] =	sbarrier.arrive $0xFFFF  }
0x3a: {  	[tilespmem:s29], [sflag:$0x2] =	stream.linear.gather [hbm4b:s10+s29], $0x2780, $0x38;
	[tilespmem:$0x1D000] =	vst v63  }
0x3b: {  	_ =	swait.ge [sflag:s19], $0x2780  }
0x3c: {  	[sflag:s19] =	ssyncset.done $0x0  }
0x3d: {  	[sflag:s19] =	ssyncadd.s32 $0xFFFFD880  }
0x3e: {  	[tilespmem:s20], [sflag:$0x2] =	stream.linear.gather [hbm4b:s11+s29], $0x2780, $0x38;
	[tilespmem:$0x1D000] =	vst v63  }
0x3f: {  	_ =	swait.ge [sflag:s19], $0x2780  }
0x40: {  	[sflag:s19] =	ssyncset.done $0x0  }
0x41: {  	s30 =	simm.s32 $0x0;
	[sflag:s19] =	ssyncadd.s32 $0xFFFFD880  }
0x42: {  	[tilespmem:s18], [sflag:$0x1] =	stream.indirect.gather [hbm4b:s4+s21], $0x80, s30, s21, $0xb8;
	[tilespmem:$0x1D000] =	vst v63  }
0x43: {  	_ =	swait.ge [sflag:s22], $0x4000  }
0x44: {  	[sflag:s22] =	ssyncset.done $0x0  }
0x45: {  	s31 =	simm.s32 $0x2800;
	[sflag:s22] =	ssyncadd.s32 $0xFFFFC000  }
0x46: {  	[spmem:s2] =	stream.indirect.scatter.add.f32 [tilespmem:s18], [sflag:$0x2], $0x80, s31, s21, $0xb8;
	[tilespmem:$0x1D000] =	vst v63  }
0x47: {  	_ =	swait.ge [sflag:s19], $0x4000  }
0x48: {  	s23 =	simm.s32 $0x200;
	s24 =	simm.s32 $0x400;
	[sflag:s19] =	ssyncset.done $0x0  }
.LBB2_4:
0x49: {  	s25 =	sshra.s32 s23, $0x2  }
0x4a: {  	[sflag:s19] =	ssyncadd.s32 $0xFFFFC000;
	s23 =	smov.u32 s24;
	s26 =	sadd.s32 $0x200, s24  }
0x4b: {  	[tilespmem:s18], [sflag:$0x1] =	stream.indirect.gather [hbm4b:s4+s21], $0x80, s25, s21, $0xb8;
	[tilespmem:$0x1D000] =	vst v63  }
0x4c: {  	p0 =	sne.s32 s24, $0x9C00;
	_ =	swait.ge [sflag:s22], $0x4000  }
.Ltmp1:
0x4d: {  	[sflag:s22] =	ssyncset.done $0x0;
	(pc) =	sbr.rel @p0 .LBB2_4-.Ltmp1, $4  }
0x4e: {  	s24 =	sadd.s32 $0x2800, s25;
	[sflag:s22] =	ssyncadd.s32 $0xFFFFC000  }
0x4f: {  	[spmem:s2] =	stream.indirect.scatter.add.f32 [tilespmem:s18], [sflag:$0x2], $0x80, s24, s21, $0xb8;
	[tilespmem:$0x1D000] =	vst v63  }
0x50: {  	_ =	swait.ge [sflag:s19], $0x4000  }
0x51: {  	s24 =	smov.u32 s26;
	[sflag:s19] =	ssyncset.done $0x0  }
0x52: {  	s23 =	sshra.s32 s23, $0x2;
	[sflag:s19] =	ssyncadd.s32 $0xFFFFC000  }
0x53: {  	[tilespmem:s18], [sflag:$0x1] =	stream.indirect.gather [hbm4b:s4+s21], $0x80, s23, s21, $0xb8;
	[tilespmem:$0x1D000] =	vst v63  }
0x54: {  	_ =	swait.ge [sflag:s22], $0x4000  }
0x55: {  	[sflag:s22] =	ssyncset.done $0x0  }
0x56: {  	s23 =	sadd.s32 $0x2800, s23;
	[sflag:s22] =	ssyncadd.s32 $0xFFFFC000  }
0x57: {  	[spmem:s2] =	stream.indirect.scatter.add.f32 [tilespmem:s18], [sflag:$0x2], $0x80, s23, s21, $0xb8;
	[tilespmem:$0x1D000] =	vst v63  }
0x58: {  	_ =	swait.ge [sflag:s19], $0x4000  }
0x59: {  	[sflag:s19] =	ssyncset.done $0x0  }
0x5a: {  	s26 =	sshll.u32 s0, $0x6;
	[sflag:s19] =	ssyncadd.s32 $0xFFFFC000  }
0x5b: {  	s24 =	sshrl.u32 s5, $0x3;
	s23 =	sor.u32 $0x1C02, s26;
	[bflag:$0x0] =	sbarrier.arrive $0xFFFF  }
0x5c: {  	[hbm:s12], [sflag:s23] =	dma.local [spmem:s24], $0x800  }
0x5d: {  	_ =	swait.ge [sflag:s19], $0x800  }
0x5e: {  	[sflag:s19] =	ssyncset.done $0x0  }
0x5f: {  	s28 =	sshrl.u32 s6, $0x3;
	[sflag:s19] =	ssyncadd.s32 $0xFFFFF800  }
0x60: {  	[hbm:s13], [sflag:s23] =	dma.local [spmem:s28], $0x800  }
0x61: {  	_ =	swait.ge [sflag:s19], $0x800  }
0x62: {  	[sflag:s19] =	ssyncset.done $0x0  }
0x63: {  	s29 =	sshrl.u32 s7, $0x3;
	[sflag:s19] =	ssyncadd.s32 $0xFFFFF800  }
0x64: {  	[hbm:s14], [sflag:s23] =	dma.local [spmem:s29], $0x800  }
0x65: {  	_ =	swait.ge [sflag:s19], $0x800  }
0x66: {  	[sflag:s19] =	ssyncset.done $0x0  }
0x67: {  	s30 =	sshrl.u32 s8, $0x3;
	[sflag:s19] =	ssyncadd.s32 $0xFFFFF800  }
0x68: {  	[hbm:s15], [sflag:s23] =	dma.local [spmem:s30], $0x800  }
0x69: {  	s3 =	sadd.s32 $0x1, s3;
	_ =	swait.ge [sflag:s19], $0x800  }
0x6a: {  	p0 =	sne.s32 s3, s17;
	[sflag:s19] =	ssyncset.done $0x0  }
.Ltmp2:
0x6b: {  	s31 =	sshrl.u32 s9, $0x3;
	[sflag:s19] =	ssyncadd.s32 $0xFFFFF800;
	(pc) =	sbr.rel @p0 .LBB2_1-.Ltmp2, $4  }
0x6c: {  	[hbm:s16], [sflag:s23] =	dma.local [spmem:s31], $0x800  }
0x6d: {  	_ =	swait.ge [sflag:s19], $0x800  }
0x6e: {  	[sflag:s19] =	ssyncset.done $0x0  }
0x6f: {  	[sflag:s19] =	ssyncadd.s32 $0xFFFFF800  }
0x70: {  	_ =	sfence.sel $0x180000  }
0x71: {  	[bflag:$0x0] =	sbarrier.arrive $0xFFFF  }
0x72: {  	p0 =	sne.s32 s0, $0x0;
	_ =	strace $0x90000053  }
0x73: {  	s0 =	sadd.s32 @!p0 $0x100000, s1;
	[bflag:$0x2] =	sbarrier.arrive $0xFFFF  }
0x74: {  	[sflag:s0] =	ssyncadd.tile.s32 @!p0 $0x1;
	_ =	shalt  }
.Lfunc_end2:
_tile_overlayer_lowered:
.L_overlay_start_2:
0x75: {  	(tag) =	ssettag $0x2  }
0x76: {  	s0 =	rddreg [dreg:$0x0];
	s2 =	stileid.u32  }
0x77: {  	s1 =	rddreg [dreg:$0x1];
	p0 =	sne.s32 s2, $0x0  }
0x78: {  	s3 =	rddreg [dreg:$0x2];
	[bflag:$0x3] =	sbarrier.arrive $0xFFFF;
	s2 =	simm.s32 @!p0 $0x1C02  }
0x79: {  	[timem:s3], [sflag:s2] =	dma.local @!p0 [hbm:s0], s1  }
0x7a: {  	s0 =	simm.s32 @!p0 $0x2  }
0x7b: {  	_ =	swait.ge @!p0 [sflag:s0], s1  }
0x7c: {  	s1 =	ssub.s32 @!p0 $0x0, s1;
	[sflag:s0] =	ssyncset.done @!p0 $0x0  }
0x7d: {  	[sflag:s0] =	ssyncadd.s32 @!p0 s1  }
0x7e: {  	[bflag:$0x3] =	sbarrier.arrive $0xFFFF  }
0x7f: {  	_ =	shalt  }

</sc_bundles>
